<compile_context>
chip_gen: v7x
topology: tpu7x:2x2x1
jax: 0.10.2.dev20260603
libtpu: 0.0.44.dev20260713+nightly
codegen_flags: <defaults>
</compile_context>

<pallas_src>
import jax
import jax.numpy as jnp
from jax import lax
from jax.experimental import pallas as pl
from jax.experimental.pallas import tpu as pltpu
from jax.experimental.pallas import tpu_sc as plsc

_HIDDEN = 896
_CODEBOOK = 2000
_MAX_PROMPT_LEN = 128
_BATCH = 16384
_TILE = 1024

_NC = 2
_NS = 16
_NW = _NC * _NS
_B_PER_W = _BATCH // _NW
_CH = 32
_NBUF = 4
_NCH = _B_PER_W // _CH


def _tc_body(z_ref, emb_ref, mb0_ref, mb1_ref, w0_ref, w1_ref,
             idx_ref, l_ref, esq_ref):
    @pl.when(pl.program_id(0) == 0)
    def _():
        emb0 = emb_ref[...]
        esq_ref[...] = jnp.sum(emb0 * emb0, axis=1)[None, :]

    z = z_ref[...]
    emb = emb_ref[...]
    mm = jax.lax.dot_general(z, emb, (((1,), (1,)), ((), ())),
                             preferred_element_type=jnp.float32)
    zz = jnp.sum(z * z, axis=1, keepdims=True)
    dist = zz - 2.0 * mm + esq_ref[...]
    dmin = jnp.min(dist, axis=1, keepdims=True)
    col = jax.lax.broadcasted_iota(jnp.int32, (_TILE, _CODEBOOK), 1)
    idx_ref[...] = jnp.min(jnp.where(dist == dmin, col, _CODEBOOK),
                           axis=1, keepdims=True)
    l_ref[:, 0, :] = jax.lax.dot_general(
        z, w0_ref[...], (((1,), (1,)), ((), ())),
        preferred_element_type=jnp.float32) + mb0_ref[...]
    l_ref[:, 1, :] = jax.lax.dot_general(
        z, w1_ref[...], (((1,), (1,)), ((), ())),
        preferred_element_type=jnp.float32) + mb1_ref[...]


def _sc_gather_body(idx_hbm, emb_hbm, out_hbm, idx_v, rows_v, *sems):
    wid = lax.axis_index("s") * _NC + lax.axis_index("c")
    base = wid * _B_PER_W
    pltpu.sync_copy(idx_hbm.at[wid], idx_v)
    gsems = sems[:_NBUF]
    ssems = sems[_NBUF:]
    gh = [None] * _NCH
    sh = [None] * _NCH

    def _gather(j):
        return pltpu.async_copy(emb_hbm.at[idx_v.at[j]], rows_v.at[j % _NBUF],
                                gsems[j % _NBUF])

    for j in range(min(_NBUF - 1, _NCH)):
        gh[j] = _gather(j)
    for j in range(_NCH):
        nxt = j + _NBUF - 1
        if nxt < _NCH:
            if nxt - _NBUF >= 0:
                sh[nxt - _NBUF].wait()
            gh[nxt] = _gather(nxt)
        gh[j].wait()
        sh[j] = pltpu.async_copy(
            rows_v.at[j % _NBUF], out_hbm.at[pl.ds(base + j * _CH, _CH)],
            ssems[j % _NBUF])
    for j in range(max(0, _NCH - _NBUF), _NCH):
        sh[j].wait()


@jax.jit
def kernel(s2_premise_state, emb, W0, b0, W1, b1, prompt_len):
    z = s2_premise_state
    mask = jnp.where(jnp.arange(_MAX_PROMPT_LEN) < prompt_len,
                     jnp.float32(0.0), jnp.float32(-jnp.inf))
    mb0 = (b0 + mask)[None, :]
    mb1 = (b1 + mask)[None, :]
    grid = _BATCH // _TILE
    idx, ptr_logits = pl.pallas_call(
        _tc_body,
        grid=(grid,),
        in_specs=[
            pl.BlockSpec((_TILE, _HIDDEN), lambda i: (i, 0)),
            pl.BlockSpec((_CODEBOOK, _HIDDEN), lambda i: (0, 0)),
            pl.BlockSpec((1, _MAX_PROMPT_LEN), lambda i: (0, 0)),
            pl.BlockSpec((1, _MAX_PROMPT_LEN), lambda i: (0, 0)),
            pl.BlockSpec((_MAX_PROMPT_LEN, _HIDDEN), lambda i: (0, 0)),
            pl.BlockSpec((_MAX_PROMPT_LEN, _HIDDEN), lambda i: (0, 0)),
        ],
        out_specs=[
            pl.BlockSpec((_TILE, 1), lambda i: (i, 0)),
            pl.BlockSpec((_TILE, 2, _MAX_PROMPT_LEN), lambda i: (i, 0, 0)),
        ],
        out_shape=[
            jax.ShapeDtypeStruct((_BATCH, 1), jnp.int32),
            jax.ShapeDtypeStruct((_BATCH, 2, _MAX_PROMPT_LEN), jnp.float32),
        ],
        scratch_shapes=[pltpu.VMEM((1, _CODEBOOK), jnp.float32)],
    )(z, emb, mb0, mb1, W0, W1)

    gather = pl.kernel(
        _sc_gather_body,
        out_type=jax.ShapeDtypeStruct((_BATCH, _HIDDEN), jnp.float32),
        mesh=plsc.VectorSubcoreMesh(core_axis_name="c", subcore_axis_name="s"),
        scratch_types=(
            [pltpu.VMEM((_NCH, _CH), jnp.int32),
             pltpu.VMEM((_NBUF, _CH, _HIDDEN), jnp.float32)]
            + [pltpu.SemaphoreType.DMA] * (2 * _NBUF)
        ),
    )
    zq = gather(idx.reshape(_NW, _NCH, _CH), emb)
    return (zq, ptr_logits)

# --- scband reference (transcript-rebuilt; emitter-appended) ---
"""Pipeline reference for scband-m9-system1-57543971832725 (READ-ONLY COPY).

The authoritative reference and input builder live on the scoring server;
editing this copy changes nothing except your own understanding.
"""

import jax, jax.numpy as jnp
import numpy as np

HIDDEN = 896
CODEBOOK = 2000
MAX_PROMPT_LEN = 128
BATCH = 16384


def setup_inputs(seed: int = 0) -> dict:
    key = jax.random.key(seed)
    k1, k2, k3, k4, k5, k6 = jax.random.split(key, 6)
    s2_premise_state = jax.random.normal(k1, (BATCH, HIDDEN), dtype=jnp.float32)
    emb = jax.random.normal(k2, (CODEBOOK, HIDDEN), dtype=jnp.float32) * 0.02
    bound = 1.0 / np.sqrt(HIDDEN)
    W0 = jax.random.uniform(k3, (MAX_PROMPT_LEN, HIDDEN), dtype=jnp.float32, minval=-bound, maxval=bound)
    b0 = jax.random.uniform(k4, (MAX_PROMPT_LEN,), dtype=jnp.float32, minval=-bound, maxval=bound)
    W1 = jax.random.uniform(k5, (MAX_PROMPT_LEN, HIDDEN), dtype=jnp.float32, minval=-bound, maxval=bound)
    b1 = jax.random.uniform(k6, (MAX_PROMPT_LEN,), dtype=jnp.float32, minval=-bound, maxval=bound)
    return {
        "s2_premise_state": s2_premise_state,
        "emb": emb,
        "W0": W0,
        "b0": b0,
        "W1": W1,
        "b1": b1,
        "prompt_len": 100,
    }


def reference(s2_premise_state, emb, W0, b0, W1, b1, prompt_len):
    z = s2_premise_state
    # quantize: full pairwise squared distances then argmin
    dist = (
        jnp.sum(z * z, axis=1, keepdims=True)
        - 2.0 * (z @ emb.T)
        + jnp.sum(emb * emb, axis=1)[None, :]
    )
    idx = jnp.argmin(dist, axis=1)
    z_q = jnp.take(emb, idx, axis=0)
    op_state = z + jax.lax.stop_gradient(z_q - z)
    # pointer heads with prompt-length mask
    mask = jnp.where(
        jnp.arange(MAX_PROMPT_LEN) < prompt_len,
        jnp.float32(0.0),
        jnp.float32(-jnp.inf),
    )
    logits0 = z @ W0.T + b0
    logits1 = z @ W1.T + b1
    ptr_logits = jnp.stack([logits0 + mask[None, :], logits1 + mask[None, :]], axis=1)
    return (op_state, ptr_logits)

if __name__ == "__main__":
    import jax
    _d = setup_inputs()
    print(jax.jit(kernel)(*tuple(_d.values())))

</pallas_src>

<mosaic_0001>
#map = affine_map<(d0, d1) -> (0, 0, 0)>
#map1 = affine_map<(d0, d1) -> (0, 0)>
module attributes {stable_mosaic.version = 14 : i64} {
  func.func @_sc_gather_body(%arg0: i32, %arg1: i32, %arg2: memref<32x16x32xi32, #tpu.memory_space<hbm>>, %arg3: memref<2000x896xf32, #tpu.memory_space<hbm>>, %arg4: memref<16384x896xf32, #tpu.memory_space<hbm>>, %arg5: memref<16x32xi32, #tpu.memory_space<vmem>>, %arg6: memref<4x32x896xf32, #tpu.memory_space<vmem>>, %arg7: memref<!tpu.dma_semaphore, #tpu.memory_space<semaphore_mem>>, %arg8: memref<!tpu.dma_semaphore, #tpu.memory_space<semaphore_mem>>, %arg9: memref<!tpu.dma_semaphore, #tpu.memory_space<semaphore_mem>>, %arg10: memref<!tpu.dma_semaphore, #tpu.memory_space<semaphore_mem>>, %arg11: memref<!tpu.dma_semaphore, #tpu.memory_space<semaphore_mem>>, %arg12: memref<!tpu.dma_semaphore, #tpu.memory_space<semaphore_mem>>, %arg13: memref<!tpu.dma_semaphore, #tpu.memory_space<semaphore_mem>>, %arg14: memref<!tpu.dma_semaphore, #tpu.memory_space<semaphore_mem>>) attributes {dimension_semantics = [#tpu.dimension_semantics<core_parallel>, #tpu.dimension_semantics<subcore_parallel>], iteration_bounds = array<i64: 2, 16>, scalar_prefetch = 0 : i64, scratch_operands = 10 : i64, tpu.core_type = #tpu.core_type<sc_vector_subcore>, window_params = [{transform_indices = #map}, {transform_indices = #map1}, {transform_indices = #map1}]} {
    %mul3A = arith.constant 2 : i32
    %mul3A_0 = arith.muli %arg1, %mul3A : i32
    %add3A = arith.addi %mul3A_0, %arg0 : i32
    %mul3A_1 = arith.constant 512 : i32
    %mul3A_2 = arith.muli %add3A, %mul3A_1 : i32
    "tpu.region"() ({
      %run_scoped3A = tpu.sem_alloc : memref<!tpu.dma_semaphore, #tpu.memory_space<semaphore_mem>>
      %dma_start3A_833 = arith.constant 0 : i32
      %dma_start3A_834 = arith.constant 0 : i32
      %dma_start3A_835 = tpu.memref_slice %arg2[%add3A, %dma_start3A_833, %dma_start3A_834] : memref<32x16x32xi32, #tpu.memory_space<hbm>> -> memref<1x16x32xi32, #tpu.memory_space<hbm>>
      %dma_start3A_836 = tpu.memref_squeeze %dma_start3A_835 : memref<1x16x32xi32, #tpu.memory_space<hbm>> -> memref<16x32xi32, #tpu.memory_space<hbm>>
      %dma_start3A_837 = arith.constant 0 : i32
      %dma_start3A_838 = arith.constant 0 : i32
      %dma_start3A_839 = tpu.memref_slice %arg2[%add3A, %dma_start3A_837, %dma_start3A_838] : memref<32x16x32xi32, #tpu.memory_space<hbm>> -> memref<1x16x32xi32, #tpu.memory_space<hbm>>
      %dma_start3A_840 = tpu.memref_squeeze %dma_start3A_839 : memref<1x16x32xi32, #tpu.memory_space<hbm>> -> memref<16x32xi32, #tpu.memory_space<hbm>>
      tpu.enqueue_dma source(%dma_start3A_840 : memref<16x32xi32, #tpu.memory_space<hbm>>) target(%arg5 : memref<16x32xi32, #tpu.memory_space<vmem>>) target_semaphore(%run_scoped3A : memref<!tpu.dma_semaphore, #tpu.memory_space<semaphore_mem>>)
      %dma_wait3A_841 = arith.constant 0 : i32
      %dma_wait3A_842 = arith.constant 0 : i32
      %dma_wait3A_843 = tpu.memref_slice %arg2[%add3A, %dma_wait3A_841, %dma_wait3A_842] : memref<32x16x32xi32, #tpu.memory_space<hbm>> -> memref<1x16x32xi32, #tpu.memory_space<hbm>>
      %dma_wait3A_844 = tpu.memref_squeeze %dma_wait3A_843 : memref<1x16x32xi32, #tpu.memory_space<hbm>> -> memref<16x32xi32, #tpu.memory_space<hbm>>
      %dma_wait3A_845 = arith.constant 0 : i32
      %dma_wait3A_846 = arith.constant 0 : i32
      %dma_wait3A_847 = tpu.memref_slice %arg2[%add3A, %dma_wait3A_845, %dma_wait3A_846] : memref<32x16x32xi32, #tpu.memory_space<hbm>> -> memref<1x16x32xi32, #tpu.memory_space<hbm>>
      %dma_wait3A_848 = tpu.memref_squeeze %dma_wait3A_847 : memref<1x16x32xi32, #tpu.memory_space<hbm>> -> memref<16x32xi32, #tpu.memory_space<hbm>>
      tpu.wait_dma2 semaphore(%run_scoped3A : memref<!tpu.dma_semaphore, #tpu.memory_space<semaphore_mem>>) src(%dma_wait3A_848 : memref<16x32xi32, #tpu.memory_space<hbm>>) dst(%arg5 : memref<16x32xi32, #tpu.memory_space<vmem>>)
      tpu.yield
    }) : () -> ()
    %dma_start3A = arith.constant 0 : i32
    %dma_start3A_3 = arith.constant 0 : i32
    %dma_start3A_4 = arith.constant 0 : i32
    %dma_start3A_5 = arith.constant 0 : i32
    %dma_start3A_6 = tpu.memref_slice %arg6[%dma_start3A_3, %dma_start3A_4, %dma_start3A_5] : memref<4x32x896xf32, #tpu.memory_space<vmem>> -> memref<1x32x896xf32, #tpu.memory_space<vmem>>
    %dma_start3A_7 = tpu.memref_squeeze %dma_start3A_6 : memref<1x32x896xf32, #tpu.memory_space<vmem>> -> memref<32x896xf32, #tpu.memory_space<vmem>>
    %dma_start3A_8 = arith.constant 0 : i32
    %dma_start3A_9 = tpu.memref_slice %arg5[%dma_start3A, %dma_start3A_8] : memref<16x32xi32, #tpu.memory_space<vmem>> -> memref<1x32xi32, #tpu.memory_space<vmem>>
    %dma_start3A_10 = tpu.memref_squeeze %dma_start3A_9 : memref<1x32xi32, #tpu.memory_space<vmem>> -> memref<32xi32, #tpu.memory_space<vmem>>
    %dma_start3A_11 = arith.constant 0 : i32
    %dma_start3A_12 = arith.constant 0 : i32
    %dma_start3A_13 = tpu.memref_slice %arg3[%dma_start3A_11, %dma_start3A_12] : memref<2000x896xf32, #tpu.memory_space<hbm>> -> memref<2000x896xf32, #tpu.memory_space<hbm>>
    tpu.enqueue_indirect_dma source(%dma_start3A_13 : memref<2000x896xf32, #tpu.memory_space<hbm>>) target(%dma_start3A_7 : memref<32x896xf32, #tpu.memory_space<vmem>>) offsets(%dma_start3A_10 : memref<32xi32, #tpu.memory_space<vmem>>) semaphore(%arg7 : memref<!tpu.dma_semaphore, #tpu.memory_space<semaphore_mem>>)
    %dma_start3A_14 = arith.constant 1 : i32
    %dma_start3A_15 = arith.constant 1 : i32
    %dma_start3A_16 = arith.constant 0 : i32
    %dma_start3A_17 = arith.constant 0 : i32
    %dma_start3A_18 = tpu.memref_slice %arg6[%dma_start3A_15, %dma_start3A_16, %dma_start3A_17] : memref<4x32x896xf32, #tpu.memory_space<vmem>> -> memref<1x32x896xf32, #tpu.memory_space<vmem>>
    %dma_start3A_19 = tpu.memref_squeeze %dma_start3A_18 : memref<1x32x896xf32, #tpu.memory_space<vmem>> -> memref<32x896xf32, #tpu.memory_space<vmem>>
    %dma_start3A_20 = arith.constant 0 : i32
    %dma_start3A_21 = tpu.memref_slice %arg5[%dma_start3A_14, %dma_start3A_20] : memref<16x32xi32, #tpu.memory_space<vmem>> -> memref<1x32xi32, #tpu.memory_space<vmem>>
    %dma_start3A_22 = tpu.memref_squeeze %dma_start3A_21 : memref<1x32xi32, #tpu.memory_space<vmem>> -> memref<32xi32, #tpu.memory_space<vmem>>
    %dma_start3A_23 = arith.constant 0 : i32
    %dma_start3A_24 = arith.constant 0 : i32
    %dma_start3A_25 = tpu.memref_slice %arg3[%dma_start3A_23, %dma_start3A_24] : memref<2000x896xf32, #tpu.memory_space<hbm>> -> memref<2000x896xf32, #tpu.memory_space<hbm>>
    tpu.enqueue_indirect_dma source(%dma_start3A_25 : memref<2000x896xf32, #tpu.memory_space<hbm>>) target(%dma_start3A_19 : memref<32x896xf32, #tpu.memory_space<vmem>>) offsets(%dma_start3A_22 : memref<32xi32, #tpu.memory_space<vmem>>) semaphore(%arg8 : memref<!tpu.dma_semaphore, #tpu.memory_space<semaphore_mem>>)
    %dma_start3A_26 = arith.constant 2 : i32
    %dma_start3A_27 = arith.constant 2 : i32
    %dma_start3A_28 = arith.constant 0 : i32
    %dma_start3A_29 = arith.constant 0 : i32
    %dma_start3A_30 = tpu.memref_slice %arg6[%dma_start3A_27, %dma_start3A_28, %dma_start3A_29] : memref<4x32x896xf32, #tpu.memory_space<vmem>> -> memref<1x32x896xf32, #tpu.memory_space<vmem>>
    %dma_start3A_31 = tpu.memref_squeeze %dma_start3A_30 : memref<1x32x896xf32, #tpu.memory_space<vmem>> -> memref<32x896xf32, #tpu.memory_space<vmem>>
    %dma_start3A_32 = arith.constant 0 : i32
    %dma_start3A_33 = tpu.memref_slice %arg5[%dma_start3A_26, %dma_start3A_32] : memref<16x32xi32, #tpu.memory_space<vmem>> -> memref<1x32xi32, #tpu.memory_space<vmem>>
    %dma_start3A_34 = tpu.memref_squeeze %dma_start3A_33 : memref<1x32xi32, #tpu.memory_space<vmem>> -> memref<32xi32, #tpu.memory_space<vmem>>
    %dma_start3A_35 = arith.constant 0 : i32
    %dma_start3A_36 = arith.constant 0 : i32
    %dma_start3A_37 = tpu.memref_slice %arg3[%dma_start3A_35, %dma_start3A_36] : memref<2000x896xf32, #tpu.memory_space<hbm>> -> memref<2000x896xf32, #tpu.memory_space<hbm>>
    tpu.enqueue_indirect_dma source(%dma_start3A_37 : memref<2000x896xf32, #tpu.memory_space<hbm>>) target(%dma_start3A_31 : memref<32x896xf32, #tpu.memory_space<vmem>>) offsets(%dma_start3A_34 : memref<32xi32, #tpu.memory_space<vmem>>) semaphore(%arg9 : memref<!tpu.dma_semaphore, #tpu.memory_space<semaphore_mem>>)
    %dma_start3A_38 = arith.constant 3 : i32
    %dma_start3A_39 = arith.constant 3 : i32
    %dma_start3A_40 = arith.constant 0 : i32
    %dma_start3A_41 = arith.constant 0 : i32
    %dma_start3A_42 = tpu.memref_slice %arg6[%dma_start3A_39, %dma_start3A_40, %dma_start3A_41] : memref<4x32x896xf32, #tpu.memory_space<vmem>> -> memref<1x32x896xf32, #tpu.memory_space<vmem>>
    %dma_start3A_43 = tpu.memref_squeeze %dma_start3A_42 : memref<1x32x896xf32, #tpu.memory_space<vmem>> -> memref<32x896xf32, #tpu.memory_space<vmem>>
    %dma_start3A_44 = arith.constant 0 : i32
    %dma_start3A_45 = tpu.memref_slice %arg5[%dma_start3A_38, %dma_start3A_44] : memref<16x32xi32, #tpu.memory_space<vmem>> -> memref<1x32xi32, #tpu.memory_space<vmem>>
    %dma_start3A_46 = tpu.memref_squeeze %dma_start3A_45 : memref<1x32xi32, #tpu.memory_space<vmem>> -> memref<32xi32, #tpu.memory_space<vmem>>
    %dma_start3A_47 = arith.constant 0 : i32
    %dma_start3A_48 = arith.constant 0 : i32
    %dma_start3A_49 = tpu.memref_slice %arg3[%dma_start3A_47, %dma_start3A_48] : memref<2000x896xf32, #tpu.memory_space<hbm>> -> memref<2000x896xf32, #tpu.memory_space<hbm>>
    tpu.enqueue_indirect_dma source(%dma_start3A_49 : memref<2000x896xf32, #tpu.memory_space<hbm>>) target(%dma_start3A_43 : memref<32x896xf32, #tpu.memory_space<vmem>>) offsets(%dma_start3A_46 : memref<32xi32, #tpu.memory_space<vmem>>) semaphore(%arg10 : memref<!tpu.dma_semaphore, #tpu.memory_space<semaphore_mem>>)
    %dma_wait3A = arith.constant 0 : i32
    %dma_wait3A_50 = arith.constant 0 : i32
    %dma_wait3A_51 = arith.constant 0 : i32
    %dma_wait3A_52 = arith.constant 0 : i32
    %dma_wait3A_53 = tpu.memref_slice %arg6[%dma_wait3A_50, %dma_wait3A_51, %dma_wait3A_52] : memref<4x32x896xf32, #tpu.memory_space<vmem>> -> memref<1x32x896xf32, #tpu.memory_space<vmem>>
    %dma_wait3A_54 = tpu.memref_squeeze %dma_wait3A_53 : memref<1x32x896xf32, #tpu.memory_space<vmem>> -> memref<32x896xf32, #tpu.memory_space<vmem>>
    %dma_wait3A_55 = arith.constant 0 : i32
    %dma_wait3A_56 = tpu.memref_slice %arg5[%dma_wait3A, %dma_wait3A_55] : memref<16x32xi32, #tpu.memory_space<vmem>> -> memref<1x32xi32, #tpu.memory_space<vmem>>
    %dma_wait3A_57 = tpu.memref_squeeze %dma_wait3A_56 : memref<1x32xi32, #tpu.memory_space<vmem>> -> memref<32xi32, #tpu.memory_space<vmem>>
    %dma_wait3A_58 = arith.constant 0 : i32
    %dma_wait3A_59 = arith.constant 0 : i32
    %dma_wait3A_60 = tpu.memref_slice %arg3[%dma_wait3A_58, %dma_wait3A_59] : memref<2000x896xf32, #tpu.memory_space<hbm>> -> memref<2000x896xf32, #tpu.memory_space<hbm>>
    tpu.wait_indirect_dma semaphore(%arg7 : memref<!tpu.dma_semaphore, #tpu.memory_space<semaphore_mem>>) src(%dma_wait3A_60 : memref<2000x896xf32, #tpu.memory_space<hbm>>) dst(%dma_wait3A_54 : memref<32x896xf32, #tpu.memory_space<vmem>>)
    %add3A_61 = arith.constant 0 : i32
    %add3A_62 = arith.addi %mul3A_2, %add3A_61 : i32
    %dma_start3A_63 = arith.constant 0 : i32
    %dma_start3A_64 = arith.constant 0 : i32
    %dma_start3A_65 = arith.constant 0 : i32
    %dma_start3A_66 = tpu.memref_slice %arg6[%dma_start3A_63, %dma_start3A_64, %dma_start3A_65] : memref<4x32x896xf32, #tpu.memory_space<vmem>> -> memref<1x32x896xf32, #tpu.memory_space<vmem>>
    %dma_start3A_67 = tpu.memref_squeeze %dma_start3A_66 : memref<1x32x896xf32, #tpu.memory_space<vmem>> -> memref<32x896xf32, #tpu.memory_space<vmem>>
    %dma_start3A_68 = arith.constant 0 : i32
    %dma_start3A_69 = tpu.memref_slice %arg4[%add3A_62, %dma_start3A_68] : memref<16384x896xf32, #tpu.memory_space<hbm>> -> memref<32x896xf32, #tpu.memory_space<hbm>>
    %dma_start3A_70 = arith.constant 0 : i32
    %dma_start3A_71 = tpu.memref_slice %arg4[%add3A_62, %dma_start3A_70] : memref<16384x896xf32, #tpu.memory_space<hbm>> -> memref<32x896xf32, #tpu.memory_space<hbm>>
    %dma_start3A_72 = arith.constant 0 : i32
    %dma_start3A_73 = arith.constant 0 : i32
    %dma_start3A_74 = tpu.memref_slice %arg6[%dma_start3A_63, %dma_start3A_72, %dma_start3A_73] : memref<4x32x896xf32, #tpu.memory_space<vmem>> -> memref<1x32x896xf32, #tpu.memory_space<vmem>>
    %dma_start3A_75 = tpu.memref_squeeze %dma_start3A_74 : memref<1x32x896xf32, #tpu.memory_space<vmem>> -> memref<32x896xf32, #tpu.memory_space<vmem>>
    tpu.enqueue_dma source(%dma_start3A_75 : memref<32x896xf32, #tpu.memory_space<vmem>>) target(%dma_start3A_71 : memref<32x896xf32, #tpu.memory_space<hbm>>) target_semaphore(%arg11 : memref<!tpu.dma_semaphore, #tpu.memory_space<semaphore_mem>>)
    %dma_wait3A_76 = arith.constant 0 : i32
    %dma_wait3A_77 = arith.constant 0 : i32
    %dma_wait3A_78 = arith.constant 0 : i32
    %dma_wait3A_79 = tpu.memref_slice %arg6[%dma_wait3A_76, %dma_wait3A_77, %dma_wait3A_78] : memref<4x32x896xf32, #tpu.memory_space<vmem>> -> memref<1x32x896xf32, #tpu.memory_space<vmem>>
    %dma_wait3A_80 = tpu.memref_squeeze %dma_wait3A_79 : memref<1x32x896xf32, #tpu.memory_space<vmem>> -> memref<32x896xf32, #tpu.memory_space<vmem>>
    %dma_wait3A_81 = arith.constant 0 : i32
    %dma_wait3A_82 = tpu.memref_slice %arg4[%add3A_62, %dma_wait3A_81] : memref<16384x896xf32, #tpu.memory_space<hbm>> -> memref<32x896xf32, #tpu.memory_space<hbm>>
    %dma_wait3A_83 = arith.constant 0 : i32
    %dma_wait3A_84 = tpu.memref_slice %arg4[%add3A_62, %dma_wait3A_83] : memref<16384x896xf32, #tpu.memory_space<hbm>> -> memref<32x896xf32, #tpu.memory_space<hbm>>
    %dma_wait3A_85 = arith.constant 0 : i32
    %dma_wait3A_86 = arith.constant 0 : i32
    %dma_wait3A_87 = tpu.memref_slice %arg6[%dma_wait3A_76, %dma_wait3A_85, %dma_wait3A_86] : memref<4x32x896xf32, #tpu.memory_space<vmem>> -> memref<1x32x896xf32, #tpu.memory_space<vmem>>
    %dma_wait3A_88 = tpu.memref_squeeze %dma_wait3A_87 : memref<1x32x896xf32, #tpu.memory_space<vmem>> -> memref<32x896xf32, #tpu.memory_space<vmem>>
    tpu.wait_dma2 semaphore(%arg11 : memref<!tpu.dma_semaphore, #tpu.memory_space<semaphore_mem>>) src(%dma_wait3A_88 : memref<32x896xf32, #tpu.memory_space<vmem>>) dst(%dma_wait3A_84 : memref<32x896xf32, #tpu.memory_space<hbm>>)
    %dma_start3A_89 = arith.constant 4 : i32
    %dma_start3A_90 = arith.constant 0 : i32
    %dma_start3A_91 = arith.constant 0 : i32
    %dma_start3A_92 = arith.constant 0 : i32
    %dma_start3A_93 = tpu.memref_slice %arg6[%dma_start3A_90, %dma_start3A_91, %dma_start3A_92] : memref<4x32x896xf32, #tpu.memory_space<vmem>> -> memref<1x32x896xf32, #tpu.memory_space<vmem>>
    %dma_start3A_94 = tpu.memref_squeeze %dma_start3A_93 : memref<1x32x896xf32, #tpu.memory_space<vmem>> -> memref<32x896xf32, #tpu.memory_space<vmem>>
    %dma_start3A_95 = arith.constant 0 : i32
    %dma_start3A_96 = tpu.memref_slice %arg5[%dma_start3A_89, %dma_start3A_95] : memref<16x32xi32, #tpu.memory_space<vmem>> -> memref<1x32xi32, #tpu.memory_space<vmem>>
    %dma_start3A_97 = tpu.memref_squeeze %dma_start3A_96 : memref<1x32xi32, #tpu.memory_space<vmem>> -> memref<32xi32, #tpu.memory_space<vmem>>
    %dma_start3A_98 = arith.constant 0 : i32
    %dma_start3A_99 = arith.constant 0 : i32
    %dma_start3A_100 = tpu.memref_slice %arg3[%dma_start3A_98, %dma_start3A_99] : memref<2000x896xf32, #tpu.memory_space<hbm>> -> memref<2000x896xf32, #tpu.memory_space<hbm>>
    tpu.enqueue_indirect_dma source(%dma_start3A_100 : memref<2000x896xf32, #tpu.memory_space<hbm>>) target(%dma_start3A_94 : memref<32x896xf32, #tpu.memory_space<vmem>>) offsets(%dma_start3A_97 : memref<32xi32, #tpu.memory_space<vmem>>) semaphore(%arg7 : memref<!tpu.dma_semaphore, #tpu.memory_space<semaphore_mem>>)
    %dma_wait3A_101 = arith.constant 1 : i32
    %dma_wait3A_102 = arith.constant 1 : i32
    %dma_wait3A_103 = arith.constant 0 : i32
    %dma_wait3A_104 = arith.constant 0 : i32
    %dma_wait3A_105 = tpu.memref_slice %arg6[%dma_wait3A_102, %dma_wait3A_103, %dma_wait3A_104] : memref<4x32x896xf32, #tpu.memory_space<vmem>> -> memref<1x32x896xf32, #tpu.memory_space<vmem>>
    %dma_wait3A_106 = tpu.memref_squeeze %dma_wait3A_105 : memref<1x32x896xf32, #tpu.memory_space<vmem>> -> memref<32x896xf32, #tpu.memory_space<vmem>>
    %dma_wait3A_107 = arith.constant 0 : i32
    %dma_wait3A_108 = tpu.memref_slice %arg5[%dma_wait3A_101, %dma_wait3A_107] : memref<16x32xi32, #tpu.memory_space<vmem>> -> memref<1x32xi32, #tpu.memory_space<vmem>>
    %dma_wait3A_109 = tpu.memref_squeeze %dma_wait3A_108 : memref<1x32xi32, #tpu.memory_space<vmem>> -> memref<32xi32, #tpu.memory_space<vmem>>
    %dma_wait3A_110 = arith.constant 0 : i32
    %dma_wait3A_111 = arith.constant 0 : i32
    %dma_wait3A_112 = tpu.memref_slice %arg3[%dma_wait3A_110, %dma_wait3A_111] : memref<2000x896xf32, #tpu.memory_space<hbm>> -> memref<2000x896xf32, #tpu.memory_space<hbm>>
    tpu.wait_indirect_dma semaphore(%arg8 : memref<!tpu.dma_semaphore, #tpu.memory_space<semaphore_mem>>) src(%dma_wait3A_112 : memref<2000x896xf32, #tpu.memory_space<hbm>>) dst(%dma_wait3A_106 : memref<32x896xf32, #tpu.memory_space<vmem>>)
    %add3A_113 = arith.constant 32 : i32
    %add3A_114 = arith.addi %mul3A_2, %add3A_113 : i32
    %dma_start3A_115 = arith.constant 1 : i32
    %dma_start3A_116 = arith.constant 0 : i32
    %dma_start3A_117 = arith.constant 0 : i32
    %dma_start3A_118 = tpu.memref_slice %arg6[%dma_start3A_115, %dma_start3A_116, %dma_start3A_117] : memref<4x32x896xf32, #tpu.memory_space<vmem>> -> memref<1x32x896xf32, #tpu.memory_space<vmem>>
    %dma_start3A_119 = tpu.memref_squeeze %dma_start3A_118 : memref<1x32x896xf32, #tpu.memory_space<vmem>> -> memref<32x896xf32, #tpu.memory_space<vmem>>
    %dma_start3A_120 = arith.constant 0 : i32
    %dma_start3A_121 = tpu.memref_slice %arg4[%add3A_114, %dma_start3A_120] : memref<16384x896xf32, #tpu.memory_space<hbm>> -> memref<32x896xf32, #tpu.memory_space<hbm>>
    %dma_start3A_122 = arith.constant 0 : i32
    %dma_start3A_123 = tpu.memref_slice %arg4[%add3A_114, %dma_start3A_122] : memref<16384x896xf32, #tpu.memory_space<hbm>> -> memref<32x896xf32, #tpu.memory_space<hbm>>
    %dma_start3A_124 = arith.constant 0 : i32
    %dma_start3A_125 = arith.constant 0 : i32
    %dma_start3A_126 = tpu.memref_slice %arg6[%dma_start3A_115, %dma_start3A_124, %dma_start3A_125] : memref<4x32x896xf32, #tpu.memory_space<vmem>> -> memref<1x32x896xf32, #tpu.memory_space<vmem>>
    %dma_start3A_127 = tpu.memref_squeeze %dma_start3A_126 : memref<1x32x896xf32, #tpu.memory_space<vmem>> -> memref<32x896xf32, #tpu.memory_space<vmem>>
    tpu.enqueue_dma source(%dma_start3A_127 : memref<32x896xf32, #tpu.memory_space<vmem>>) target(%dma_start3A_123 : memref<32x896xf32, #tpu.memory_space<hbm>>) target_semaphore(%arg12 : memref<!tpu.dma_semaphore, #tpu.memory_space<semaphore_mem>>)
    %dma_wait3A_128 = arith.constant 1 : i32
    %dma_wait3A_129 = arith.constant 0 : i32
    %dma_wait3A_130 = arith.constant 0 : i32
    %dma_wait3A_131 = tpu.memref_slice %arg6[%dma_wait3A_128, %dma_wait3A_129, %dma_wait3A_130] : memref<4x32x896xf32, #tpu.memory_space<vmem>> -> memref<1x32x896xf32, #tpu.memory_space<vmem>>
    %dma_wait3A_132 = tpu.memref_squeeze %dma_wait3A_131 : memref<1x32x896xf32, #tpu.memory_space<vmem>> -> memref<32x896xf32, #tpu.memory_space<vmem>>
    %dma_wait3A_133 = arith.constant 0 : i32
    %dma_wait3A_134 = tpu.memref_slice %arg4[%add3A_114, %dma_wait3A_133] : memref<16384x896xf32, #tpu.memory_space<hbm>> -> memref<32x896xf32, #tpu.memory_space<hbm>>
    %dma_wait3A_135 = arith.constant 0 : i32
    %dma_wait3A_136 = tpu.memref_slice %arg4[%add3A_114, %dma_wait3A_135] : memref<16384x896xf32, #tpu.memory_space<hbm>> -> memref<32x896xf32, #tpu.memory_space<hbm>>
    %dma_wait3A_137 = arith.constant 0 : i32
    %dma_wait3A_138 = arith.constant 0 : i32
    %dma_wait3A_139 = tpu.memref_slice %arg6[%dma_wait3A_128, %dma_wait3A_137, %dma_wait3A_138] : memref<4x32x896xf32, #tpu.memory_space<vmem>> -> memref<1x32x896xf32, #tpu.memory_space<vmem>>
    %dma_wait3A_140 = tpu.memref_squeeze %dma_wait3A_139 : memref<1x32x896xf32, #tpu.memory_space<vmem>> -> memref<32x896xf32, #tpu.memory_space<vmem>>
    tpu.wait_dma2 semaphore(%arg12 : memref<!tpu.dma_semaphore, #tpu.memory_space<semaphore_mem>>) src(%dma_wait3A_140 : memref<32x896xf32, #tpu.memory_space<vmem>>) dst(%dma_wait3A_136 : memref<32x896xf32, #tpu.memory_space<hbm>>)
    %dma_start3A_141 = arith.constant 5 : i32
    %dma_start3A_142 = arith.constant 1 : i32
    %dma_start3A_143 = arith.constant 0 : i32
    %dma_start3A_144 = arith.constant 0 : i32
    %dma_start3A_145 = tpu.memref_slice %arg6[%dma_start3A_142, %dma_start3A_143, %dma_start3A_144] : memref<4x32x896xf32, #tpu.memory_space<vmem>> -> memref<1x32x896xf32, #tpu.memory_space<vmem>>
    %dma_start3A_146 = tpu.memref_squeeze %dma_start3A_145 : memref<1x32x896xf32, #tpu.memory_space<vmem>> -> memref<32x896xf32, #tpu.memory_space<vmem>>
    %dma_start3A_147 = arith.constant 0 : i32
    %dma_start3A_148 = tpu.memref_slice %arg5[%dma_start3A_141, %dma_start3A_147] : memref<16x32xi32, #tpu.memory_space<vmem>> -> memref<1x32xi32, #tpu.memory_space<vmem>>
    %dma_start3A_149 = tpu.memref_squeeze %dma_start3A_148 : memref<1x32xi32, #tpu.memory_space<vmem>> -> memref<32xi32, #tpu.memory_space<vmem>>
    %dma_start3A_150 = arith.constant 0 : i32
    %dma_start3A_151 = arith.constant 0 : i32
    %dma_start3A_152 = tpu.memref_slice %arg3[%dma_start3A_150, %dma_start3A_151] : memref<2000x896xf32, #tpu.memory_space<hbm>> -> memref<2000x896xf32, #tpu.memory_space<hbm>>
    tpu.enqueue_indirect_dma source(%dma_start3A_152 : memref<2000x896xf32, #tpu.memory_space<hbm>>) target(%dma_start3A_146 : memref<32x896xf32, #tpu.memory_space<vmem>>) offsets(%dma_start3A_149 : memref<32xi32, #tpu.memory_space<vmem>>) semaphore(%arg8 : memref<!tpu.dma_semaphore, #tpu.memory_space<semaphore_mem>>)
    %dma_wait3A_153 = arith.constant 2 : i32
    %dma_wait3A_154 = arith.constant 2 : i32
    %dma_wait3A_155 = arith.constant 0 : i32
    %dma_wait3A_156 = arith.constant 0 : i32
    %dma_wait3A_157 = tpu.memref_slice %arg6[%dma_wait3A_154, %dma_wait3A_155, %dma_wait3A_156] : memref<4x32x896xf32, #tpu.memory_space<vmem>> -> memref<1x32x896xf32, #tpu.memory_space<vmem>>
    %dma_wait3A_158 = tpu.memref_squeeze %dma_wait3A_157 : memref<1x32x896xf32, #tpu.memory_space<vmem>> -> memref<32x896xf32, #tpu.memory_space<vmem>>
    %dma_wait3A_159 = arith.constant 0 : i32
    %dma_wait3A_160 = tpu.memref_slice %arg5[%dma_wait3A_153, %dma_wait3A_159] : memref<16x32xi32, #tpu.memory_space<vmem>> -> memref<1x32xi32, #tpu.memory_space<vmem>>
    %dma_wait3A_161 = tpu.memref_squeeze %dma_wait3A_160 : memref<1x32xi32, #tpu.memory_space<vmem>> -> memref<32xi32, #tpu.memory_space<vmem>>
    %dma_wait3A_162 = arith.constant 0 : i32
    %dma_wait3A_163 = arith.constant 0 : i32
    %dma_wait3A_164 = tpu.memref_slice %arg3[%dma_wait3A_162, %dma_wait3A_163] : memref<2000x896xf32, #tpu.memory_space<hbm>> -> memref<2000x896xf32, #tpu.memory_space<hbm>>
    tpu.wait_indirect_dma semaphore(%arg9 : memref<!tpu.dma_semaphore, #tpu.memory_space<semaphore_mem>>) src(%dma_wait3A_164 : memref<2000x896xf32, #tpu.memory_space<hbm>>) dst(%dma_wait3A_158 : memref<32x896xf32, #tpu.memory_space<vmem>>)
    %add3A_165 = arith.constant 64 : i32
    %add3A_166 = arith.addi %mul3A_2, %add3A_165 : i32
    %dma_start3A_167 = arith.constant 2 : i32
    %dma_start3A_168 = arith.constant 0 : i32
    %dma_start3A_169 = arith.constant 0 : i32
    %dma_start3A_170 = tpu.memref_slice %arg6[%dma_start3A_167, %dma_start3A_168, %dma_start3A_169] : memref<4x32x896xf32, #tpu.memory_space<vmem>> -> memref<1x32x896xf32, #tpu.memory_space<vmem>>
    %dma_start3A_171 = tpu.memref_squeeze %dma_start3A_170 : memref<1x32x896xf32, #tpu.memory_space<vmem>> -> memref<32x896xf32, #tpu.memory_space<vmem>>
    %dma_start3A_172 = arith.constant 0 : i32
    %dma_start3A_173 = tpu.memref_slice %arg4[%add3A_166, %dma_start3A_172] : memref<16384x896xf32, #tpu.memory_space<hbm>> -> memref<32x896xf32, #tpu.memory_space<hbm>>
    %dma_start3A_174 = arith.constant 0 : i32
    %dma_start3A_175 = tpu.memref_slice %arg4[%add3A_166, %dma_start3A_174] : memref<16384x896xf32, #tpu.memory_space<hbm>> -> memref<32x896xf32, #tpu.memory_space<hbm>>
    %dma_start3A_176 = arith.constant 0 : i32
    %dma_start3A_177 = arith.constant 0 : i32
    %dma_start3A_178 = tpu.memref_slice %arg6[%dma_start3A_167, %dma_start3A_176, %dma_start3A_177] : memref<4x32x896xf32, #tpu.memory_space<vmem>> -> memref<1x32x896xf32, #tpu.memory_space<vmem>>
    %dma_start3A_179 = tpu.memref_squeeze %dma_start3A_178 : memref<1x32x896xf32, #tpu.memory_space<vmem>> -> memref<32x896xf32, #tpu.memory_space<vmem>>
    tpu.enqueue_dma source(%dma_start3A_179 : memref<32x896xf32, #tpu.memory_space<vmem>>) target(%dma_start3A_175 : memref<32x896xf32, #tpu.memory_space<hbm>>) target_semaphore(%arg13 : memref<!tpu.dma_semaphore, #tpu.memory_space<semaphore_mem>>)
    %dma_wait3A_180 = arith.constant 2 : i32
    %dma_wait3A_181 = arith.constant 0 : i32
    %dma_wait3A_182 = arith.constant 0 : i32
    %dma_wait3A_183 = tpu.memref_slice %arg6[%dma_wait3A_180, %dma_wait3A_181, %dma_wait3A_182] : memref<4x32x896xf32, #tpu.memory_space<vmem>> -> memref<1x32x896xf32, #tpu.memory_space<vmem>>
    %dma_wait3A_184 = tpu.memref_squeeze %dma_wait3A_183 : memref<1x32x896xf32, #tpu.memory_space<vmem>> -> memref<32x896xf32, #tpu.memory_space<vmem>>
    %dma_wait3A_185 = arith.constant 0 : i32
    %dma_wait3A_186 = tpu.memref_slice %arg4[%add3A_166, %dma_wait3A_185] : memref<16384x896xf32, #tpu.memory_space<hbm>> -> memref<32x896xf32, #tpu.memory_space<hbm>>
    %dma_wait3A_187 = arith.constant 0 : i32
    %dma_wait3A_188 = tpu.memref_slice %arg4[%add3A_166, %dma_wait3A_187] : memref<16384x896xf32, #tpu.memory_space<hbm>> -> memref<32x896xf32, #tpu.memory_space<hbm>>
    %dma_wait3A_189 = arith.constant 0 : i32
    %dma_wait3A_190 = arith.constant 0 : i32
    %dma_wait3A_191 = tpu.memref_slice %arg6[%dma_wait3A_180, %dma_wait3A_189, %dma_wait3A_190] : memref<4x32x896xf32, #tpu.memory_space<vmem>> -> memref<1x32x896xf32, #tpu.memory_space<vmem>>
    %dma_wait3A_192 = tpu.memref_squeeze %dma_wait3A_191 : memref<1x32x896xf32, #tpu.memory_space<vmem>> -> memref<32x896xf32, #tpu.memory_space<vmem>>
    tpu.wait_dma2 semaphore(%arg13 : memref<!tpu.dma_semaphore, #tpu.memory_space<semaphore_mem>>) src(%dma_wait3A_192 : memref<32x896xf32, #tpu.memory_space<vmem>>) dst(%dma_wait3A_188 : memref<32x896xf32, #tpu.memory_space<hbm>>)
    %dma_start3A_193 = arith.constant 6 : i32
    %dma_start3A_194 = arith.constant 2 : i32
    %dma_start3A_195 = arith.constant 0 : i32
    %dma_start3A_196 = arith.constant 0 : i32
    %dma_start3A_197 = tpu.memref_slice %arg6[%dma_start3A_194, %dma_start3A_195, %dma_start3A_196] : memref<4x32x896xf32, #tpu.memory_space<vmem>> -> memref<1x32x896xf32, #tpu.memory_space<vmem>>
    %dma_start3A_198 = tpu.memref_squeeze %dma_start3A_197 : memref<1x32x896xf32, #tpu.memory_space<vmem>> -> memref<32x896xf32, #tpu.memory_space<vmem>>
    %dma_start3A_199 = arith.constant 0 : i32
    %dma_start3A_200 = tpu.memref_slice %arg5[%dma_start3A_193, %dma_start3A_199] : memref<16x32xi32, #tpu.memory_space<vmem>> -> memref<1x32xi32, #tpu.memory_space<vmem>>
    %dma_start3A_201 = tpu.memref_squeeze %dma_start3A_200 : memref<1x32xi32, #tpu.memory_space<vmem>> -> memref<32xi32, #tpu.memory_space<vmem>>
    %dma_start3A_202 = arith.constant 0 : i32
    %dma_start3A_203 = arith.constant 0 : i32
    %dma_start3A_204 = tpu.memref_slice %arg3[%dma_start3A_202, %dma_start3A_203] : memref<2000x896xf32, #tpu.memory_space<hbm>> -> memref<2000x896xf32, #tpu.memory_space<hbm>>
    tpu.enqueue_indirect_dma source(%dma_start3A_204 : memref<2000x896xf32, #tpu.memory_space<hbm>>) target(%dma_start3A_198 : memref<32x896xf32, #tpu.memory_space<vmem>>) offsets(%dma_start3A_201 : memref<32xi32, #tpu.memory_space<vmem>>) semaphore(%arg9 : memref<!tpu.dma_semaphore, #tpu.memory_space<semaphore_mem>>)
    %dma_wait3A_205 = arith.constant 3 : i32
    %dma_wait3A_206 = arith.constant 3 : i32
    %dma_wait3A_207 = arith.constant 0 : i32
    %dma_wait3A_208 = arith.constant 0 : i32
    %dma_wait3A_209 = tpu.memref_slice %arg6[%dma_wait3A_206, %dma_wait3A_207, %dma_wait3A_208] : memref<4x32x896xf32, #tpu.memory_space<vmem>> -> memref<1x32x896xf32, #tpu.memory_space<vmem>>
    %dma_wait3A_210 = tpu.memref_squeeze %dma_wait3A_209 : memref<1x32x896xf32, #tpu.memory_space<vmem>> -> memref<32x896xf32, #tpu.memory_space<vmem>>
    %dma_wait3A_211 = arith.constant 0 : i32
    %dma_wait3A_212 = tpu.memref_slice %arg5[%dma_wait3A_205, %dma_wait3A_211] : memref<16x32xi32, #tpu.memory_space<vmem>> -> memref<1x32xi32, #tpu.memory_space<vmem>>
    %dma_wait3A_213 = tpu.memref_squeeze %dma_wait3A_212 : memref<1x32xi32, #tpu.memory_space<vmem>> -> memref<32xi32, #tpu.memory_space<vmem>>
    %dma_wait3A_214 = arith.constant 0 : i32
    %dma_wait3A_215 = arith.constant 0 : i32
    %dma_wait3A_216 = tpu.memref_slice %arg3[%dma_wait3A_214, %dma_wait3A_215] : memref<2000x896xf32, #tpu.memory_space<hbm>> -> memref<2000x896xf32, #tpu.memory_space<hbm>>
    tpu.wait_indirect_dma semaphore(%arg10 : memref<!tpu.dma_semaphore, #tpu.memory_space<semaphore_mem>>) src(%dma_wait3A_216 : memref<2000x896xf32, #tpu.memory_space<hbm>>) dst(%dma_wait3A_210 : memref<32x896xf32, #tpu.memory_space<vmem>>)
    %add3A_217 = arith.constant 96 : i32
    %add3A_218 = arith.addi %mul3A_2, %add3A_217 : i32
    %dma_start3A_219 = arith.constant 3 : i32
    %dma_start3A_220 = arith.constant 0 : i32
    %dma_start3A_221 = arith.constant 0 : i32
    %dma_start3A_222 = tpu.memref_slice %arg6[%dma_start3A_219, %dma_start3A_220, %dma_start3A_221] : memref<4x32x896xf32, #tpu.memory_space<vmem>> -> memref<1x32x896xf32, #tpu.memory_space<vmem>>
    %dma_start3A_223 = tpu.memref_squeeze %dma_start3A_222 : memref<1x32x896xf32, #tpu.memory_space<vmem>> -> memref<32x896xf32, #tpu.memory_space<vmem>>
    %dma_start3A_224 = arith.constant 0 : i32
    %dma_start3A_225 = tpu.memref_slice %arg4[%add3A_218, %dma_start3A_224] : memref<16384x896xf32, #tpu.memory_space<hbm>> -> memref<32x896xf32, #tpu.memory_space<hbm>>
    %dma_start3A_226 = arith.constant 0 : i32
    %dma_start3A_227 = tpu.memref_slice %arg4[%add3A_218, %dma_start3A_226] : memref<16384x896xf32, #tpu.memory_space<hbm>> -> memref<32x896xf32, #tpu.memory_space<hbm>>
    %dma_start3A_228 = arith.constant 0 : i32
    %dma_start3A_229 = arith.constant 0 : i32
    %dma_start3A_230 = tpu.memref_slice %arg6[%dma_start3A_219, %dma_start3A_228, %dma_start3A_229] : memref<4x32x896xf32, #tpu.memory_space<vmem>> -> memref<1x32x896xf32, #tpu.memory_space<vmem>>
    %dma_start3A_231 = tpu.memref_squeeze %dma_start3A_230 : memref<1x32x896xf32, #tpu.memory_space<vmem>> -> memref<32x896xf32, #tpu.memory_space<vmem>>
    tpu.enqueue_dma source(%dma_start3A_231 : memref<32x896xf32, #tpu.memory_space<vmem>>) target(%dma_start3A_227 : memref<32x896xf32, #tpu.memory_space<hbm>>) target_semaphore(%arg14 : memref<!tpu.dma_semaphore, #tpu.memory_space<semaphore_mem>>)
    %dma_wait3A_232 = arith.constant 3 : i32
    %dma_wait3A_233 = arith.constant 0 : i32
    %dma_wait3A_234 = arith.constant 0 : i32
    %dma_wait3A_235 = tpu.memref_slice %arg6[%dma_wait3A_232, %dma_wait3A_233, %dma_wait3A_234] : memref<4x32x896xf32, #tpu.memory_space<vmem>> -> memref<1x32x896xf32, #tpu.memory_space<vmem>>
    %dma_wait3A_236 = tpu.memref_squeeze %dma_wait3A_235 : memref<1x32x896xf32, #tpu.memory_space<vmem>> -> memref<32x896xf32, #tpu.memory_space<vmem>>
    %dma_wait3A_237 = arith.constant 0 : i32
    %dma_wait3A_238 = tpu.memref_slice %arg4[%add3A_218, %dma_wait3A_237] : memref<16384x896xf32, #tpu.memory_space<hbm>> -> memref<32x896xf32, #tpu.memory_space<hbm>>
    %dma_wait3A_239 = arith.constant 0 : i32
    %dma_wait3A_240 = tpu.memref_slice %arg4[%add3A_218, %dma_wait3A_239] : memref<16384x896xf32, #tpu.memory_space<hbm>> -> memref<32x896xf32, #tpu.memory_space<hbm>>
    %dma_wait3A_241 = arith.constant 0 : i32
    %dma_wait3A_242 = arith.constant 0 : i32
    %dma_wait3A_243 = tpu.memref_slice %arg6[%dma_wait3A_232, %dma_wait3A_241, %dma_wait3A_242] : memref<4x32x896xf32, #tpu.memory_space<vmem>> -> memref<1x32x896xf32, #tpu.memory_space<vmem>>
    %dma_wait3A_244 = tpu.memref_squeeze %dma_wait3A_243 : memref<1x32x896xf32, #tpu.memory_space<vmem>> -> memref<32x896xf32, #tpu.memory_space<vmem>>
    tpu.wait_dma2 semaphore(%arg14 : memref<!tpu.dma_semaphore, #tpu.memory_space<semaphore_mem>>) src(%dma_wait3A_244 : memref<32x896xf32, #tpu.memory_space<vmem>>) dst(%dma_wait3A_240 : memref<32x896xf32, #tpu.memory_space<hbm>>)
    %dma_start3A_245 = arith.constant 7 : i32
    %dma_start3A_246 = arith.constant 3 : i32
    %dma_start3A_247 = arith.constant 0 : i32
    %dma_start3A_248 = arith.constant 0 : i32
    %dma_start3A_249 = tpu.memref_slice %arg6[%dma_start3A_246, %dma_start3A_247, %dma_start3A_248] : memref<4x32x896xf32, #tpu.memory_space<vmem>> -> memref<1x32x896xf32, #tpu.memory_space<vmem>>
    %dma_start3A_250 = tpu.memref_squeeze %dma_start3A_249 : memref<1x32x896xf32, #tpu.memory_space<vmem>> -> memref<32x896xf32, #tpu.memory_space<vmem>>
    %dma_start3A_251 = arith.constant 0 : i32
    %dma_start3A_252 = tpu.memref_slice %arg5[%dma_start3A_245, %dma_start3A_251] : memref<16x32xi32, #tpu.memory_space<vmem>> -> memref<1x32xi32, #tpu.memory_space<vmem>>
    %dma_start3A_253 = tpu.memref_squeeze %dma_start3A_252 : memref<1x32xi32, #tpu.memory_space<vmem>> -> memref<32xi32, #tpu.memory_space<vmem>>
    %dma_start3A_254 = arith.constant 0 : i32
    %dma_start3A_255 = arith.constant 0 : i32
    %dma_start3A_256 = tpu.memref_slice %arg3[%dma_start3A_254, %dma_start3A_255] : memref<2000x896xf32, #tpu.memory_space<hbm>> -> memref<2000x896xf32, #tpu.memory_space<hbm>>
    tpu.enqueue_indirect_dma source(%dma_start3A_256 : memref<2000x896xf32, #tpu.memory_space<hbm>>) target(%dma_start3A_250 : memref<32x896xf32, #tpu.memory_space<vmem>>) offsets(%dma_start3A_253 : memref<32xi32, #tpu.memory_space<vmem>>) semaphore(%arg10 : memref<!tpu.dma_semaphore, #tpu.memory_space<semaphore_mem>>)
    %dma_wait3A_257 = arith.constant 4 : i32
    %dma_wait3A_258 = arith.constant 0 : i32
    %dma_wait3A_259 = arith.constant 0 : i32
    %dma_wait3A_260 = arith.constant 0 : i32
    %dma_wait3A_261 = tpu.memref_slice %arg6[%dma_wait3A_258, %dma_wait3A_259, %dma_wait3A_260] : memref<4x32x896xf32, #tpu.memory_space<vmem>> -> memref<1x32x896xf32, #tpu.memory_space<vmem>>
    %dma_wait3A_262 = tpu.memref_squeeze %dma_wait3A_261 : memref<1x32x896xf32, #tpu.memory_space<vmem>> -> memref<32x896xf32, #tpu.memory_space<vmem>>
    %dma_wait3A_263 = arith.constant 0 : i32
    %dma_wait3A_264 = tpu.memref_slice %arg5[%dma_wait3A_257, %dma_wait3A_263] : memref<16x32xi32, #tpu.memory_space<vmem>> -> memref<1x32xi32, #tpu.memory_space<vmem>>
    %dma_wait3A_265 = tpu.memref_squeeze %dma_wait3A_264 : memref<1x32xi32, #tpu.memory_space<vmem>> -> memref<32xi32, #tpu.memory_space<vmem>>
    %dma_wait3A_266 = arith.constant 0 : i32
    %dma_wait3A_267 = arith.constant 0 : i32
    %dma_wait3A_268 = tpu.memref_slice %arg3[%dma_wait3A_266, %dma_wait3A_267] : memref<2000x896xf32, #tpu.memory_space<hbm>> -> memref<2000x896xf32, #tpu.memory_space<hbm>>
    tpu.wait_indirect_dma semaphore(%arg7 : memref<!tpu.dma_semaphore, #tpu.memory_space<semaphore_mem>>) src(%dma_wait3A_268 : memref<2000x896xf32, #tpu.memory_space<hbm>>) dst(%dma_wait3A_262 : memref<32x896xf32, #tpu.memory_space<vmem>>)
    %add3A_269 = arith.constant 128 : i32
    %add3A_270 = arith.addi %mul3A_2, %add3A_269 : i32
    %dma_start3A_271 = arith.constant 0 : i32
    %dma_start3A_272 = arith.constant 0 : i32
    %dma_start3A_273 = arith.constant 0 : i32
    %dma_start3A_274 = tpu.memref_slice %arg6[%dma_start3A_271, %dma_start3A_272, %dma_start3A_273] : memref<4x32x896xf32, #tpu.memory_space<vmem>> -> memref<1x32x896xf32, #tpu.memory_space<vmem>>
    %dma_start3A_275 = tpu.memref_squeeze %dma_start3A_274 : memref<1x32x896xf32, #tpu.memory_space<vmem>> -> memref<32x896xf32, #tpu.memory_space<vmem>>
    %dma_start3A_276 = arith.constant 0 : i32
    %dma_start3A_277 = tpu.memref_slice %arg4[%add3A_270, %dma_start3A_276] : memref<16384x896xf32, #tpu.memory_space<hbm>> -> memref<32x896xf32, #tpu.memory_space<hbm>>
    %dma_start3A_278 = arith.constant 0 : i32
    %dma_start3A_279 = tpu.memref_slice %arg4[%add3A_270, %dma_start3A_278] : memref<16384x896xf32, #tpu.memory_space<hbm>> -> memref<32x896xf32, #tpu.memory_space<hbm>>
    %dma_start3A_280 = arith.constant 0 : i32
    %dma_start3A_281 = arith.constant 0 : i32
    %dma_start3A_282 = tpu.memref_slice %arg6[%dma_start3A_271, %dma_start3A_280, %dma_start3A_281] : memref<4x32x896xf32, #tpu.memory_space<vmem>> -> memref<1x32x896xf32, #tpu.memory_space<vmem>>
    %dma_start3A_283 = tpu.memref_squeeze %dma_start3A_282 : memref<1x32x896xf32, #tpu.memory_space<vmem>> -> memref<32x896xf32, #tpu.memory_space<vmem>>
    tpu.enqueue_dma source(%dma_start3A_283 : memref<32x896xf32, #tpu.memory_space<vmem>>) target(%dma_start3A_279 : memref<32x896xf32, #tpu.memory_space<hbm>>) target_semaphore(%arg11 : memref<!tpu.dma_semaphore, #tpu.memory_space<semaphore_mem>>)
    %dma_wait3A_284 = arith.constant 0 : i32
    %dma_wait3A_285 = arith.constant 0 : i32
    %dma_wait3A_286 = arith.constant 0 : i32
    %dma_wait3A_287 = tpu.memref_slice %arg6[%dma_wait3A_284, %dma_wait3A_285, %dma_wait3A_286] : memref<4x32x896xf32, #tpu.memory_space<vmem>> -> memref<1x32x896xf32, #tpu.memory_space<vmem>>
    %dma_wait3A_288 = tpu.memref_squeeze %dma_wait3A_287 : memref<1x32x896xf32, #tpu.memory_space<vmem>> -> memref<32x896xf32, #tpu.memory_space<vmem>>
    %dma_wait3A_289 = arith.constant 0 : i32
    %dma_wait3A_290 = tpu.memref_slice %arg4[%add3A_270, %dma_wait3A_289] : memref<16384x896xf32, #tpu.memory_space<hbm>> -> memref<32x896xf32, #tpu.memory_space<hbm>>
    %dma_wait3A_291 = arith.constant 0 : i32
    %dma_wait3A_292 = tpu.memref_slice %arg4[%add3A_270, %dma_wait3A_291] : memref<16384x896xf32, #tpu.memory_space<hbm>> -> memref<32x896xf32, #tpu.memory_space<hbm>>
    %dma_wait3A_293 = arith.constant 0 : i32
    %dma_wait3A_294 = arith.constant 0 : i32
    %dma_wait3A_295 = tpu.memref_slice %arg6[%dma_wait3A_284, %dma_wait3A_293, %dma_wait3A_294] : memref<4x32x896xf32, #tpu.memory_space<vmem>> -> memref<1x32x896xf32, #tpu.memory_space<vmem>>
    %dma_wait3A_296 = tpu.memref_squeeze %dma_wait3A_295 : memref<1x32x896xf32, #tpu.memory_space<vmem>> -> memref<32x896xf32, #tpu.memory_space<vmem>>
    tpu.wait_dma2 semaphore(%arg11 : memref<!tpu.dma_semaphore, #tpu.memory_space<semaphore_mem>>) src(%dma_wait3A_296 : memref<32x896xf32, #tpu.memory_space<vmem>>) dst(%dma_wait3A_292 : memref<32x896xf32, #tpu.memory_space<hbm>>)
    %dma_start3A_297 = arith.constant 8 : i32
    %dma_start3A_298 = arith.constant 0 : i32
    %dma_start3A_299 = arith.constant 0 : i32
    %dma_start3A_300 = arith.constant 0 : i32
    %dma_start3A_301 = tpu.memref_slice %arg6[%dma_start3A_298, %dma_start3A_299, %dma_start3A_300] : memref<4x32x896xf32, #tpu.memory_space<vmem>> -> memref<1x32x896xf32, #tpu.memory_space<vmem>>
    %dma_start3A_302 = tpu.memref_squeeze %dma_start3A_301 : memref<1x32x896xf32, #tpu.memory_space<vmem>> -> memref<32x896xf32, #tpu.memory_space<vmem>>
    %dma_start3A_303 = arith.constant 0 : i32
    %dma_start3A_304 = tpu.memref_slice %arg5[%dma_start3A_297, %dma_start3A_303] : memref<16x32xi32, #tpu.memory_space<vmem>> -> memref<1x32xi32, #tpu.memory_space<vmem>>
    %dma_start3A_305 = tpu.memref_squeeze %dma_start3A_304 : memref<1x32xi32, #tpu.memory_space<vmem>> -> memref<32xi32, #tpu.memory_space<vmem>>
    %dma_start3A_306 = arith.constant 0 : i32
    %dma_start3A_307 = arith.constant 0 : i32
    %dma_start3A_308 = tpu.memref_slice %arg3[%dma_start3A_306, %dma_start3A_307] : memref<2000x896xf32, #tpu.memory_space<hbm>> -> memref<2000x896xf32, #tpu.memory_space<hbm>>
    tpu.enqueue_indirect_dma source(%dma_start3A_308 : memref<2000x896xf32, #tpu.memory_space<hbm>>) target(%dma_start3A_302 : memref<32x896xf32, #tpu.memory_space<vmem>>) offsets(%dma_start3A_305 : memref<32xi32, #tpu.memory_space<vmem>>) semaphore(%arg7 : memref<!tpu.dma_semaphore, #tpu.memory_space<semaphore_mem>>)
    %dma_wait3A_309 = arith.constant 5 : i32
    %dma_wait3A_310 = arith.constant 1 : i32
    %dma_wait3A_311 = arith.constant 0 : i32
    %dma_wait3A_312 = arith.constant 0 : i32
    %dma_wait3A_313 = tpu.memref_slice %arg6[%dma_wait3A_310, %dma_wait3A_311, %dma_wait3A_312] : memref<4x32x896xf32, #tpu.memory_space<vmem>> -> memref<1x32x896xf32, #tpu.memory_space<vmem>>
    %dma_wait3A_314 = tpu.memref_squeeze %dma_wait3A_313 : memref<1x32x896xf32, #tpu.memory_space<vmem>> -> memref<32x896xf32, #tpu.memory_space<vmem>>
    %dma_wait3A_315 = arith.constant 0 : i32
    %dma_wait3A_316 = tpu.memref_slice %arg5[%dma_wait3A_309, %dma_wait3A_315] : memref<16x32xi32, #tpu.memory_space<vmem>> -> memref<1x32xi32, #tpu.memory_space<vmem>>
    %dma_wait3A_317 = tpu.memref_squeeze %dma_wait3A_316 : memref<1x32xi32, #tpu.memory_space<vmem>> -> memref<32xi32, #tpu.memory_space<vmem>>
    %dma_wait3A_318 = arith.constant 0 : i32
    %dma_wait3A_319 = arith.constant 0 : i32
    %dma_wait3A_320 = tpu.memref_slice %arg3[%dma_wait3A_318, %dma_wait3A_319] : memref<2000x896xf32, #tpu.memory_space<hbm>> -> memref<2000x896xf32, #tpu.memory_space<hbm>>
    tpu.wait_indirect_dma semaphore(%arg8 : memref<!tpu.dma_semaphore, #tpu.memory_space<semaphore_mem>>) src(%dma_wait3A_320 : memref<2000x896xf32, #tpu.memory_space<hbm>>) dst(%dma_wait3A_314 : memref<32x896xf32, #tpu.memory_space<vmem>>)
    %add3A_321 = arith.constant 160 : i32
    %add3A_322 = arith.addi %mul3A_2, %add3A_321 : i32
    %dma_start3A_323 = arith.constant 1 : i32
    %dma_start3A_324 = arith.constant 0 : i32
    %dma_start3A_325 = arith.constant 0 : i32
    %dma_start3A_326 = tpu.memref_slice %arg6[%dma_start3A_323, %dma_start3A_324, %dma_start3A_325] : memref<4x32x896xf32, #tpu.memory_space<vmem>> -> memref<1x32x896xf32, #tpu.memory_space<vmem>>
    %dma_start3A_327 = tpu.memref_squeeze %dma_start3A_326 : memref<1x32x896xf32, #tpu.memory_space<vmem>> -> memref<32x896xf32, #tpu.memory_space<vmem>>
    %dma_start3A_328 = arith.constant 0 : i32
    %dma_start3A_329 = tpu.memref_slice %arg4[%add3A_322, %dma_start3A_328] : memref<16384x896xf32, #tpu.memory_space<hbm>> -> memref<32x896xf32, #tpu.memory_space<hbm>>
    %dma_start3A_330 = arith.constant 0 : i32
    %dma_start3A_331 = tpu.memref_slice %arg4[%add3A_322, %dma_start3A_330] : memref<16384x896xf32, #tpu.memory_space<hbm>> -> memref<32x896xf32, #tpu.memory_space<hbm>>
    %dma_start3A_332 = arith.constant 0 : i32
    %dma_start3A_333 = arith.constant 0 : i32
    %dma_start3A_334 = tpu.memref_slice %arg6[%dma_start3A_323, %dma_start3A_332, %dma_start3A_333] : memref<4x32x896xf32, #tpu.memory_space<vmem>> -> memref<1x32x896xf32, #tpu.memory_space<vmem>>
    %dma_start3A_335 = tpu.memref_squeeze %dma_start3A_334 : memref<1x32x896xf32, #tpu.memory_space<vmem>> -> memref<32x896xf32, #tpu.memory_space<vmem>>
    tpu.enqueue_dma source(%dma_start3A_335 : memref<32x896xf32, #tpu.memory_space<vmem>>) target(%dma_start3A_331 : memref<32x896xf32, #tpu.memory_space<hbm>>) target_semaphore(%arg12 : memref<!tpu.dma_semaphore, #tpu.memory_space<semaphore_mem>>)
    %dma_wait3A_336 = arith.constant 1 : i32
    %dma_wait3A_337 = arith.constant 0 : i32
    %dma_wait3A_338 = arith.constant 0 : i32
    %dma_wait3A_339 = tpu.memref_slice %arg6[%dma_wait3A_336, %dma_wait3A_337, %dma_wait3A_338] : memref<4x32x896xf32, #tpu.memory_space<vmem>> -> memref<1x32x896xf32, #tpu.memory_space<vmem>>
    %dma_wait3A_340 = tpu.memref_squeeze %dma_wait3A_339 : memref<1x32x896xf32, #tpu.memory_space<vmem>> -> memref<32x896xf32, #tpu.memory_space<vmem>>
    %dma_wait3A_341 = arith.constant 0 : i32
    %dma_wait3A_342 = tpu.memref_slice %arg4[%add3A_322, %dma_wait3A_341] : memref<16384x896xf32, #tpu.memory_space<hbm>> -> memref<32x896xf32, #tpu.memory_space<hbm>>
    %dma_wait3A_343 = arith.constant 0 : i32
    %dma_wait3A_344 = tpu.memref_slice %arg4[%add3A_322, %dma_wait3A_343] : memref<16384x896xf32, #tpu.memory_space<hbm>> -> memref<32x896xf32, #tpu.memory_space<hbm>>
    %dma_wait3A_345 = arith.constant 0 : i32
    %dma_wait3A_346 = arith.constant 0 : i32
    %dma_wait3A_347 = tpu.memref_slice %arg6[%dma_wait3A_336, %dma_wait3A_345, %dma_wait3A_346] : memref<4x32x896xf32, #tpu.memory_space<vmem>> -> memref<1x32x896xf32, #tpu.memory_space<vmem>>
    %dma_wait3A_348 = tpu.memref_squeeze %dma_wait3A_347 : memref<1x32x896xf32, #tpu.memory_space<vmem>> -> memref<32x896xf32, #tpu.memory_space<vmem>>
    tpu.wait_dma2 semaphore(%arg12 : memref<!tpu.dma_semaphore, #tpu.memory_space<semaphore_mem>>) src(%dma_wait3A_348 : memref<32x896xf32, #tpu.memory_space<vmem>>) dst(%dma_wait3A_344 : memref<32x896xf32, #tpu.memory_space<hbm>>)
    %dma_start3A_349 = arith.constant 9 : i32
    %dma_start3A_350 = arith.constant 1 : i32
    %dma_start3A_351 = arith.constant 0 : i32
    %dma_start3A_352 = arith.constant 0 : i32
    %dma_start3A_353 = tpu.memref_slice %arg6[%dma_start3A_350, %dma_start3A_351, %dma_start3A_352] : memref<4x32x896xf32, #tpu.memory_space<vmem>> -> memref<1x32x896xf32, #tpu.memory_space<vmem>>
    %dma_start3A_354 = tpu.memref_squeeze %dma_start3A_353 : memref<1x32x896xf32, #tpu.memory_space<vmem>> -> memref<32x896xf32, #tpu.memory_space<vmem>>
    %dma_start3A_355 = arith.constant 0 : i32
    %dma_start3A_356 = tpu.memref_slice %arg5[%dma_start3A_349, %dma_start3A_355] : memref<16x32xi32, #tpu.memory_space<vmem>> -> memref<1x32xi32, #tpu.memory_space<vmem>>
    %dma_start3A_357 = tpu.memref_squeeze %dma_start3A_356 : memref<1x32xi32, #tpu.memory_space<vmem>> -> memref<32xi32, #tpu.memory_space<vmem>>
    %dma_start3A_358 = arith.constant 0 : i32
    %dma_start3A_359 = arith.constant 0 : i32
    %dma_start3A_360 = tpu.memref_slice %arg3[%dma_start3A_358, %dma_start3A_359] : memref<2000x896xf32, #tpu.memory_space<hbm>> -> memref<2000x896xf32, #tpu.memory_space<hbm>>
    tpu.enqueue_indirect_dma source(%dma_start3A_360 : memref<2000x896xf32, #tpu.memory_space<hbm>>) target(%dma_start3A_354 : memref<32x896xf32, #tpu.memory_space<vmem>>) offsets(%dma_start3A_357 : memref<32xi32, #tpu.memory_space<vmem>>) semaphore(%arg8 : memref<!tpu.dma_semaphore, #tpu.memory_space<semaphore_mem>>)
    %dma_wait3A_361 = arith.constant 6 : i32
    %dma_wait3A_362 = arith.constant 2 : i32
    %dma_wait3A_363 = arith.constant 0 : i32
    %dma_wait3A_364 = arith.constant 0 : i32
    %dma_wait3A_365 = tpu.memref_slice %arg6[%dma_wait3A_362, %dma_wait3A_363, %dma_wait3A_364] : memref<4x32x896xf32, #tpu.memory_space<vmem>> -> memref<1x32x896xf32, #tpu.memory_space<vmem>>
    %dma_wait3A_366 = tpu.memref_squeeze %dma_wait3A_365 : memref<1x32x896xf32, #tpu.memory_space<vmem>> -> memref<32x896xf32, #tpu.memory_space<vmem>>
    %dma_wait3A_367 = arith.constant 0 : i32
    %dma_wait3A_368 = tpu.memref_slice %arg5[%dma_wait3A_361, %dma_wait3A_367] : memref<16x32xi32, #tpu.memory_space<vmem>> -> memref<1x32xi32, #tpu.memory_space<vmem>>
    %dma_wait3A_369 = tpu.memref_squeeze %dma_wait3A_368 : memref<1x32xi32, #tpu.memory_space<vmem>> -> memref<32xi32, #tpu.memory_space<vmem>>
    %dma_wait3A_370 = arith.constant 0 : i32
    %dma_wait3A_371 = arith.constant 0 : i32
    %dma_wait3A_372 = tpu.memref_slice %arg3[%dma_wait3A_370, %dma_wait3A_371] : memref<2000x896xf32, #tpu.memory_space<hbm>> -> memref<2000x896xf32, #tpu.memory_space<hbm>>
    tpu.wait_indirect_dma semaphore(%arg9 : memref<!tpu.dma_semaphore, #tpu.memory_space<semaphore_mem>>) src(%dma_wait3A_372 : memref<2000x896xf32, #tpu.memory_space<hbm>>) dst(%dma_wait3A_366 : memref<32x896xf32, #tpu.memory_space<vmem>>)
    %add3A_373 = arith.constant 192 : i32
    %add3A_374 = arith.addi %mul3A_2, %add3A_373 : i32
    %dma_start3A_375 = arith.constant 2 : i32
    %dma_start3A_376 = arith.constant 0 : i32
    %dma_start3A_377 = arith.constant 0 : i32
    %dma_start3A_378 = tpu.memref_slice %arg6[%dma_start3A_375, %dma_start3A_376, %dma_start3A_377] : memref<4x32x896xf32, #tpu.memory_space<vmem>> -> memref<1x32x896xf32, #tpu.memory_space<vmem>>
    %dma_start3A_379 = tpu.memref_squeeze %dma_start3A_378 : memref<1x32x896xf32, #tpu.memory_space<vmem>> -> memref<32x896xf32, #tpu.memory_space<vmem>>
    %dma_start3A_380 = arith.constant 0 : i32
    %dma_start3A_381 = tpu.memref_slice %arg4[%add3A_374, %dma_start3A_380] : memref<16384x896xf32, #tpu.memory_space<hbm>> -> memref<32x896xf32, #tpu.memory_space<hbm>>
    %dma_start3A_382 = arith.constant 0 : i32
    %dma_start3A_383 = tpu.memref_slice %arg4[%add3A_374, %dma_start3A_382] : memref<16384x896xf32, #tpu.memory_space<hbm>> -> memref<32x896xf32, #tpu.memory_space<hbm>>
    %dma_start3A_384 = arith.constant 0 : i32
    %dma_start3A_385 = arith.constant 0 : i32
    %dma_start3A_386 = tpu.memref_slice %arg6[%dma_start3A_375, %dma_start3A_384, %dma_start3A_385] : memref<4x32x896xf32, #tpu.memory_space<vmem>> -> memref<1x32x896xf32, #tpu.memory_space<vmem>>
    %dma_start3A_387 = tpu.memref_squeeze %dma_start3A_386 : memref<1x32x896xf32, #tpu.memory_space<vmem>> -> memref<32x896xf32, #tpu.memory_space<vmem>>
    tpu.enqueue_dma source(%dma_start3A_387 : memref<32x896xf32, #tpu.memory_space<vmem>>) target(%dma_start3A_383 : memref<32x896xf32, #tpu.memory_space<hbm>>) target_semaphore(%arg13 : memref<!tpu.dma_semaphore, #tpu.memory_space<semaphore_mem>>)
    %dma_wait3A_388 = arith.constant 2 : i32
    %dma_wait3A_389 = arith.constant 0 : i32
    %dma_wait3A_390 = arith.constant 0 : i32
    %dma_wait3A_391 = tpu.memref_slice %arg6[%dma_wait3A_388, %dma_wait3A_389, %dma_wait3A_390] : memref<4x32x896xf32, #tpu.memory_space<vmem>> -> memref<1x32x896xf32, #tpu.memory_space<vmem>>
    %dma_wait3A_392 = tpu.memref_squeeze %dma_wait3A_391 : memref<1x32x896xf32, #tpu.memory_space<vmem>> -> memref<32x896xf32, #tpu.memory_space<vmem>>
    %dma_wait3A_393 = arith.constant 0 : i32
    %dma_wait3A_394 = tpu.memref_slice %arg4[%add3A_374, %dma_wait3A_393] : memref<16384x896xf32, #tpu.memory_space<hbm>> -> memref<32x896xf32, #tpu.memory_space<hbm>>
    %dma_wait3A_395 = arith.constant 0 : i32
    %dma_wait3A_396 = tpu.memref_slice %arg4[%add3A_374, %dma_wait3A_395] : memref<16384x896xf32, #tpu.memory_space<hbm>> -> memref<32x896xf32, #tpu.memory_space<hbm>>
    %dma_wait3A_397 = arith.constant 0 : i32
    %dma_wait3A_398 = arith.constant 0 : i32
    %dma_wait3A_399 = tpu.memref_slice %arg6[%dma_wait3A_388, %dma_wait3A_397, %dma_wait3A_398] : memref<4x32x896xf32, #tpu.memory_space<vmem>> -> memref<1x32x896xf32, #tpu.memory_space<vmem>>
    %dma_wait3A_400 = tpu.memref_squeeze %dma_wait3A_399 : memref<1x32x896xf32, #tpu.memory_space<vmem>> -> memref<32x896xf32, #tpu.memory_space<vmem>>
    tpu.wait_dma2 semaphore(%arg13 : memref<!tpu.dma_semaphore, #tpu.memory_space<semaphore_mem>>) src(%dma_wait3A_400 : memref<32x896xf32, #tpu.memory_space<vmem>>) dst(%dma_wait3A_396 : memref<32x896xf32, #tpu.memory_space<hbm>>)
    %dma_start3A_401 = arith.constant 10 : i32
    %dma_start3A_402 = arith.constant 2 : i32
    %dma_start3A_403 = arith.constant 0 : i32
    %dma_start3A_404 = arith.constant 0 : i32
    %dma_start3A_405 = tpu.memref_slice %arg6[%dma_start3A_402, %dma_start3A_403, %dma_start3A_404] : memref<4x32x896xf32, #tpu.memory_space<vmem>> -> memref<1x32x896xf32, #tpu.memory_space<vmem>>
    %dma_start3A_406 = tpu.memref_squeeze %dma_start3A_405 : memref<1x32x896xf32, #tpu.memory_space<vmem>> -> memref<32x896xf32, #tpu.memory_space<vmem>>
    %dma_start3A_407 = arith.constant 0 : i32
    %dma_start3A_408 = tpu.memref_slice %arg5[%dma_start3A_401, %dma_start3A_407] : memref<16x32xi32, #tpu.memory_space<vmem>> -> memref<1x32xi32, #tpu.memory_space<vmem>>
    %dma_start3A_409 = tpu.memref_squeeze %dma_start3A_408 : memref<1x32xi32, #tpu.memory_space<vmem>> -> memref<32xi32, #tpu.memory_space<vmem>>
    %dma_start3A_410 = arith.constant 0 : i32
    %dma_start3A_411 = arith.constant 0 : i32
    %dma_start3A_412 = tpu.memref_slice %arg3[%dma_start3A_410, %dma_start3A_411] : memref<2000x896xf32, #tpu.memory_space<hbm>> -> memref<2000x896xf32, #tpu.memory_space<hbm>>
    tpu.enqueue_indirect_dma source(%dma_start3A_412 : memref<2000x896xf32, #tpu.memory_space<hbm>>) target(%dma_start3A_406 : memref<32x896xf32, #tpu.memory_space<vmem>>) offsets(%dma_start3A_409 : memref<32xi32, #tpu.memory_space<vmem>>) semaphore(%arg9 : memref<!tpu.dma_semaphore, #tpu.memory_space<semaphore_mem>>)
    %dma_wait3A_413 = arith.constant 7 : i32
    %dma_wait3A_414 = arith.constant 3 : i32
    %dma_wait3A_415 = arith.constant 0 : i32
    %dma_wait3A_416 = arith.constant 0 : i32
    %dma_wait3A_417 = tpu.memref_slice %arg6[%dma_wait3A_414, %dma_wait3A_415, %dma_wait3A_416] : memref<4x32x896xf32, #tpu.memory_space<vmem>> -> memref<1x32x896xf32, #tpu.memory_space<vmem>>
    %dma_wait3A_418 = tpu.memref_squeeze %dma_wait3A_417 : memref<1x32x896xf32, #tpu.memory_space<vmem>> -> memref<32x896xf32, #tpu.memory_space<vmem>>
    %dma_wait3A_419 = arith.constant 0 : i32
    %dma_wait3A_420 = tpu.memref_slice %arg5[%dma_wait3A_413, %dma_wait3A_419] : memref<16x32xi32, #tpu.memory_space<vmem>> -> memref<1x32xi32, #tpu.memory_space<vmem>>
    %dma_wait3A_421 = tpu.memref_squeeze %dma_wait3A_420 : memref<1x32xi32, #tpu.memory_space<vmem>> -> memref<32xi32, #tpu.memory_space<vmem>>
    %dma_wait3A_422 = arith.constant 0 : i32
    %dma_wait3A_423 = arith.constant 0 : i32
    %dma_wait3A_424 = tpu.memref_slice %arg3[%dma_wait3A_422, %dma_wait3A_423] : memref<2000x896xf32, #tpu.memory_space<hbm>> -> memref<2000x896xf32, #tpu.memory_space<hbm>>
    tpu.wait_indirect_dma semaphore(%arg10 : memref<!tpu.dma_semaphore, #tpu.memory_space<semaphore_mem>>) src(%dma_wait3A_424 : memref<2000x896xf32, #tpu.memory_space<hbm>>) dst(%dma_wait3A_418 : memref<32x896xf32, #tpu.memory_space<vmem>>)
    %add3A_425 = arith.constant 224 : i32
    %add3A_426 = arith.addi %mul3A_2, %add3A_425 : i32
    %dma_start3A_427 = arith.constant 3 : i32
    %dma_start3A_428 = arith.constant 0 : i32
    %dma_start3A_429 = arith.constant 0 : i32
    %dma_start3A_430 = tpu.memref_slice %arg6[%dma_start3A_427, %dma_start3A_428, %dma_start3A_429] : memref<4x32x896xf32, #tpu.memory_space<vmem>> -> memref<1x32x896xf32, #tpu.memory_space<vmem>>
    %dma_start3A_431 = tpu.memref_squeeze %dma_start3A_430 : memref<1x32x896xf32, #tpu.memory_space<vmem>> -> memref<32x896xf32, #tpu.memory_space<vmem>>
    %dma_start3A_432 = arith.constant 0 : i32
    %dma_start3A_433 = tpu.memref_slice %arg4[%add3A_426, %dma_start3A_432] : memref<16384x896xf32, #tpu.memory_space<hbm>> -> memref<32x896xf32, #tpu.memory_space<hbm>>
    %dma_start3A_434 = arith.constant 0 : i32
    %dma_start3A_435 = tpu.memref_slice %arg4[%add3A_426, %dma_start3A_434] : memref<16384x896xf32, #tpu.memory_space<hbm>> -> memref<32x896xf32, #tpu.memory_space<hbm>>
    %dma_start3A_436 = arith.constant 0 : i32
    %dma_start3A_437 = arith.constant 0 : i32
    %dma_start3A_438 = tpu.memref_slice %arg6[%dma_start3A_427, %dma_start3A_436, %dma_start3A_437] : memref<4x32x896xf32, #tpu.memory_space<vmem>> -> memref<1x32x896xf32, #tpu.memory_space<vmem>>
    %dma_start3A_439 = tpu.memref_squeeze %dma_start3A_438 : memref<1x32x896xf32, #tpu.memory_space<vmem>> -> memref<32x896xf32, #tpu.memory_space<vmem>>
    tpu.enqueue_dma source(%dma_start3A_439 : memref<32x896xf32, #tpu.memory_space<vmem>>) target(%dma_start3A_435 : memref<32x896xf32, #tpu.memory_space<hbm>>) target_semaphore(%arg14 : memref<!tpu.dma_semaphore, #tpu.memory_space<semaphore_mem>>)
    %dma_wait3A_440 = arith.constant 3 : i32
    %dma_wait3A_441 = arith.constant 0 : i32
    %dma_wait3A_442 = arith.constant 0 : i32
    %dma_wait3A_443 = tpu.memref_slice %arg6[%dma_wait3A_440, %dma_wait3A_441, %dma_wait3A_442] : memref<4x32x896xf32, #tpu.memory_space<vmem>> -> memref<1x32x896xf32, #tpu.memory_space<vmem>>
    %dma_wait3A_444 = tpu.memref_squeeze %dma_wait3A_443 : memref<1x32x896xf32, #tpu.memory_space<vmem>> -> memref<32x896xf32, #tpu.memory_space<vmem>>
    %dma_wait3A_445 = arith.constant 0 : i32
    %dma_wait3A_446 = tpu.memref_slice %arg4[%add3A_426, %dma_wait3A_445] : memref<16384x896xf32, #tpu.memory_space<hbm>> -> memref<32x896xf32, #tpu.memory_space<hbm>>
    %dma_wait3A_447 = arith.constant 0 : i32
    %dma_wait3A_448 = tpu.memref_slice %arg4[%add3A_426, %dma_wait3A_447] : memref<16384x896xf32, #tpu.memory_space<hbm>> -> memref<32x896xf32, #tpu.memory_space<hbm>>
    %dma_wait3A_449 = arith.constant 0 : i32
    %dma_wait3A_450 = arith.constant 0 : i32
    %dma_wait3A_451 = tpu.memref_slice %arg6[%dma_wait3A_440, %dma_wait3A_449, %dma_wait3A_450] : memref<4x32x896xf32, #tpu.memory_space<vmem>> -> memref<1x32x896xf32, #tpu.memory_space<vmem>>
    %dma_wait3A_452 = tpu.memref_squeeze %dma_wait3A_451 : memref<1x32x896xf32, #tpu.memory_space<vmem>> -> memref<32x896xf32, #tpu.memory_space<vmem>>
    tpu.wait_dma2 semaphore(%arg14 : memref<!tpu.dma_semaphore, #tpu.memory_space<semaphore_mem>>) src(%dma_wait3A_452 : memref<32x896xf32, #tpu.memory_space<vmem>>) dst(%dma_wait3A_448 : memref<32x896xf32, #tpu.memory_space<hbm>>)
    %dma_start3A_453 = arith.constant 11 : i32
    %dma_start3A_454 = arith.constant 3 : i32
    %dma_start3A_455 = arith.constant 0 : i32
    %dma_start3A_456 = arith.constant 0 : i32
    %dma_start3A_457 = tpu.memref_slice %arg6[%dma_start3A_454, %dma_start3A_455, %dma_start3A_456] : memref<4x32x896xf32, #tpu.memory_space<vmem>> -> memref<1x32x896xf32, #tpu.memory_space<vmem>>
    %dma_start3A_458 = tpu.memref_squeeze %dma_start3A_457 : memref<1x32x896xf32, #tpu.memory_space<vmem>> -> memref<32x896xf32, #tpu.memory_space<vmem>>
    %dma_start3A_459 = arith.constant 0 : i32
    %dma_start3A_460 = tpu.memref_slice %arg5[%dma_start3A_453, %dma_start3A_459] : memref<16x32xi32, #tpu.memory_space<vmem>> -> memref<1x32xi32, #tpu.memory_space<vmem>>
    %dma_start3A_461 = tpu.memref_squeeze %dma_start3A_460 : memref<1x32xi32, #tpu.memory_space<vmem>> -> memref<32xi32, #tpu.memory_space<vmem>>
    %dma_start3A_462 = arith.constant 0 : i32
    %dma_start3A_463 = arith.constant 0 : i32
    %dma_start3A_464 = tpu.memref_slice %arg3[%dma_start3A_462, %dma_start3A_463] : memref<2000x896xf32, #tpu.memory_space<hbm>> -> memref<2000x896xf32, #tpu.memory_space<hbm>>
    tpu.enqueue_indirect_dma source(%dma_start3A_464 : memref<2000x896xf32, #tpu.memory_space<hbm>>) target(%dma_start3A_458 : memref<32x896xf32, #tpu.memory_space<vmem>>) offsets(%dma_start3A_461 : memref<32xi32, #tpu.memory_space<vmem>>) semaphore(%arg10 : memref<!tpu.dma_semaphore, #tpu.memory_space<semaphore_mem>>)
    %dma_wait3A_465 = arith.constant 8 : i32
    %dma_wait3A_466 = arith.constant 0 : i32
    %dma_wait3A_467 = arith.constant 0 : i32
    %dma_wait3A_468 = arith.constant 0 : i32
    %dma_wait3A_469 = tpu.memref_slice %arg6[%dma_wait3A_466, %dma_wait3A_467, %dma_wait3A_468] : memref<4x32x896xf32, #tpu.memory_space<vmem>> -> memref<1x32x896xf32, #tpu.memory_space<vmem>>
    %dma_wait3A_470 = tpu.memref_squeeze %dma_wait3A_469 : memref<1x32x896xf32, #tpu.memory_space<vmem>> -> memref<32x896xf32, #tpu.memory_space<vmem>>
    %dma_wait3A_471 = arith.constant 0 : i32
    %dma_wait3A_472 = tpu.memref_slice %arg5[%dma_wait3A_465, %dma_wait3A_471] : memref<16x32xi32, #tpu.memory_space<vmem>> -> memref<1x32xi32, #tpu.memory_space<vmem>>
    %dma_wait3A_473 = tpu.memref_squeeze %dma_wait3A_472 : memref<1x32xi32, #tpu.memory_space<vmem>> -> memref<32xi32, #tpu.memory_space<vmem>>
    %dma_wait3A_474 = arith.constant 0 : i32
    %dma_wait3A_475 = arith.constant 0 : i32
    %dma_wait3A_476 = tpu.memref_slice %arg3[%dma_wait3A_474, %dma_wait3A_475] : memref<2000x896xf32, #tpu.memory_space<hbm>> -> memref<2000x896xf32, #tpu.memory_space<hbm>>
    tpu.wait_indirect_dma semaphore(%arg7 : memref<!tpu.dma_semaphore, #tpu.memory_space<semaphore_mem>>) src(%dma_wait3A_476 : memref<2000x896xf32, #tpu.memory_space<hbm>>) dst(%dma_wait3A_470 : memref<32x896xf32, #tpu.memory_space<vmem>>)
    %add3A_477 = arith.constant 256 : i32
    %add3A_478 = arith.addi %mul3A_2, %add3A_477 : i32
    %dma_start3A_479 = arith.constant 0 : i32
    %dma_start3A_480 = arith.constant 0 : i32
    %dma_start3A_481 = arith.constant 0 : i32
    %dma_start3A_482 = tpu.memref_slice %arg6[%dma_start3A_479, %dma_start3A_480, %dma_start3A_481] : memref<4x32x896xf32, #tpu.memory_space<vmem>> -> memref<1x32x896xf32, #tpu.memory_space<vmem>>
    %dma_start3A_483 = tpu.memref_squeeze %dma_start3A_482 : memref<1x32x896xf32, #tpu.memory_space<vmem>> -> memref<32x896xf32, #tpu.memory_space<vmem>>
    %dma_start3A_484 = arith.constant 0 : i32
    %dma_start3A_485 = tpu.memref_slice %arg4[%add3A_478, %dma_start3A_484] : memref<16384x896xf32, #tpu.memory_space<hbm>> -> memref<32x896xf32, #tpu.memory_space<hbm>>
    %dma_start3A_486 = arith.constant 0 : i32
    %dma_start3A_487 = tpu.memref_slice %arg4[%add3A_478, %dma_start3A_486] : memref<16384x896xf32, #tpu.memory_space<hbm>> -> memref<32x896xf32, #tpu.memory_space<hbm>>
    %dma_start3A_488 = arith.constant 0 : i32
    %dma_start3A_489 = arith.constant 0 : i32
    %dma_start3A_490 = tpu.memref_slice %arg6[%dma_start3A_479, %dma_start3A_488, %dma_start3A_489] : memref<4x32x896xf32, #tpu.memory_space<vmem>> -> memref<1x32x896xf32, #tpu.memory_space<vmem>>
    %dma_start3A_491 = tpu.memref_squeeze %dma_start3A_490 : memref<1x32x896xf32, #tpu.memory_space<vmem>> -> memref<32x896xf32, #tpu.memory_space<vmem>>
    tpu.enqueue_dma source(%dma_start3A_491 : memref<32x896xf32, #tpu.memory_space<vmem>>) target(%dma_start3A_487 : memref<32x896xf32, #tpu.memory_space<hbm>>) target_semaphore(%arg11 : memref<!tpu.dma_semaphore, #tpu.memory_space<semaphore_mem>>)
    %dma_wait3A_492 = arith.constant 0 : i32
    %dma_wait3A_493 = arith.constant 0 : i32
    %dma_wait3A_494 = arith.constant 0 : i32
    %dma_wait3A_495 = tpu.memref_slice %arg6[%dma_wait3A_492, %dma_wait3A_493, %dma_wait3A_494] : memref<4x32x896xf32, #tpu.memory_space<vmem>> -> memref<1x32x896xf32, #tpu.memory_space<vmem>>
    %dma_wait3A_496 = tpu.memref_squeeze %dma_wait3A_495 : memref<1x32x896xf32, #tpu.memory_space<vmem>> -> memref<32x896xf32, #tpu.memory_space<vmem>>
    %dma_wait3A_497 = arith.constant 0 : i32
    %dma_wait3A_498 = tpu.memref_slice %arg4[%add3A_478, %dma_wait3A_497] : memref<16384x896xf32, #tpu.memory_space<hbm>> -> memref<32x896xf32, #tpu.memory_space<hbm>>
    %dma_wait3A_499 = arith.constant 0 : i32
    %dma_wait3A_500 = tpu.memref_slice %arg4[%add3A_478, %dma_wait3A_499] : memref<16384x896xf32, #tpu.memory_space<hbm>> -> memref<32x896xf32, #tpu.memory_space<hbm>>
    %dma_wait3A_501 = arith.constant 0 : i32
    %dma_wait3A_502 = arith.constant 0 : i32
    %dma_wait3A_503 = tpu.memref_slice %arg6[%dma_wait3A_492, %dma_wait3A_501, %dma_wait3A_502] : memref<4x32x896xf32, #tpu.memory_space<vmem>> -> memref<1x32x896xf32, #tpu.memory_space<vmem>>
    %dma_wait3A_504 = tpu.memref_squeeze %dma_wait3A_503 : memref<1x32x896xf32, #tpu.memory_space<vmem>> -> memref<32x896xf32, #tpu.memory_space<vmem>>
    tpu.wait_dma2 semaphore(%arg11 : memref<!tpu.dma_semaphore, #tpu.memory_space<semaphore_mem>>) src(%dma_wait3A_504 : memref<32x896xf32, #tpu.memory_space<vmem>>) dst(%dma_wait3A_500 : memref<32x896xf32, #tpu.memory_space<hbm>>)
    %dma_start3A_505 = arith.constant 12 : i32
    %dma_start3A_506 = arith.constant 0 : i32
    %dma_start3A_507 = arith.constant 0 : i32
    %dma_start3A_508 = arith.constant 0 : i32
    %dma_start3A_509 = tpu.memref_slice %arg6[%dma_start3A_506, %dma_start3A_507, %dma_start3A_508] : memref<4x32x896xf32, #tpu.memory_space<vmem>> -> memref<1x32x896xf32, #tpu.memory_space<vmem>>
    %dma_start3A_510 = tpu.memref_squeeze %dma_start3A_509 : memref<1x32x896xf32, #tpu.memory_space<vmem>> -> memref<32x896xf32, #tpu.memory_space<vmem>>
    %dma_start3A_511 = arith.constant 0 : i32
    %dma_start3A_512 = tpu.memref_slice %arg5[%dma_start3A_505, %dma_start3A_511] : memref<16x32xi32, #tpu.memory_space<vmem>> -> memref<1x32xi32, #tpu.memory_space<vmem>>
    %dma_start3A_513 = tpu.memref_squeeze %dma_start3A_512 : memref<1x32xi32, #tpu.memory_space<vmem>> -> memref<32xi32, #tpu.memory_space<vmem>>
    %dma_start3A_514 = arith.constant 0 : i32
    %dma_start3A_515 = arith.constant 0 : i32
    %dma_start3A_516 = tpu.memref_slice %arg3[%dma_start3A_514, %dma_start3A_515] : memref<2000x896xf32, #tpu.memory_space<hbm>> -> memref<2000x896xf32, #tpu.memory_space<hbm>>
    tpu.enqueue_indirect_dma source(%dma_start3A_516 : memref<2000x896xf32, #tpu.memory_space<hbm>>) target(%dma_start3A_510 : memref<32x896xf32, #tpu.memory_space<vmem>>) offsets(%dma_start3A_513 : memref<32xi32, #tpu.memory_space<vmem>>) semaphore(%arg7 : memref<!tpu.dma_semaphore, #tpu.memory_space<semaphore_mem>>)
    %dma_wait3A_517 = arith.constant 9 : i32
    %dma_wait3A_518 = arith.constant 1 : i32
    %dma_wait3A_519 = arith.constant 0 : i32
    %dma_wait3A_520 = arith.constant 0 : i32
    %dma_wait3A_521 = tpu.memref_slice %arg6[%dma_wait3A_518, %dma_wait3A_519, %dma_wait3A_520] : memref<4x32x896xf32, #tpu.memory_space<vmem>> -> memref<1x32x896xf32, #tpu.memory_space<vmem>>
    %dma_wait3A_522 = tpu.memref_squeeze %dma_wait3A_521 : memref<1x32x896xf32, #tpu.memory_space<vmem>> -> memref<32x896xf32, #tpu.memory_space<vmem>>
    %dma_wait3A_523 = arith.constant 0 : i32
    %dma_wait3A_524 = tpu.memref_slice %arg5[%dma_wait3A_517, %dma_wait3A_523] : memref<16x32xi32, #tpu.memory_space<vmem>> -> memref<1x32xi32, #tpu.memory_space<vmem>>
    %dma_wait3A_525 = tpu.memref_squeeze %dma_wait3A_524 : memref<1x32xi32, #tpu.memory_space<vmem>> -> memref<32xi32, #tpu.memory_space<vmem>>
    %dma_wait3A_526 = arith.constant 0 : i32
    %dma_wait3A_527 = arith.constant 0 : i32
    %dma_wait3A_528 = tpu.memref_slice %arg3[%dma_wait3A_526, %dma_wait3A_527] : memref<2000x896xf32, #tpu.memory_space<hbm>> -> memref<2000x896xf32, #tpu.memory_space<hbm>>
    tpu.wait_indirect_dma semaphore(%arg8 : memref<!tpu.dma_semaphore, #tpu.memory_space<semaphore_mem>>) src(%dma_wait3A_528 : memref<2000x896xf32, #tpu.memory_space<hbm>>) dst(%dma_wait3A_522 : memref<32x896xf32, #tpu.memory_space<vmem>>)
    %add3A_529 = arith.constant 288 : i32
    %add3A_530 = arith.addi %mul3A_2, %add3A_529 : i32
    %dma_start3A_531 = arith.constant 1 : i32
    %dma_start3A_532 = arith.constant 0 : i32
    %dma_start3A_533 = arith.constant 0 : i32
    %dma_start3A_534 = tpu.memref_slice %arg6[%dma_start3A_531, %dma_start3A_532, %dma_start3A_533] : memref<4x32x896xf32, #tpu.memory_space<vmem>> -> memref<1x32x896xf32, #tpu.memory_space<vmem>>
    %dma_start3A_535 = tpu.memref_squeeze %dma_start3A_534 : memref<1x32x896xf32, #tpu.memory_space<vmem>> -> memref<32x896xf32, #tpu.memory_space<vmem>>
    %dma_start3A_536 = arith.constant 0 : i32
    %dma_start3A_537 = tpu.memref_slice %arg4[%add3A_530, %dma_start3A_536] : memref<16384x896xf32, #tpu.memory_space<hbm>> -> memref<32x896xf32, #tpu.memory_space<hbm>>
    %dma_start3A_538 = arith.constant 0 : i32
    %dma_start3A_539 = tpu.memref_slice %arg4[%add3A_530, %dma_start3A_538] : memref<16384x896xf32, #tpu.memory_space<hbm>> -> memref<32x896xf32, #tpu.memory_space<hbm>>
    %dma_start3A_540 = arith.constant 0 : i32
    %dma_start3A_541 = arith.constant 0 : i32
    %dma_start3A_542 = tpu.memref_slice %arg6[%dma_start3A_531, %dma_start3A_540, %dma_start3A_541] : memref<4x32x896xf32, #tpu.memory_space<vmem>> -> memref<1x32x896xf32, #tpu.memory_space<vmem>>
    %dma_start3A_543 = tpu.memref_squeeze %dma_start3A_542 : memref<1x32x896xf32, #tpu.memory_space<vmem>> -> memref<32x896xf32, #tpu.memory_space<vmem>>
    tpu.enqueue_dma source(%dma_start3A_543 : memref<32x896xf32, #tpu.memory_space<vmem>>) target(%dma_start3A_539 : memref<32x896xf32, #tpu.memory_space<hbm>>) target_semaphore(%arg12 : memref<!tpu.dma_semaphore, #tpu.memory_space<semaphore_mem>>)
    %dma_wait3A_544 = arith.constant 1 : i32
    %dma_wait3A_545 = arith.constant 0 : i32
    %dma_wait3A_546 = arith.constant 0 : i32
    %dma_wait3A_547 = tpu.memref_slice %arg6[%dma_wait3A_544, %dma_wait3A_545, %dma_wait3A_546] : memref<4x32x896xf32, #tpu.memory_space<vmem>> -> memref<1x32x896xf32, #tpu.memory_space<vmem>>
    %dma_wait3A_548 = tpu.memref_squeeze %dma_wait3A_547 : memref<1x32x896xf32, #tpu.memory_space<vmem>> -> memref<32x896xf32, #tpu.memory_space<vmem>>
    %dma_wait3A_549 = arith.constant 0 : i32
    %dma_wait3A_550 = tpu.memref_slice %arg4[%add3A_530, %dma_wait3A_549] : memref<16384x896xf32, #tpu.memory_space<hbm>> -> memref<32x896xf32, #tpu.memory_space<hbm>>
    %dma_wait3A_551 = arith.constant 0 : i32
    %dma_wait3A_552 = tpu.memref_slice %arg4[%add3A_530, %dma_wait3A_551] : memref<16384x896xf32, #tpu.memory_space<hbm>> -> memref<32x896xf32, #tpu.memory_space<hbm>>
    %dma_wait3A_553 = arith.constant 0 : i32
    %dma_wait3A_554 = arith.constant 0 : i32
    %dma_wait3A_555 = tpu.memref_slice %arg6[%dma_wait3A_544, %dma_wait3A_553, %dma_wait3A_554] : memref<4x32x896xf32, #tpu.memory_space<vmem>> -> memref<1x32x896xf32, #tpu.memory_space<vmem>>
    %dma_wait3A_556 = tpu.memref_squeeze %dma_wait3A_555 : memref<1x32x896xf32, #tpu.memory_space<vmem>> -> memref<32x896xf32, #tpu.memory_space<vmem>>
    tpu.wait_dma2 semaphore(%arg12 : memref<!tpu.dma_semaphore, #tpu.memory_space<semaphore_mem>>) src(%dma_wait3A_556 : memref<32x896xf32, #tpu.memory_space<vmem>>) dst(%dma_wait3A_552 : memref<32x896xf32, #tpu.memory_space<hbm>>)
    %dma_start3A_557 = arith.constant 13 : i32
    %dma_start3A_558 = arith.constant 1 : i32
    %dma_start3A_559 = arith.constant 0 : i32
    %dma_start3A_560 = arith.constant 0 : i32
    %dma_start3A_561 = tpu.memref_slice %arg6[%dma_start3A_558, %dma_start3A_559, %dma_start3A_560] : memref<4x32x896xf32, #tpu.memory_space<vmem>> -> memref<1x32x896xf32, #tpu.memory_space<vmem>>
    %dma_start3A_562 = tpu.memref_squeeze %dma_start3A_561 : memref<1x32x896xf32, #tpu.memory_space<vmem>> -> memref<32x896xf32, #tpu.memory_space<vmem>>
    %dma_start3A_563 = arith.constant 0 : i32
    %dma_start3A_564 = tpu.memref_slice %arg5[%dma_start3A_557, %dma_start3A_563] : memref<16x32xi32, #tpu.memory_space<vmem>> -> memref<1x32xi32, #tpu.memory_space<vmem>>
    %dma_start3A_565 = tpu.memref_squeeze %dma_start3A_564 : memref<1x32xi32, #tpu.memory_space<vmem>> -> memref<32xi32, #tpu.memory_space<vmem>>
    %dma_start3A_566 = arith.constant 0 : i32
    %dma_start3A_567 = arith.constant 0 : i32
    %dma_start3A_568 = tpu.memref_slice %arg3[%dma_start3A_566, %dma_start3A_567] : memref<2000x896xf32, #tpu.memory_space<hbm>> -> memref<2000x896xf32, #tpu.memory_space<hbm>>
    tpu.enqueue_indirect_dma source(%dma_start3A_568 : memref<2000x896xf32, #tpu.memory_space<hbm>>) target(%dma_start3A_562 : memref<32x896xf32, #tpu.memory_space<vmem>>) offsets(%dma_start3A_565 : memref<32xi32, #tpu.memory_space<vmem>>) semaphore(%arg8 : memref<!tpu.dma_semaphore, #tpu.memory_space<semaphore_mem>>)
    %dma_wait3A_569 = arith.constant 10 : i32
    %dma_wait3A_570 = arith.constant 2 : i32
    %dma_wait3A_571 = arith.constant 0 : i32
    %dma_wait3A_572 = arith.constant 0 : i32
    %dma_wait3A_573 = tpu.memref_slice %arg6[%dma_wait3A_570, %dma_wait3A_571, %dma_wait3A_572] : memref<4x32x896xf32, #tpu.memory_space<vmem>> -> memref<1x32x896xf32, #tpu.memory_space<vmem>>
    %dma_wait3A_574 = tpu.memref_squeeze %dma_wait3A_573 : memref<1x32x896xf32, #tpu.memory_space<vmem>> -> memref<32x896xf32, #tpu.memory_space<vmem>>
    %dma_wait3A_575 = arith.constant 0 : i32
    %dma_wait3A_576 = tpu.memref_slice %arg5[%dma_wait3A_569, %dma_wait3A_575] : memref<16x32xi32, #tpu.memory_space<vmem>> -> memref<1x32xi32, #tpu.memory_space<vmem>>
    %dma_wait3A_577 = tpu.memref_squeeze %dma_wait3A_576 : memref<1x32xi32, #tpu.memory_space<vmem>> -> memref<32xi32, #tpu.memory_space<vmem>>
    %dma_wait3A_578 = arith.constant 0 : i32
    %dma_wait3A_579 = arith.constant 0 : i32
    %dma_wait3A_580 = tpu.memref_slice %arg3[%dma_wait3A_578, %dma_wait3A_579] : memref<2000x896xf32, #tpu.memory_space<hbm>> -> memref<2000x896xf32, #tpu.memory_space<hbm>>
    tpu.wait_indirect_dma semaphore(%arg9 : memref<!tpu.dma_semaphore, #tpu.memory_space<semaphore_mem>>) src(%dma_wait3A_580 : memref<2000x896xf32, #tpu.memory_space<hbm>>) dst(%dma_wait3A_574 : memref<32x896xf32, #tpu.memory_space<vmem>>)
    %add3A_581 = arith.constant 320 : i32
    %add3A_582 = arith.addi %mul3A_2, %add3A_581 : i32
    %dma_start3A_583 = arith.constant 2 : i32
    %dma_start3A_584 = arith.constant 0 : i32
    %dma_start3A_585 = arith.constant 0 : i32
    %dma_start3A_586 = tpu.memref_slice %arg6[%dma_start3A_583, %dma_start3A_584, %dma_start3A_585] : memref<4x32x896xf32, #tpu.memory_space<vmem>> -> memref<1x32x896xf32, #tpu.memory_space<vmem>>
    %dma_start3A_587 = tpu.memref_squeeze %dma_start3A_586 : memref<1x32x896xf32, #tpu.memory_space<vmem>> -> memref<32x896xf32, #tpu.memory_space<vmem>>
    %dma_start3A_588 = arith.constant 0 : i32
    %dma_start3A_589 = tpu.memref_slice %arg4[%add3A_582, %dma_start3A_588] : memref<16384x896xf32, #tpu.memory_space<hbm>> -> memref<32x896xf32, #tpu.memory_space<hbm>>
    %dma_start3A_590 = arith.constant 0 : i32
    %dma_start3A_591 = tpu.memref_slice %arg4[%add3A_582, %dma_start3A_590] : memref<16384x896xf32, #tpu.memory_space<hbm>> -> memref<32x896xf32, #tpu.memory_space<hbm>>
    %dma_start3A_592 = arith.constant 0 : i32
    %dma_start3A_593 = arith.constant 0 : i32
    %dma_start3A_594 = tpu.memref_slice %arg6[%dma_start3A_583, %dma_start3A_592, %dma_start3A_593] : memref<4x32x896xf32, #tpu.memory_space<vmem>> -> memref<1x32x896xf32, #tpu.memory_space<vmem>>
    %dma_start3A_595 = tpu.memref_squeeze %dma_start3A_594 : memref<1x32x896xf32, #tpu.memory_space<vmem>> -> memref<32x896xf32, #tpu.memory_space<vmem>>
    tpu.enqueue_dma source(%dma_start3A_595 : memref<32x896xf32, #tpu.memory_space<vmem>>) target(%dma_start3A_591 : memref<32x896xf32, #tpu.memory_space<hbm>>) target_semaphore(%arg13 : memref<!tpu.dma_semaphore, #tpu.memory_space<semaphore_mem>>)
    %dma_wait3A_596 = arith.constant 2 : i32
    %dma_wait3A_597 = arith.constant 0 : i32
    %dma_wait3A_598 = arith.constant 0 : i32
    %dma_wait3A_599 = tpu.memref_slice %arg6[%dma_wait3A_596, %dma_wait3A_597, %dma_wait3A_598] : memref<4x32x896xf32, #tpu.memory_space<vmem>> -> memref<1x32x896xf32, #tpu.memory_space<vmem>>
    %dma_wait3A_600 = tpu.memref_squeeze %dma_wait3A_599 : memref<1x32x896xf32, #tpu.memory_space<vmem>> -> memref<32x896xf32, #tpu.memory_space<vmem>>
    %dma_wait3A_601 = arith.constant 0 : i32
    %dma_wait3A_602 = tpu.memref_slice %arg4[%add3A_582, %dma_wait3A_601] : memref<16384x896xf32, #tpu.memory_space<hbm>> -> memref<32x896xf32, #tpu.memory_space<hbm>>
    %dma_wait3A_603 = arith.constant 0 : i32
    %dma_wait3A_604 = tpu.memref_slice %arg4[%add3A_582, %dma_wait3A_603] : memref<16384x896xf32, #tpu.memory_space<hbm>> -> memref<32x896xf32, #tpu.memory_space<hbm>>
    %dma_wait3A_605 = arith.constant 0 : i32
    %dma_wait3A_606 = arith.constant 0 : i32
    %dma_wait3A_607 = tpu.memref_slice %arg6[%dma_wait3A_596, %dma_wait3A_605, %dma_wait3A_606] : memref<4x32x896xf32, #tpu.memory_space<vmem>> -> memref<1x32x896xf32, #tpu.memory_space<vmem>>
    %dma_wait3A_608 = tpu.memref_squeeze %dma_wait3A_607 : memref<1x32x896xf32, #tpu.memory_space<vmem>> -> memref<32x896xf32, #tpu.memory_space<vmem>>
    tpu.wait_dma2 semaphore(%arg13 : memref<!tpu.dma_semaphore, #tpu.memory_space<semaphore_mem>>) src(%dma_wait3A_608 : memref<32x896xf32, #tpu.memory_space<vmem>>) dst(%dma_wait3A_604 : memref<32x896xf32, #tpu.memory_space<hbm>>)
    %dma_start3A_609 = arith.constant 14 : i32
    %dma_start3A_610 = arith.constant 2 : i32
    %dma_start3A_611 = arith.constant 0 : i32
    %dma_start3A_612 = arith.constant 0 : i32
    %dma_start3A_613 = tpu.memref_slice %arg6[%dma_start3A_610, %dma_start3A_611, %dma_start3A_612] : memref<4x32x896xf32, #tpu.memory_space<vmem>> -> memref<1x32x896xf32, #tpu.memory_space<vmem>>
    %dma_start3A_614 = tpu.memref_squeeze %dma_start3A_613 : memref<1x32x896xf32, #tpu.memory_space<vmem>> -> memref<32x896xf32, #tpu.memory_space<vmem>>
    %dma_start3A_615 = arith.constant 0 : i32
    %dma_start3A_616 = tpu.memref_slice %arg5[%dma_start3A_609, %dma_start3A_615] : memref<16x32xi32, #tpu.memory_space<vmem>> -> memref<1x32xi32, #tpu.memory_space<vmem>>
    %dma_start3A_617 = tpu.memref_squeeze %dma_start3A_616 : memref<1x32xi32, #tpu.memory_space<vmem>> -> memref<32xi32, #tpu.memory_space<vmem>>
    %dma_start3A_618 = arith.constant 0 : i32
    %dma_start3A_619 = arith.constant 0 : i32
    %dma_start3A_620 = tpu.memref_slice %arg3[%dma_start3A_618, %dma_start3A_619] : memref<2000x896xf32, #tpu.memory_space<hbm>> -> memref<2000x896xf32, #tpu.memory_space<hbm>>
    tpu.enqueue_indirect_dma source(%dma_start3A_620 : memref<2000x896xf32, #tpu.memory_space<hbm>>) target(%dma_start3A_614 : memref<32x896xf32, #tpu.memory_space<vmem>>) offsets(%dma_start3A_617 : memref<32xi32, #tpu.memory_space<vmem>>) semaphore(%arg9 : memref<!tpu.dma_semaphore, #tpu.memory_space<semaphore_mem>>)
    %dma_wait3A_621 = arith.constant 11 : i32
    %dma_wait3A_622 = arith.constant 3 : i32
    %dma_wait3A_623 = arith.constant 0 : i32
    %dma_wait3A_624 = arith.constant 0 : i32
    %dma_wait3A_625 = tpu.memref_slice %arg6[%dma_wait3A_622, %dma_wait3A_623, %dma_wait3A_624] : memref<4x32x896xf32, #tpu.memory_space<vmem>> -> memref<1x32x896xf32, #tpu.memory_space<vmem>>
    %dma_wait3A_626 = tpu.memref_squeeze %dma_wait3A_625 : memref<1x32x896xf32, #tpu.memory_space<vmem>> -> memref<32x896xf32, #tpu.memory_space<vmem>>
    %dma_wait3A_627 = arith.constant 0 : i32
    %dma_wait3A_628 = tpu.memref_slice %arg5[%dma_wait3A_621, %dma_wait3A_627] : memref<16x32xi32, #tpu.memory_space<vmem>> -> memref<1x32xi32, #tpu.memory_space<vmem>>
    %dma_wait3A_629 = tpu.memref_squeeze %dma_wait3A_628 : memref<1x32xi32, #tpu.memory_space<vmem>> -> memref<32xi32, #tpu.memory_space<vmem>>
    %dma_wait3A_630 = arith.constant 0 : i32
    %dma_wait3A_631 = arith.constant 0 : i32
    %dma_wait3A_632 = tpu.memref_slice %arg3[%dma_wait3A_630, %dma_wait3A_631] : memref<2000x896xf32, #tpu.memory_space<hbm>> -> memref<2000x896xf32, #tpu.memory_space<hbm>>
    tpu.wait_indirect_dma semaphore(%arg10 : memref<!tpu.dma_semaphore, #tpu.memory_space<semaphore_mem>>) src(%dma_wait3A_632 : memref<2000x896xf32, #tpu.memory_space<hbm>>) dst(%dma_wait3A_626 : memref<32x896xf32, #tpu.memory_space<vmem>>)
    %add3A_633 = arith.constant 352 : i32
    %add3A_634 = arith.addi %mul3A_2, %add3A_633 : i32
    %dma_start3A_635 = arith.constant 3 : i32
    %dma_start3A_636 = arith.constant 0 : i32
    %dma_start3A_637 = arith.constant 0 : i32
    %dma_start3A_638 = tpu.memref_slice %arg6[%dma_start3A_635, %dma_start3A_636, %dma_start3A_637] : memref<4x32x896xf32, #tpu.memory_space<vmem>> -> memref<1x32x896xf32, #tpu.memory_space<vmem>>
    %dma_start3A_639 = tpu.memref_squeeze %dma_start3A_638 : memref<1x32x896xf32, #tpu.memory_space<vmem>> -> memref<32x896xf32, #tpu.memory_space<vmem>>
    %dma_start3A_640 = arith.constant 0 : i32
    %dma_start3A_641 = tpu.memref_slice %arg4[%add3A_634, %dma_start3A_640] : memref<16384x896xf32, #tpu.memory_space<hbm>> -> memref<32x896xf32, #tpu.memory_space<hbm>>
    %dma_start3A_642 = arith.constant 0 : i32
    %dma_start3A_643 = tpu.memref_slice %arg4[%add3A_634, %dma_start3A_642] : memref<16384x896xf32, #tpu.memory_space<hbm>> -> memref<32x896xf32, #tpu.memory_space<hbm>>
    %dma_start3A_644 = arith.constant 0 : i32
    %dma_start3A_645 = arith.constant 0 : i32
    %dma_start3A_646 = tpu.memref_slice %arg6[%dma_start3A_635, %dma_start3A_644, %dma_start3A_645] : memref<4x32x896xf32, #tpu.memory_space<vmem>> -> memref<1x32x896xf32, #tpu.memory_space<vmem>>
    %dma_start3A_647 = tpu.memref_squeeze %dma_start3A_646 : memref<1x32x896xf32, #tpu.memory_space<vmem>> -> memref<32x896xf32, #tpu.memory_space<vmem>>
    tpu.enqueue_dma source(%dma_start3A_647 : memref<32x896xf32, #tpu.memory_space<vmem>>) target(%dma_start3A_643 : memref<32x896xf32, #tpu.memory_space<hbm>>) target_semaphore(%arg14 : memref<!tpu.dma_semaphore, #tpu.memory_space<semaphore_mem>>)
    %dma_wait3A_648 = arith.constant 3 : i32
    %dma_wait3A_649 = arith.constant 0 : i32
    %dma_wait3A_650 = arith.constant 0 : i32
    %dma_wait3A_651 = tpu.memref_slice %arg6[%dma_wait3A_648, %dma_wait3A_649, %dma_wait3A_650] : memref<4x32x896xf32, #tpu.memory_space<vmem>> -> memref<1x32x896xf32, #tpu.memory_space<vmem>>
    %dma_wait3A_652 = tpu.memref_squeeze %dma_wait3A_651 : memref<1x32x896xf32, #tpu.memory_space<vmem>> -> memref<32x896xf32, #tpu.memory_space<vmem>>
    %dma_wait3A_653 = arith.constant 0 : i32
    %dma_wait3A_654 = tpu.memref_slice %arg4[%add3A_634, %dma_wait3A_653] : memref<16384x896xf32, #tpu.memory_space<hbm>> -> memref<32x896xf32, #tpu.memory_space<hbm>>
    %dma_wait3A_655 = arith.constant 0 : i32
    %dma_wait3A_656 = tpu.memref_slice %arg4[%add3A_634, %dma_wait3A_655] : memref<16384x896xf32, #tpu.memory_space<hbm>> -> memref<32x896xf32, #tpu.memory_space<hbm>>
    %dma_wait3A_657 = arith.constant 0 : i32
    %dma_wait3A_658 = arith.constant 0 : i32
    %dma_wait3A_659 = tpu.memref_slice %arg6[%dma_wait3A_648, %dma_wait3A_657, %dma_wait3A_658] : memref<4x32x896xf32, #tpu.memory_space<vmem>> -> memref<1x32x896xf32, #tpu.memory_space<vmem>>
    %dma_wait3A_660 = tpu.memref_squeeze %dma_wait3A_659 : memref<1x32x896xf32, #tpu.memory_space<vmem>> -> memref<32x896xf32, #tpu.memory_space<vmem>>
    tpu.wait_dma2 semaphore(%arg14 : memref<!tpu.dma_semaphore, #tpu.memory_space<semaphore_mem>>) src(%dma_wait3A_660 : memref<32x896xf32, #tpu.memory_space<vmem>>) dst(%dma_wait3A_656 : memref<32x896xf32, #tpu.memory_space<hbm>>)
    %dma_start3A_661 = arith.constant 15 : i32
    %dma_start3A_662 = arith.constant 3 : i32
    %dma_start3A_663 = arith.constant 0 : i32
    %dma_start3A_664 = arith.constant 0 : i32
    %dma_start3A_665 = tpu.memref_slice %arg6[%dma_start3A_662, %dma_start3A_663, %dma_start3A_664] : memref<4x32x896xf32, #tpu.memory_space<vmem>> -> memref<1x32x896xf32, #tpu.memory_space<vmem>>
    %dma_start3A_666 = tpu.memref_squeeze %dma_start3A_665 : memref<1x32x896xf32, #tpu.memory_space<vmem>> -> memref<32x896xf32, #tpu.memory_space<vmem>>
    %dma_start3A_667 = arith.constant 0 : i32
    %dma_start3A_668 = tpu.memref_slice %arg5[%dma_start3A_661, %dma_start3A_667] : memref<16x32xi32, #tpu.memory_space<vmem>> -> memref<1x32xi32, #tpu.memory_space<vmem>>
    %dma_start3A_669 = tpu.memref_squeeze %dma_start3A_668 : memref<1x32xi32, #tpu.memory_space<vmem>> -> memref<32xi32, #tpu.memory_space<vmem>>
    %dma_start3A_670 = arith.constant 0 : i32
    %dma_start3A_671 = arith.constant 0 : i32
    %dma_start3A_672 = tpu.memref_slice %arg3[%dma_start3A_670, %dma_start3A_671] : memref<2000x896xf32, #tpu.memory_space<hbm>> -> memref<2000x896xf32, #tpu.memory_space<hbm>>
    tpu.enqueue_indirect_dma source(%dma_start3A_672 : memref<2000x896xf32, #tpu.memory_space<hbm>>) target(%dma_start3A_666 : memref<32x896xf32, #tpu.memory_space<vmem>>) offsets(%dma_start3A_669 : memref<32xi32, #tpu.memory_space<vmem>>) semaphore(%arg10 : memref<!tpu.dma_semaphore, #tpu.memory_space<semaphore_mem>>)
    %dma_wait3A_673 = arith.constant 12 : i32
    %dma_wait3A_674 = arith.constant 0 : i32
    %dma_wait3A_675 = arith.constant 0 : i32
    %dma_wait3A_676 = arith.constant 0 : i32
    %dma_wait3A_677 = tpu.memref_slice %arg6[%dma_wait3A_674, %dma_wait3A_675, %dma_wait3A_676] : memref<4x32x896xf32, #tpu.memory_space<vmem>> -> memref<1x32x896xf32, #tpu.memory_space<vmem>>
    %dma_wait3A_678 = tpu.memref_squeeze %dma_wait3A_677 : memref<1x32x896xf32, #tpu.memory_space<vmem>> -> memref<32x896xf32, #tpu.memory_space<vmem>>
    %dma_wait3A_679 = arith.constant 0 : i32
    %dma_wait3A_680 = tpu.memref_slice %arg5[%dma_wait3A_673, %dma_wait3A_679] : memref<16x32xi32, #tpu.memory_space<vmem>> -> memref<1x32xi32, #tpu.memory_space<vmem>>
    %dma_wait3A_681 = tpu.memref_squeeze %dma_wait3A_680 : memref<1x32xi32, #tpu.memory_space<vmem>> -> memref<32xi32, #tpu.memory_space<vmem>>
    %dma_wait3A_682 = arith.constant 0 : i32
    %dma_wait3A_683 = arith.constant 0 : i32
    %dma_wait3A_684 = tpu.memref_slice %arg3[%dma_wait3A_682, %dma_wait3A_683] : memref<2000x896xf32, #tpu.memory_space<hbm>> -> memref<2000x896xf32, #tpu.memory_space<hbm>>
    tpu.wait_indirect_dma semaphore(%arg7 : memref<!tpu.dma_semaphore, #tpu.memory_space<semaphore_mem>>) src(%dma_wait3A_684 : memref<2000x896xf32, #tpu.memory_space<hbm>>) dst(%dma_wait3A_678 : memref<32x896xf32, #tpu.memory_space<vmem>>)
    %add3A_685 = arith.constant 384 : i32
    %add3A_686 = arith.addi %mul3A_2, %add3A_685 : i32
    %dma_start3A_687 = arith.constant 0 : i32
    %dma_start3A_688 = arith.constant 0 : i32
    %dma_start3A_689 = arith.constant 0 : i32
    %dma_start3A_690 = tpu.memref_slice %arg6[%dma_start3A_687, %dma_start3A_688, %dma_start3A_689] : memref<4x32x896xf32, #tpu.memory_space<vmem>> -> memref<1x32x896xf32, #tpu.memory_space<vmem>>
    %dma_start3A_691 = tpu.memref_squeeze %dma_start3A_690 : memref<1x32x896xf32, #tpu.memory_space<vmem>> -> memref<32x896xf32, #tpu.memory_space<vmem>>
    %dma_start3A_692 = arith.constant 0 : i32
    %dma_start3A_693 = tpu.memref_slice %arg4[%add3A_686, %dma_start3A_692] : memref<16384x896xf32, #tpu.memory_space<hbm>> -> memref<32x896xf32, #tpu.memory_space<hbm>>
    %dma_start3A_694 = arith.constant 0 : i32
    %dma_start3A_695 = tpu.memref_slice %arg4[%add3A_686, %dma_start3A_694] : memref<16384x896xf32, #tpu.memory_space<hbm>> -> memref<32x896xf32, #tpu.memory_space<hbm>>
    %dma_start3A_696 = arith.constant 0 : i32
    %dma_start3A_697 = arith.constant 0 : i32
    %dma_start3A_698 = tpu.memref_slice %arg6[%dma_start3A_687, %dma_start3A_696, %dma_start3A_697] : memref<4x32x896xf32, #tpu.memory_space<vmem>> -> memref<1x32x896xf32, #tpu.memory_space<vmem>>
    %dma_start3A_699 = tpu.memref_squeeze %dma_start3A_698 : memref<1x32x896xf32, #tpu.memory_space<vmem>> -> memref<32x896xf32, #tpu.memory_space<vmem>>
    tpu.enqueue_dma source(%dma_start3A_699 : memref<32x896xf32, #tpu.memory_space<vmem>>) target(%dma_start3A_695 : memref<32x896xf32, #tpu.memory_space<hbm>>) target_semaphore(%arg11 : memref<!tpu.dma_semaphore, #tpu.memory_space<semaphore_mem>>)
    %dma_wait3A_700 = arith.constant 13 : i32
    %dma_wait3A_701 = arith.constant 1 : i32
    %dma_wait3A_702 = arith.constant 0 : i32
    %dma_wait3A_703 = arith.constant 0 : i32
    %dma_wait3A_704 = tpu.memref_slice %arg6[%dma_wait3A_701, %dma_wait3A_702, %dma_wait3A_703] : memref<4x32x896xf32, #tpu.memory_space<vmem>> -> memref<1x32x896xf32, #tpu.memory_space<vmem>>
    %dma_wait3A_705 = tpu.memref_squeeze %dma_wait3A_704 : memref<1x32x896xf32, #tpu.memory_space<vmem>> -> memref<32x896xf32, #tpu.memory_space<vmem>>
    %dma_wait3A_706 = arith.constant 0 : i32
    %dma_wait3A_707 = tpu.memref_slice %arg5[%dma_wait3A_700, %dma_wait3A_706] : memref<16x32xi32, #tpu.memory_space<vmem>> -> memref<1x32xi32, #tpu.memory_space<vmem>>
    %dma_wait3A_708 = tpu.memref_squeeze %dma_wait3A_707 : memref<1x32xi32, #tpu.memory_space<vmem>> -> memref<32xi32, #tpu.memory_space<vmem>>
    %dma_wait3A_709 = arith.constant 0 : i32
    %dma_wait3A_710 = arith.constant 0 : i32
    %dma_wait3A_711 = tpu.memref_slice %arg3[%dma_wait3A_709, %dma_wait3A_710] : memref<2000x896xf32, #tpu.memory_space<hbm>> -> memref<2000x896xf32, #tpu.memory_space<hbm>>
    tpu.wait_indirect_dma semaphore(%arg8 : memref<!tpu.dma_semaphore, #tpu.memory_space<semaphore_mem>>) src(%dma_wait3A_711 : memref<2000x896xf32, #tpu.memory_space<hbm>>) dst(%dma_wait3A_705 : memref<32x896xf32, #tpu.memory_space<vmem>>)
    %add3A_712 = arith.constant 416 : i32
    %add3A_713 = arith.addi %mul3A_2, %add3A_712 : i32
    %dma_start3A_714 = arith.constant 1 : i32
    %dma_start3A_715 = arith.constant 0 : i32
    %dma_start3A_716 = arith.constant 0 : i32
    %dma_start3A_717 = tpu.memref_slice %arg6[%dma_start3A_714, %dma_start3A_715, %dma_start3A_716] : memref<4x32x896xf32, #tpu.memory_space<vmem>> -> memref<1x32x896xf32, #tpu.memory_space<vmem>>
    %dma_start3A_718 = tpu.memref_squeeze %dma_start3A_717 : memref<1x32x896xf32, #tpu.memory_space<vmem>> -> memref<32x896xf32, #tpu.memory_space<vmem>>
    %dma_start3A_719 = arith.constant 0 : i32
    %dma_start3A_720 = tpu.memref_slice %arg4[%add3A_713, %dma_start3A_719] : memref<16384x896xf32, #tpu.memory_space<hbm>> -> memref<32x896xf32, #tpu.memory_space<hbm>>
    %dma_start3A_721 = arith.constant 0 : i32
    %dma_start3A_722 = tpu.memref_slice %arg4[%add3A_713, %dma_start3A_721] : memref<16384x896xf32, #tpu.memory_space<hbm>> -> memref<32x896xf32, #tpu.memory_space<hbm>>
    %dma_start3A_723 = arith.constant 0 : i32
    %dma_start3A_724 = arith.constant 0 : i32
    %dma_start3A_725 = tpu.memref_slice %arg6[%dma_start3A_714, %dma_start3A_723, %dma_start3A_724] : memref<4x32x896xf32, #tpu.memory_space<vmem>> -> memref<1x32x896xf32, #tpu.memory_space<vmem>>
    %dma_start3A_726 = tpu.memref_squeeze %dma_start3A_725 : memref<1x32x896xf32, #tpu.memory_space<vmem>> -> memref<32x896xf32, #tpu.memory_space<vmem>>
    tpu.enqueue_dma source(%dma_start3A_726 : memref<32x896xf32, #tpu.memory_space<vmem>>) target(%dma_start3A_722 : memref<32x896xf32, #tpu.memory_space<hbm>>) target_semaphore(%arg12 : memref<!tpu.dma_semaphore, #tpu.memory_space<semaphore_mem>>)
    %dma_wait3A_727 = arith.constant 14 : i32
    %dma_wait3A_728 = arith.constant 2 : i32
    %dma_wait3A_729 = arith.constant 0 : i32
    %dma_wait3A_730 = arith.constant 0 : i32
    %dma_wait3A_731 = tpu.memref_slice %arg6[%dma_wait3A_728, %dma_wait3A_729, %dma_wait3A_730] : memref<4x32x896xf32, #tpu.memory_space<vmem>> -> memref<1x32x896xf32, #tpu.memory_space<vmem>>
    %dma_wait3A_732 = tpu.memref_squeeze %dma_wait3A_731 : memref<1x32x896xf32, #tpu.memory_space<vmem>> -> memref<32x896xf32, #tpu.memory_space<vmem>>
    %dma_wait3A_733 = arith.constant 0 : i32
    %dma_wait3A_734 = tpu.memref_slice %arg5[%dma_wait3A_727, %dma_wait3A_733] : memref<16x32xi32, #tpu.memory_space<vmem>> -> memref<1x32xi32, #tpu.memory_space<vmem>>
    %dma_wait3A_735 = tpu.memref_squeeze %dma_wait3A_734 : memref<1x32xi32, #tpu.memory_space<vmem>> -> memref<32xi32, #tpu.memory_space<vmem>>
    %dma_wait3A_736 = arith.constant 0 : i32
    %dma_wait3A_737 = arith.constant 0 : i32
    %dma_wait3A_738 = tpu.memref_slice %arg3[%dma_wait3A_736, %dma_wait3A_737] : memref<2000x896xf32, #tpu.memory_space<hbm>> -> memref<2000x896xf32, #tpu.memory_space<hbm>>
    tpu.wait_indirect_dma semaphore(%arg9 : memref<!tpu.dma_semaphore, #tpu.memory_space<semaphore_mem>>) src(%dma_wait3A_738 : memref<2000x896xf32, #tpu.memory_space<hbm>>) dst(%dma_wait3A_732 : memref<32x896xf32, #tpu.memory_space<vmem>>)
    %add3A_739 = arith.constant 448 : i32
    %add3A_740 = arith.addi %mul3A_2, %add3A_739 : i32
    %dma_start3A_741 = arith.constant 2 : i32
    %dma_start3A_742 = arith.constant 0 : i32
    %dma_start3A_743 = arith.constant 0 : i32
    %dma_start3A_744 = tpu.memref_slice %arg6[%dma_start3A_741, %dma_start3A_742, %dma_start3A_743] : memref<4x32x896xf32, #tpu.memory_space<vmem>> -> memref<1x32x896xf32, #tpu.memory_space<vmem>>
    %dma_start3A_745 = tpu.memref_squeeze %dma_start3A_744 : memref<1x32x896xf32, #tpu.memory_space<vmem>> -> memref<32x896xf32, #tpu.memory_space<vmem>>
    %dma_start3A_746 = arith.constant 0 : i32
    %dma_start3A_747 = tpu.memref_slice %arg4[%add3A_740, %dma_start3A_746] : memref<16384x896xf32, #tpu.memory_space<hbm>> -> memref<32x896xf32, #tpu.memory_space<hbm>>
    %dma_start3A_748 = arith.constant 0 : i32
    %dma_start3A_749 = tpu.memref_slice %arg4[%add3A_740, %dma_start3A_748] : memref<16384x896xf32, #tpu.memory_space<hbm>> -> memref<32x896xf32, #tpu.memory_space<hbm>>
    %dma_start3A_750 = arith.constant 0 : i32
    %dma_start3A_751 = arith.constant 0 : i32
    %dma_start3A_752 = tpu.memref_slice %arg6[%dma_start3A_741, %dma_start3A_750, %dma_start3A_751] : memref<4x32x896xf32, #tpu.memory_space<vmem>> -> memref<1x32x896xf32, #tpu.memory_space<vmem>>
    %dma_start3A_753 = tpu.memref_squeeze %dma_start3A_752 : memref<1x32x896xf32, #tpu.memory_space<vmem>> -> memref<32x896xf32, #tpu.memory_space<vmem>>
    tpu.enqueue_dma source(%dma_start3A_753 : memref<32x896xf32, #tpu.memory_space<vmem>>) target(%dma_start3A_749 : memref<32x896xf32, #tpu.memory_space<hbm>>) target_semaphore(%arg13 : memref<!tpu.dma_semaphore, #tpu.memory_space<semaphore_mem>>)
    %dma_wait3A_754 = arith.constant 15 : i32
    %dma_wait3A_755 = arith.constant 3 : i32
    %dma_wait3A_756 = arith.constant 0 : i32
    %dma_wait3A_757 = arith.constant 0 : i32
    %dma_wait3A_758 = tpu.memref_slice %arg6[%dma_wait3A_755, %dma_wait3A_756, %dma_wait3A_757] : memref<4x32x896xf32, #tpu.memory_space<vmem>> -> memref<1x32x896xf32, #tpu.memory_space<vmem>>
    %dma_wait3A_759 = tpu.memref_squeeze %dma_wait3A_758 : memref<1x32x896xf32, #tpu.memory_space<vmem>> -> memref<32x896xf32, #tpu.memory_space<vmem>>
    %dma_wait3A_760 = arith.constant 0 : i32
    %dma_wait3A_761 = tpu.memref_slice %arg5[%dma_wait3A_754, %dma_wait3A_760] : memref<16x32xi32, #tpu.memory_space<vmem>> -> memref<1x32xi32, #tpu.memory_space<vmem>>
    %dma_wait3A_762 = tpu.memref_squeeze %dma_wait3A_761 : memref<1x32xi32, #tpu.memory_space<vmem>> -> memref<32xi32, #tpu.memory_space<vmem>>
    %dma_wait3A_763 = arith.constant 0 : i32
    %dma_wait3A_764 = arith.constant 0 : i32
    %dma_wait3A_765 = tpu.memref_slice %arg3[%dma_wait3A_763, %dma_wait3A_764] : memref<2000x896xf32, #tpu.memory_space<hbm>> -> memref<2000x896xf32, #tpu.memory_space<hbm>>
    tpu.wait_indirect_dma semaphore(%arg10 : memref<!tpu.dma_semaphore, #tpu.memory_space<semaphore_mem>>) src(%dma_wait3A_765 : memref<2000x896xf32, #tpu.memory_space<hbm>>) dst(%dma_wait3A_759 : memref<32x896xf32, #tpu.memory_space<vmem>>)
    %add3A_766 = arith.constant 480 : i32
    %add3A_767 = arith.addi %mul3A_2, %add3A_766 : i32
    %dma_start3A_768 = arith.constant 3 : i32
    %dma_start3A_769 = arith.constant 0 : i32
    %dma_start3A_770 = arith.constant 0 : i32
    %dma_start3A_771 = tpu.memref_slice %arg6[%dma_start3A_768, %dma_start3A_769, %dma_start3A_770] : memref<4x32x896xf32, #tpu.memory_space<vmem>> -> memref<1x32x896xf32, #tpu.memory_space<vmem>>
    %dma_start3A_772 = tpu.memref_squeeze %dma_start3A_771 : memref<1x32x896xf32, #tpu.memory_space<vmem>> -> memref<32x896xf32, #tpu.memory_space<vmem>>
    %dma_start3A_773 = arith.constant 0 : i32
    %dma_start3A_774 = tpu.memref_slice %arg4[%add3A_767, %dma_start3A_773] : memref<16384x896xf32, #tpu.memory_space<hbm>> -> memref<32x896xf32, #tpu.memory_space<hbm>>
    %dma_start3A_775 = arith.constant 0 : i32
    %dma_start3A_776 = tpu.memref_slice %arg4[%add3A_767, %dma_start3A_775] : memref<16384x896xf32, #tpu.memory_space<hbm>> -> memref<32x896xf32, #tpu.memory_space<hbm>>
    %dma_start3A_777 = arith.constant 0 : i32
    %dma_start3A_778 = arith.constant 0 : i32
    %dma_start3A_779 = tpu.memref_slice %arg6[%dma_start3A_768, %dma_start3A_777, %dma_start3A_778] : memref<4x32x896xf32, #tpu.memory_space<vmem>> -> memref<1x32x896xf32, #tpu.memory_space<vmem>>
    %dma_start3A_780 = tpu.memref_squeeze %dma_start3A_779 : memref<1x32x896xf32, #tpu.memory_space<vmem>> -> memref<32x896xf32, #tpu.memory_space<vmem>>
    tpu.enqueue_dma source(%dma_start3A_780 : memref<32x896xf32, #tpu.memory_space<vmem>>) target(%dma_start3A_776 : memref<32x896xf32, #tpu.memory_space<hbm>>) target_semaphore(%arg14 : memref<!tpu.dma_semaphore, #tpu.memory_space<semaphore_mem>>)
    %dma_wait3A_781 = arith.constant 0 : i32
    %dma_wait3A_782 = arith.constant 0 : i32
    %dma_wait3A_783 = arith.constant 0 : i32
    %dma_wait3A_784 = tpu.memref_slice %arg6[%dma_wait3A_781, %dma_wait3A_782, %dma_wait3A_783] : memref<4x32x896xf32, #tpu.memory_space<vmem>> -> memref<1x32x896xf32, #tpu.memory_space<vmem>>
    %dma_wait3A_785 = tpu.memref_squeeze %dma_wait3A_784 : memref<1x32x896xf32, #tpu.memory_space<vmem>> -> memref<32x896xf32, #tpu.memory_space<vmem>>
    %dma_wait3A_786 = arith.constant 0 : i32
    %dma_wait3A_787 = tpu.memref_slice %arg4[%add3A_686, %dma_wait3A_786] : memref<16384x896xf32, #tpu.memory_space<hbm>> -> memref<32x896xf32, #tpu.memory_space<hbm>>
    %dma_wait3A_788 = arith.constant 0 : i32
    %dma_wait3A_789 = tpu.memref_slice %arg4[%add3A_686, %dma_wait3A_788] : memref<16384x896xf32, #tpu.memory_space<hbm>> -> memref<32x896xf32, #tpu.memory_space<hbm>>
    %dma_wait3A_790 = arith.constant 0 : i32
    %dma_wait3A_791 = arith.constant 0 : i32
    %dma_wait3A_792 = tpu.memref_slice %arg6[%dma_wait3A_781, %dma_wait3A_790, %dma_wait3A_791] : memref<4x32x896xf32, #tpu.memory_space<vmem>> -> memref<1x32x896xf32, #tpu.memory_space<vmem>>
    %dma_wait3A_793 = tpu.memref_squeeze %dma_wait3A_792 : memref<1x32x896xf32, #tpu.memory_space<vmem>> -> memref<32x896xf32, #tpu.memory_space<vmem>>
    tpu.wait_dma2 semaphore(%arg11 : memref<!tpu.dma_semaphore, #tpu.memory_space<semaphore_mem>>) src(%dma_wait3A_793 : memref<32x896xf32, #tpu.memory_space<vmem>>) dst(%dma_wait3A_789 : memref<32x896xf32, #tpu.memory_space<hbm>>)
    %dma_wait3A_794 = arith.constant 1 : i32
    %dma_wait3A_795 = arith.constant 0 : i32
    %dma_wait3A_796 = arith.constant 0 : i32
    %dma_wait3A_797 = tpu.memref_slice %arg6[%dma_wait3A_794, %dma_wait3A_795, %dma_wait3A_796] : memref<4x32x896xf32, #tpu.memory_space<vmem>> -> memref<1x32x896xf32, #tpu.memory_space<vmem>>
    %dma_wait3A_798 = tpu.memref_squeeze %dma_wait3A_797 : memref<1x32x896xf32, #tpu.memory_space<vmem>> -> memref<32x896xf32, #tpu.memory_space<vmem>>
    %dma_wait3A_799 = arith.constant 0 : i32
    %dma_wait3A_800 = tpu.memref_slice %arg4[%add3A_713, %dma_wait3A_799] : memref<16384x896xf32, #tpu.memory_space<hbm>> -> memref<32x896xf32, #tpu.memory_space<hbm>>
    %dma_wait3A_801 = arith.constant 0 : i32
    %dma_wait3A_802 = tpu.memref_slice %arg4[%add3A_713, %dma_wait3A_801] : memref<16384x896xf32, #tpu.memory_space<hbm>> -> memref<32x896xf32, #tpu.memory_space<hbm>>
    %dma_wait3A_803 = arith.constant 0 : i32
    %dma_wait3A_804 = arith.constant 0 : i32
    %dma_wait3A_805 = tpu.memref_slice %arg6[%dma_wait3A_794, %dma_wait3A_803, %dma_wait3A_804] : memref<4x32x896xf32, #tpu.memory_space<vmem>> -> memref<1x32x896xf32, #tpu.memory_space<vmem>>
    %dma_wait3A_806 = tpu.memref_squeeze %dma_wait3A_805 : memref<1x32x896xf32, #tpu.memory_space<vmem>> -> memref<32x896xf32, #tpu.memory_space<vmem>>
    tpu.wait_dma2 semaphore(%arg12 : memref<!tpu.dma_semaphore, #tpu.memory_space<semaphore_mem>>) src(%dma_wait3A_806 : memref<32x896xf32, #tpu.memory_space<vmem>>) dst(%dma_wait3A_802 : memref<32x896xf32, #tpu.memory_space<hbm>>)
    %dma_wait3A_807 = arith.constant 2 : i32
    %dma_wait3A_808 = arith.constant 0 : i32
    %dma_wait3A_809 = arith.constant 0 : i32
    %dma_wait3A_810 = tpu.memref_slice %arg6[%dma_wait3A_807, %dma_wait3A_808, %dma_wait3A_809] : memref<4x32x896xf32, #tpu.memory_space<vmem>> -> memref<1x32x896xf32, #tpu.memory_space<vmem>>
    %dma_wait3A_811 = tpu.memref_squeeze %dma_wait3A_810 : memref<1x32x896xf32, #tpu.memory_space<vmem>> -> memref<32x896xf32, #tpu.memory_space<vmem>>
    %dma_wait3A_812 = arith.constant 0 : i32
    %dma_wait3A_813 = tpu.memref_slice %arg4[%add3A_740, %dma_wait3A_812] : memref<16384x896xf32, #tpu.memory_space<hbm>> -> memref<32x896xf32, #tpu.memory_space<hbm>>
    %dma_wait3A_814 = arith.constant 0 : i32
    %dma_wait3A_815 = tpu.memref_slice %arg4[%add3A_740, %dma_wait3A_814] : memref<16384x896xf32, #tpu.memory_space<hbm>> -> memref<32x896xf32, #tpu.memory_space<hbm>>
    %dma_wait3A_816 = arith.constant 0 : i32
    %dma_wait3A_817 = arith.constant 0 : i32
    %dma_wait3A_818 = tpu.memref_slice %arg6[%dma_wait3A_807, %dma_wait3A_816, %dma_wait3A_817] : memref<4x32x896xf32, #tpu.memory_space<vmem>> -> memref<1x32x896xf32, #tpu.memory_space<vmem>>
    %dma_wait3A_819 = tpu.memref_squeeze %dma_wait3A_818 : memref<1x32x896xf32, #tpu.memory_space<vmem>> -> memref<32x896xf32, #tpu.memory_space<vmem>>
    tpu.wait_dma2 semaphore(%arg13 : memref<!tpu.dma_semaphore, #tpu.memory_space<semaphore_mem>>) src(%dma_wait3A_819 : memref<32x896xf32, #tpu.memory_space<vmem>>) dst(%dma_wait3A_815 : memref<32x896xf32, #tpu.memory_space<hbm>>)
    %dma_wait3A_820 = arith.constant 3 : i32
    %dma_wait3A_821 = arith.constant 0 : i32
    %dma_wait3A_822 = arith.constant 0 : i32
    %dma_wait3A_823 = tpu.memref_slice %arg6[%dma_wait3A_820, %dma_wait3A_821, %dma_wait3A_822] : memref<4x32x896xf32, #tpu.memory_space<vmem>> -> memref<1x32x896xf32, #tpu.memory_space<vmem>>
    %dma_wait3A_824 = tpu.memref_squeeze %dma_wait3A_823 : memref<1x32x896xf32, #tpu.memory_space<vmem>> -> memref<32x896xf32, #tpu.memory_space<vmem>>
    %dma_wait3A_825 = arith.constant 0 : i32
    %dma_wait3A_826 = tpu.memref_slice %arg4[%add3A_767, %dma_wait3A_825] : memref<16384x896xf32, #tpu.memory_space<hbm>> -> memref<32x896xf32, #tpu.memory_space<hbm>>
    %dma_wait3A_827 = arith.constant 0 : i32
    %dma_wait3A_828 = tpu.memref_slice %arg4[%add3A_767, %dma_wait3A_827] : memref<16384x896xf32, #tpu.memory_space<hbm>> -> memref<32x896xf32, #tpu.memory_space<hbm>>
    %dma_wait3A_829 = arith.constant 0 : i32
    %dma_wait3A_830 = arith.constant 0 : i32
    %dma_wait3A_831 = tpu.memref_slice %arg6[%dma_wait3A_820, %dma_wait3A_829, %dma_wait3A_830] : memref<4x32x896xf32, #tpu.memory_space<vmem>> -> memref<1x32x896xf32, #tpu.memory_space<vmem>>
    %dma_wait3A_832 = tpu.memref_squeeze %dma_wait3A_831 : memref<1x32x896xf32, #tpu.memory_space<vmem>> -> memref<32x896xf32, #tpu.memory_space<vmem>>
    tpu.wait_dma2 semaphore(%arg14 : memref<!tpu.dma_semaphore, #tpu.memory_space<semaphore_mem>>) src(%dma_wait3A_832 : memref<32x896xf32, #tpu.memory_space<vmem>>) dst(%dma_wait3A_828 : memref<32x896xf32, #tpu.memory_space<hbm>>)
    return
  }
}

module attributes {stable_mosaic.version = 14 : i64} {
  func.func @_tc_body(%arg0: i32, %arg1: memref<1024x896xf32, #tpu.memory_space<vmem>>, %arg2: memref<2000x896xf32, #tpu.memory_space<vmem>>, %arg3: memref<1x128xf32, #tpu.memory_space<vmem>>, %arg4: memref<1x128xf32, #tpu.memory_space<vmem>>, %arg5: memref<128x896xf32, #tpu.memory_space<vmem>>, %arg6: memref<128x896xf32, #tpu.memory_space<vmem>>, %arg7: memref<1024x1xi32, #tpu.memory_space<vmem>>, %arg8: memref<1024x2x128xf32, #tpu.memory_space<vmem>>, %arg9: memref<1x2000xf32, #tpu.memory_space<vmem>>) attributes {dimension_semantics = [#tpu.dimension_semantics<arbitrary>], iteration_bounds = array<i64: 16>, scalar_prefetch = 0 : i64, scratch_operands = 1 : i64, tpu.core_type = #tpu.core_type<tc>, window_params = [{transform_indices = @transform_0, window_bounds = array<i64: 1024, 896>}, {pipeline_mode = #tpu.pipeline_mode<synchronous>, transform_indices = @transform_1, window_bounds = array<i64: 2000, 896>}, {pipeline_mode = #tpu.pipeline_mode<synchronous>, transform_indices = @transform_2, window_bounds = array<i64: 1, 128>}, {pipeline_mode = #tpu.pipeline_mode<synchronous>, transform_indices = @transform_3, window_bounds = array<i64: 1, 128>}, {pipeline_mode = #tpu.pipeline_mode<synchronous>, transform_indices = @transform_4, window_bounds = array<i64: 128, 896>}, {pipeline_mode = #tpu.pipeline_mode<synchronous>, transform_indices = @transform_5, window_bounds = array<i64: 128, 896>}, {transform_indices = @transform_6, window_bounds = array<i64: 1024, 1>}, {transform_indices = @transform_7, window_bounds = array<i64: 1024, 2, 128>}]} {
    %eq3A = arith.constant 0 : i32
    %eq3A_0 = arith.cmpi eq, %arg0, %eq3A : i32
    %convert_element_type3A = arith.extui %eq3A_0 : i1 to i32
    %cond3A = arith.constant 0 : i32
    %cond3A_1 = arith.cmpi ne, %convert_element_type3A, %cond3A : i32
    scf.if %cond3A_1 {
      %get3A_59 = arith.constant 0 : index
      %get3A_60 = arith.constant 0 : index
      %get3A_61 = vector.load %arg2[%get3A_59, %get3A_60] : memref<2000x896xf32, #tpu.memory_space<vmem>>, vector<2000x896xf32>
      %mul3A_62 = arith.mulf %get3A_61, %get3A_61 : vector<2000x896xf32>
      %reduce_sum3A_63 = arith.constant dense<0.000000e+00> : vector<2000xf32>
      %reduce_sum3A_64 = vector.multi_reduction <add>, %mul3A_62, %reduce_sum3A_63 [1] : vector<2000x896xf32> to vector<2000xf32>
      %broadcast_in_dim3A_65 = vector.shape_cast %reduce_sum3A_64 : vector<2000xf32> to vector<1x2000xf32>
      %swap3A_66 = arith.constant 0 : index
      %swap3A_67 = arith.constant 0 : index
      %swap3A_68 = vector.load %arg9[%swap3A_66, %swap3A_67] : memref<1x2000xf32, #tpu.memory_space<vmem>>, vector<1x2000xf32>
      tpu.vector_store %arg9[%swap3A_66, %swap3A_67], %broadcast_in_dim3A_65 {strides = array<i32>} : memref<1x2000xf32, #tpu.memory_space<vmem>>, vector<1x2000xf32>,
    } else {
    }
    %get3A = arith.constant 0 : index
    %get3A_2 = arith.constant 0 : index
    %get3A_3 = vector.load %arg1[%get3A, %get3A_2] : memref<1024x896xf32, #tpu.memory_space<vmem>>, vector<1024x896xf32>
    %get3A_4 = arith.constant 0 : index
    %get3A_5 = arith.constant 0 : index
    %get3A_6 = vector.load %arg2[%get3A_4, %get3A_5] : memref<2000x896xf32, #tpu.memory_space<vmem>>, vector<2000x896xf32>
    %dot_general3A = arith.constant dense<0.000000e+00> : vector<1024x2000xf32>
    %dot_general3A_7 = tpu.matmul %get3A_3, %get3A_6, %dot_general3A {dimension_numbers = #tpu.dot_dimension_numbers<[1], [1], [0], [0], [0, 0, 1, 0], [], []>, transpose_lhs_hint = false} : vector<1024x896xf32>, vector<2000x896xf32>, vector<1024x2000xf32> -> vector<1024x2000xf32>
    %mul3A = arith.mulf %get3A_3, %get3A_3 : vector<1024x896xf32>
    %reduce_sum3A = arith.constant dense<0.000000e+00> : vector<1024xf32>
    %reduce_sum3A_8 = vector.multi_reduction <add>, %mul3A, %reduce_sum3A [1] : vector<1024x896xf32> to vector<1024xf32>
    %broadcast_in_dim3A = vector.shape_cast %reduce_sum3A_8 : vector<1024xf32> to vector<1024x1xf32>
    %mul3A_9 = arith.constant 2.000000e+00 : f32
    %mul3A_10 = vector.broadcast %mul3A_9 : f32 to vector<1024x2000xf32>
    %mul3A_11 = arith.mulf %mul3A_10, %dot_general3A_7 : vector<1024x2000xf32>
    %sub3A = vector.broadcast %broadcast_in_dim3A : vector<1024x1xf32> to vector<1024x2000xf32>
    %sub3A_12 = arith.subf %sub3A, %mul3A_11 : vector<1024x2000xf32>
    %get3A_13 = arith.constant 0 : index
    %get3A_14 = arith.constant 0 : index
    %get3A_15 = vector.load %arg9[%get3A_13, %get3A_14] : memref<1x2000xf32, #tpu.memory_space<vmem>>, vector<1x2000xf32>
    %add3A = vector.broadcast %get3A_15 : vector<1x2000xf32> to vector<1024x2000xf32>
    %add3A_16 = arith.addf %sub3A_12, %add3A : vector<1024x2000xf32>
    %reduce_min3A = arith.constant dense<0x7F800000> : vector<1024xf32>
    %reduce_min3A_17 = vector.multi_reduction <minimumf>, %add3A_16, %reduce_min3A [1] : vector<1024x2000xf32> to vector<1024xf32>
    %broadcast_in_dim3A_18 = vector.shape_cast %reduce_min3A_17 : vector<1024xf32> to vector<1024x1xf32>
    %iota3A = tpu.iota {dimensions = array<i32: 1>} : vector<1024x2000xi32>
    %eq3A_19 = vector.broadcast %broadcast_in_dim3A_18 : vector<1024x1xf32> to vector<1024x2000xf32>
    %eq3A_20 = arith.cmpf oeq, %add3A_16, %eq3A_19 : vector<1024x2000xf32>
    %jit3A = arith.constant 2000 : i32
    %broadcast_in_dim3A_21 = vector.broadcast %jit3A : i32 to vector<1024x2000xi32>
    %select_n3A = arith.select %eq3A_20, %iota3A, %broadcast_in_dim3A_21 : vector<1024x2000xi1>, vector<1024x2000xi32>
    %reduce_min3A_22 = arith.constant dense<2147483647> : vector<1024xi32>
    %reduce_min3A_23 = vector.multi_reduction <minsi>, %select_n3A, %reduce_min3A_22 [1] : vector<1024x2000xi32> to vector<1024xi32>
    %broadcast_in_dim3A_24 = vector.shape_cast %reduce_min3A_23 : vector<1024xi32> to vector<1024x1xi32>
    %swap3A = arith.constant 0 : index
    %swap3A_25 = arith.constant 0 : index
    %swap3A_26 = vector.load %arg7[%swap3A, %swap3A_25] : memref<1024x1xi32, #tpu.memory_space<vmem>>, vector<1024x1xi32>
    tpu.vector_store %arg7[%swap3A, %swap3A_25], %broadcast_in_dim3A_24 {strides = array<i32>} : memref<1024x1xi32, #tpu.memory_space<vmem>>, vector<1024x1xi32>,
    %get3A_27 = arith.constant 0 : index
    %get3A_28 = arith.constant 0 : index
    %get3A_29 = vector.load %arg5[%get3A_27, %get3A_28] : memref<128x896xf32, #tpu.memory_space<vmem>>, vector<128x896xf32>
    %dot_general3A_30 = arith.constant dense<0.000000e+00> : vector<1024x128xf32>
    %dot_general3A_31 = tpu.matmul %get3A_3, %get3A_29, %dot_general3A_30 {dimension_numbers = #tpu.dot_dimension_numbers<[1], [1], [0], [0], [0, 0, 1, 0], [], []>, transpose_lhs_hint = false} : vector<1024x896xf32>, vector<128x896xf32>, vector<1024x128xf32> -> vector<1024x128xf32>
    %get3A_32 = arith.constant 0 : index
    %get3A_33 = arith.constant 0 : index
    %get3A_34 = vector.load %arg3[%get3A_32, %get3A_33] : memref<1x128xf32, #tpu.memory_space<vmem>>, vector<1x128xf32>
    %add3A_35 = vector.broadcast %get3A_34 : vector<1x128xf32> to vector<1024x128xf32>
    %add3A_36 = arith.addf %dot_general3A_31, %add3A_35 : vector<1024x128xf32>
    %swap3A_37 = arith.constant 0 : index
    %swap3A_38 = arith.constant 0 : index
    %swap3A_39 = arith.constant 0 : index
    %swap3A_40 = vector.load %arg8[%swap3A_37, %swap3A_38, %swap3A_39] : memref<1024x2x128xf32, #tpu.memory_space<vmem>>, vector<1024x1x128xf32>
    %swap3A_41 = vector.shape_cast %swap3A_40 : vector<1024x1x128xf32> to vector<1024x128xf32>
    %swap3A_42 = vector.shape_cast %add3A_36 : vector<1024x128xf32> to vector<1024x1x128xf32>
    tpu.vector_store %arg8[%swap3A_37, %swap3A_38, %swap3A_39], %swap3A_42 {strides = array<i32>} : memref<1024x2x128xf32, #tpu.memory_space<vmem>>, vector<1024x1x128xf32>,
    %get3A_43 = arith.constant 0 : index
    %get3A_44 = arith.constant 0 : index
    %get3A_45 = vector.load %arg6[%get3A_43, %get3A_44] : memref<128x896xf32, #tpu.memory_space<vmem>>, vector<128x896xf32>
    %dot_general3A_46 = arith.constant dense<0.000000e+00> : vector<1024x128xf32>
    %dot_general3A_47 = tpu.matmul %get3A_3, %get3A_45, %dot_general3A_46 {dimension_numbers = #tpu.dot_dimension_numbers<[1], [1], [0], [0], [0, 0, 1, 0], [], []>, transpose_lhs_hint = false} : vector<1024x896xf32>, vector<128x896xf32>, vector<1024x128xf32> -> vector<1024x128xf32>
    %get3A_48 = arith.constant 0 : index
    %get3A_49 = arith.constant 0 : index
    %get3A_50 = vector.load %arg4[%get3A_48, %get3A_49] : memref<1x128xf32, #tpu.memory_space<vmem>>, vector<1x128xf32>
    %add3A_51 = vector.broadcast %get3A_50 : vector<1x128xf32> to vector<1024x128xf32>
    %add3A_52 = arith.addf %dot_general3A_47, %add3A_51 : vector<1024x128xf32>
    %swap3A_53 = arith.constant 0 : index
    %swap3A_54 = arith.constant 1 : index
    %swap3A_55 = arith.constant 0 : index
    %swap3A_56 = vector.load %arg8[%swap3A_53, %swap3A_54, %swap3A_55] : memref<1024x2x128xf32, #tpu.memory_space<vmem>>, vector<1024x1x128xf32>
    %swap3A_57 = vector.shape_cast %swap3A_56 : vector<1024x1x128xf32> to vector<1024x128xf32>
    %swap3A_58 = vector.shape_cast %add3A_52 : vector<1024x128xf32> to vector<1024x1x128xf32>
    tpu.vector_store %arg8[%swap3A_53, %swap3A_54, %swap3A_55], %swap3A_58 {strides = array<i32>} : memref<1024x2x128xf32, #tpu.memory_space<vmem>>, vector<1024x1x128xf32>,
    return
  }
  func.func @transform_0(%arg0: i32) -> (i32, i32) {
    %c0_i32 = arith.constant 0 : i32
    %c0_i32_0 = arith.constant 0 : i32
    return %arg0, %c0_i32 : i32, i32
  }
  func.func @transform_1(%arg0: i32) -> (i32, i32) {
    %c0_i32 = arith.constant 0 : i32
    %c0_i32_0 = arith.constant 0 : i32
    %c0_i32_1 = arith.constant 0 : i32
    return %c0_i32, %c0_i32_0 : i32, i32
  }
  func.func @transform_2(%arg0: i32) -> (i32, i32) {
    %c0_i32 = arith.constant 0 : i32
    %c0_i32_0 = arith.constant 0 : i32
    %c0_i32_1 = arith.constant 0 : i32
    return %c0_i32, %c0_i32_0 : i32, i32
  }
  func.func @transform_3(%arg0: i32) -> (i32, i32) {
    %c0_i32 = arith.constant 0 : i32
    %c0_i32_0 = arith.constant 0 : i32
    %c0_i32_1 = arith.constant 0 : i32
    return %c0_i32, %c0_i32_0 : i32, i32
  }
  func.func @transform_4(%arg0: i32) -> (i32, i32) {
    %c0_i32 = arith.constant 0 : i32
    %c0_i32_0 = arith.constant 0 : i32
    %c0_i32_1 = arith.constant 0 : i32
    return %c0_i32, %c0_i32_0 : i32, i32
  }
  func.func @transform_5(%arg0: i32) -> (i32, i32) {
    %c0_i32 = arith.constant 0 : i32
    %c0_i32_0 = arith.constant 0 : i32
    %c0_i32_1 = arith.constant 0 : i32
    return %c0_i32, %c0_i32_0 : i32, i32
  }
  func.func @transform_6(%arg0: i32) -> (i32, i32) {
    %c0_i32 = arith.constant 0 : i32
    %c0_i32_0 = arith.constant 0 : i32
    return %arg0, %c0_i32 : i32, i32
  }
  func.func @transform_7(%arg0: i32) -> (i32, i32, i32) {
    %c0_i32 = arith.constant 0 : i32
    %c0_i32_0 = arith.constant 0 : i32
    %c0_i32_1 = arith.constant 0 : i32
    return %arg0, %c0_i32, %c0_i32_0 : i32, i32, i32
  }
}

</mosaic_0001>

<sc_bundles>
// kernel: kernel.4.cloned.1.call-start
scs
__scs_entry_jumppad:
0x0: {  	(pc) =	sbr.rel $0x88, $3  }
0x1: {  	(tag) =	ssettag $0x0;
	lr =	simm.s32 $0x1  }
0x2: {  	[smem:$0x3F9A] =	sst lr;
	_ =	strace $0xD0000000  }
0x3: {  	_ = 	snop  }
0x4: {  	_ = 	snop  }
0x5: {  	_ = 	snop  }
0x6: {  	_ = 	snop  }
0x7: {  	_ = 	snop  }
__scs_overlays_trampoline_lowered:
0x8: {  	[smem:$0x3FA9] =	sst s0  }
0x9: {  	[smem:$0x3FAA] =	sst s1  }
0xa: {  	[smem:$0x3FAB] =	sst s2  }
0xb: {  	[smem:$0x3FAC] =	sst s3  }
0xc: {  	[smem:$0x3FAD] =	sst s4  }
0xd: {  	[smem:$0x3FAE] =	sst s5  }
0xe: {  	[smem:$0x3FAF] =	sst s6  }
0xf: {  	[smem:$0x3FB0] =	sst s7  }
0x10: {  	[smem:$0x3FB1] =	sst s8  }
0x11: {  	[smem:$0x3FB2] =	sst s9;
	s0 =	simm.s32 @!p0 $0x0  }
0x12: {  	s1 =	sld [smem:$0x3F98];
	s0 =	simm.s32 @p0 $0x1  }
0x13: {  	[smem:$0x3FB3] =	sst s0;
	s0 =	simm.s32 @!p1 $0x0  }
0x14: {  	s2 =	sld [smem:$0x3F97];
	s0 =	simm.s32 @p1 $0x1  }
0x15: {  	[smem:$0x3FB4] =	sst s0;
	s0 =	simm.s32 @!p2 $0x0  }
0x16: {  	s3 =	sld [smem:$0x3FDB];
	s0 =	simm.s32 @p2 $0x1  }
0x17: {  	s4 =	simm.s32 $0x1BF5;
	[smem:$0x3FB6] =	sst s0  }
0x18: {  	s0 =	sld [smem:$0x3F99];
	_ =	swait.ge [sflag:s4], $0x0  }
0x19: {  	s7 =	sld [smem:$0x3F9A]  }
0x1a: {  	s8 =	sadd.s32 $0xFFFFE003, lr  }
0x1b: {  	s9 =	sadd.s32 $0xFFFFFEF7, lr;
	s5 =	simm.s32 $0xFFFFFFFF;
	p2 =	slt.u32 s8, $0xFFFFF086  }
0x1c: {  	p1 =	slt.u32 s9, $0xF7A;
	s5 =	simm.s32 @!p2 $0x0  }
0x1d: {  	s5 =	simm.s32 @p1 $0x1;
	p0 =	seq.s32 s7, s2  }
0x1e: {  	s7 =	smul.u32 @!p0 $0xF7A, s2;
	p2 =	seq.s32 @!p0 s5, $0x0  }
0x1f: {  	s9 =	smul.u32 $0xF7A, s1;
	s8 =	simm.s32 @!p0 $0x1BF5;
	p2 =	por !p2, p0  }
0x20: {  	[sflag:s8] =	ssyncset.s32 @!p0 $0xFFFFF086;
	s6 =	sadd.s32 @!p0 s3, s7;
	s7 =	simm.s32 @!p0 $0x108  }
0x21: {  	s3 =	sadd.s32 s3, s9;
	s6 =	sadd.s32 @!p0 $0x88, s6;
	s7 =	simm.s32 @p2 $0x1082  }
0x22: {  	[simem:s7], [sflag:s8] =	dma.local @!p0 [hbm:s6], $0xF7A  }
0x23: {  	s9 =	sor.u32 $0xD0000000, s2;
	s6 =	simm.s32 $0x108;
	_ =	swait.ge @!p0 [sflag:s8], $0x0  }
0x24: {  	s3 =	sadd.s32 $0x88, s3;
	s6 =	simm.s32 @!p1 $0x1082;
	[sflag:s4] =	ssyncset.s32 $0xFFFFF086  }
0x25: {  	[simem:s6], [sflag:s4] =	dma.local [hbm:s3], $0xF7A  }
0x26: {  	[smem:$0x3F9A] =	sst s1;
	(tag) =	ssettag s2;
	_ =	strace s9  }
0x27: {  	s1 =	sld [smem:$0x3FAA]  }
0x28: {  	s2 =	sld [smem:$0x3FAB]  }
0x29: {  	s4 =	sld [smem:$0x3FAD]  }
0x2a: {  	p0 =	seq.s32 s5, $0x0;
	s5 =	sld [smem:$0x3FAE]  }
0x2b: {  	s6 =	sld [smem:$0x3FAF]  }
0x2c: {  	s7 =	sld [smem:$0x3FB0]  }
0x2d: {  	s3 =	simm.s32 $0x108;
	s8 =	sld [smem:$0x3FB1]  }
0x2e: {  	s3 =	simm.s32 @!p0 $0x1082;
	s9 =	sld [smem:$0x3FB2]  }
0x2f: {  	lr =	sadd.s32 s0, s3;
	s0 =	sld [smem:$0x3FA9]  }
0x30: {  	s3 =	sld [smem:$0x3FAC]  }
0x31: {  	[smem:$0x3FB5] =	sst s10  }
0x32: {  	s10 =	sld [smem:$0x3FB3];
	_ =	sdelay $0x3  }
0x33: {  	p0 =	seq.s32 s10, $0x1;
	s10 =	sld [smem:$0x3FB5];
	_ =	sdelay $0x3  }
0x34: {  	[smem:$0x3FB5] =	sst s10  }
0x35: {  	s10 =	sld [smem:$0x3FB4];
	_ =	sdelay $0x3  }
0x36: {  	p1 =	seq.s32 s10, $0x1;
	s10 =	sld [smem:$0x3FB5];
	_ =	sdelay $0x3  }
0x37: {  	[smem:$0x3FB5] =	sst s10  }
0x38: {  	s10 =	sld [smem:$0x3FB6]  }
0x39: {  	_ = 	snop;
	(pc) =	sbr.ind lr, $3  }
0x3a: {  	_ = 	snop  }
0x3b: {  	_ = 	snop  }
0x3c: {  	p2 =	seq.s32 s10, $0x1;
	s10 =	sld [smem:$0x3FB5]  }
0x3d: {  	_ =	shalt  }
0x3e: {  	_ =	shalt  }
0x3f: {  	_ =	shalt  }
0x40: {  	_ =	shalt  }
0x41: {  	_ =	shalt  }
0x42: {  	_ =	shalt  }
0x43: {  	_ =	shalt  }
0x44: {  	_ =	shalt  }
0x45: {  	_ =	shalt  }
0x46: {  	_ =	shalt  }
0x47: {  	_ =	shalt  }
0x48: {  	_ =	shalt  }
0x49: {  	_ =	shalt  }
0x4a: {  	_ =	shalt  }
0x4b: {  	_ =	shalt  }
0x4c: {  	_ =	shalt  }
0x4d: {  	_ =	shalt  }
0x4e: {  	_ =	shalt  }
0x4f: {  	_ =	shalt  }
0x50: {  	_ =	shalt  }
0x51: {  	_ =	shalt  }
0x52: {  	_ =	shalt  }
0x53: {  	_ =	shalt  }
0x54: {  	_ =	shalt  }
0x55: {  	_ =	shalt  }
0x56: {  	_ =	shalt  }
0x57: {  	_ =	shalt  }
0x58: {  	_ =	shalt  }
0x59: {  	_ =	shalt  }
0x5a: {  	_ =	shalt  }
0x5b: {  	_ =	shalt  }
0x5c: {  	_ =	shalt  }
0x5d: {  	_ =	shalt  }
0x5e: {  	_ =	shalt  }
0x5f: {  	_ =	shalt  }
0x60: {  	_ =	shalt  }
0x61: {  	_ =	shalt  }
0x62: {  	_ =	shalt  }
0x63: {  	_ =	shalt  }
0x64: {  	_ =	shalt  }
0x65: {  	_ =	shalt  }
0x66: {  	_ =	shalt  }
0x67: {  	_ =	shalt  }
0x68: {  	_ =	shalt  }
0x69: {  	_ =	shalt  }
0x6a: {  	_ =	shalt  }
0x6b: {  	_ =	shalt  }
0x6c: {  	_ =	shalt  }
0x6d: {  	_ =	shalt  }
0x6e: {  	_ =	shalt  }
0x6f: {  	_ =	shalt  }
0x70: {  	_ =	shalt  }
0x71: {  	_ =	shalt  }
0x72: {  	_ =	shalt  }
0x73: {  	_ =	shalt  }
0x74: {  	_ =	shalt  }
0x75: {  	_ =	shalt  }
0x76: {  	_ =	shalt  }
0x77: {  	_ =	shalt  }
0x78: {  	_ =	shalt  }
0x79: {  	_ =	shalt  }
0x7a: {  	_ =	shalt  }
0x7b: {  	_ =	shalt  }
0x7c: {  	_ =	shalt  }
0x7d: {  	_ =	shalt  }
0x7e: {  	_ =	shalt  }
0x7f: {  	_ =	shalt  }
0x80: {  	_ =	shalt  }
0x81: {  	_ =	shalt  }
0x82: {  	_ =	shalt  }
0x83: {  	_ =	shalt  }
0x84: {  	_ =	shalt  }
0x85: {  	_ =	shalt  }
0x86: {  	_ =	shalt  }
0x87: {  	_ =	shalt  }
.Lfunc_end0:
.L_simem_size_0:
called_computation_lowered:
.L_overlay_start_0:
0x88: {  	s2 =	sld [smem:$0x3FD9]  }
0x89: {  	s3 =	sld [smem:$0x3FFE];
	_ =	sdelay $0x1  }
0x8a: {  	s1 =	srdreg.scid  }
0x8b: {  	s0 =	sand.u32 $0x1, s1  }
0x8c: {  	s14 =	sshll.u32 s0, $0xA;
	s2 =	sadd.s32 s3, s2  }
0x8d: {  	s2 =	sadd.s32 s2, s14  }
0x8e: {  	[smem:$0x3FC1] =	sst s2  }
0x8f: {  	_ = 	snop  }
0x90: {  	s2 =	sld [smem:$0x3FD0];
	_ =	sdelay $0x2  }
0x91: {  	s4 =	simm.s32 $0xA;
	s5 =	simm.s32 $0x10;
	s15 =	sld [smem:$0x3FC8]  }
0x92: {  	[smem:s5], [sflag:s4] =	dma.local [hbm:s2], $0x1  }
0x93: {  	_ =	swait.eq [sflag:s4], $0x1  }
0x94: {  	[sflag:s4] =	ssyncset.done $0x0  }
0x95: {  	[sflag:s4] =	ssyncadd.s32 $0xFFFFFFFF  }
0x96: {  	s16 =	sld [smem:$0x10];
	(tm) =	ssettm $0x1  }
0x97: {  	s17 =	sld [smem:$0x3FFB];
	_ =	sdelay $0x3  }
0x98: {  	_ =	strace s17  }
0x99: {  	s4 =	sld [smem:$0x3FFC];
	_ =	sdelay $0x3  }
0x9a: {  	_ =	strace s4  }
0x9b: {  	s4 =	sld [smem:$0x3FFD];
	_ =	sdelay $0x3  }
0x9c: {  	_ =	strace s4  }
0x9d: {  	_ =	strace $0x8FFFFFFF  }
0x9e: {  	s18 =	sld [smem:$0x3FDB];
	_ =	sdelay $0x1  }
0x9f: {  	s19 =	simm.s32 $_scs_section_size  }
0xa0: {  	s6 =	simm.s32 $_size__tile_overlayer_lowered;
	s7 =	simm.s32 $_tile_overlayer_lowered  }
0xa1: {  	s22 =	simm.s32 $0x1BFF;
	s21 =	sshll.u32 s7, $0x1;
	s4 =	sadd.s32 s19, s18  }
0xa2: {  	s8 =	simm.s32 $0x0;
	s20 =	sshll.u32 s6, $0x1;
	s6 =	sadd.s32 s21, s4  }
0xa3: {  	[timem:s8], [sflag:s22] =	dma.local [hbm:s6], s20  }
0xa4: {  	_ =	swait.ge [sflag:s22], s20  }
0xa5: {  	s5 =	ssub.s32 $0x0, s20;
	[sflag:s22] =	ssyncset.done $0x0  }
0xa6: {  	[sflag:s22] =	ssyncadd.s32 s5;
	_ =	sdelay $0x1  }
0xa7: {  	s23 =	simm.s32 $0x1B8B  }
0xa8: {  	_ =	swait.ge [sflag:s23], $0x1  }
0xa9: {  	[sflag:s23] =	ssyncset.done $0x0  }
0xaa: {  	s25 =	simm.s32 $0x1B8E;
	s24 =	sld [smem:$0x3FFE];
	[sflag:s23] =	ssyncadd.s32 $0xFFFFFFFF  }
0xab: {  	s26 =	simm.s32 $execute0_lowered;
	[smem:$0x3FD2] =	sst s25  }
0xac: {  	s6 =	sshll.u32 s26, $0x1;
	_ =	strace $0x80000046;
	[dreg:$0x1] =	wrdreg $0xFFFFFFFF  }
0xad: {  	s28 =	simm.s32 $_size_execute0_lowered;
	s4 =	sadd.s32 s4, s6;
	[dreg:$0x0] =	wrdreg $0x0  }
0xae: {  	s6 =	sshll.u32 s28, $0x1;
	[dreg:$0x2] =	wrdreg s4  }
0xaf: {  	[dreg:$0x3] =	wrdreg s6  }
0xb0: {  	[dreg:$0x4] =	wrdreg $0xC0  }
0xb1: {  	_ =	task [dreg:s8], $0x5FFFF  }
0xb2: {  	[dreg:$0x1] =	wrdreg $0xFFFFFFFF  }
0xb3: {  	[dreg:$0x0] =	wrdreg $0x60  }
0xb4: {  	[dreg:$0x2] =	wrdreg s24  }
0xb5: {  	[dreg:$0x3] =	wrdreg s15  }
0xb6: {  	[dreg:$0x4] =	wrdreg s16  }
0xb7: {  	[dreg:$0x5] =	wrdreg $0x9  }
0xb8: {  	_ =	task.clear_ibuf [dreg:s8], $0x6FFFF;
	_ =	strace $0x90000046  }
0xb9: {  	s29 =	simm.s32 $0x9;
	_ =	strace $0x80000048  }
0xba: {  	_ =	swait.ge [sflag:s29], $0x1  }
0xbb: {  	[sflag:s29] =	ssyncadd.s32 $0xFFFFFFFF  }
0xbc: {  	_ =	strace $0x90000048  }
0xbd: {  	_ =	sfence  }
0xbe: {  	s30 =	sld [smem:$0x0];
	_ =	sdelay $0x2  }
0xbf: {  	s31 =	sshll.u32 s1, $0xD;
	s1 =	sshrl.u32 s1, $0x2  }
0xc0: {  	s3 =	sand.u32 $0x4000, s31;
	s1 =	sadd.s32 s1, s30  }
0xc1: {  	s0 =	sor.u32 s3, s0;
	s1 =	sshll.u32 s1, $0x11  }
0xc2: {  	s0 =	sor.u32 s1, s0  }
0xc3: {  	s0 =	sadd.s32 $0x8F2B, s0  }
0xc4: {  	[sflag:s0] =	ssyncadd.remote.s32 $0x1  }
0xc5: {  	_ =	sfence.sel $0xFFFF  }
0xc6: {  	[dreg:$0x0] =	wrdreg $0xFFFFFFFF;
	(pc) =	sbr.abs _section_cstart, $3  }
0xc7: {  	[dreg:$0x1] =	wrdreg $0xFFFFFFFF  }
0xc8: {  	_ =	task.clear_ibuf [dreg:s8], $0x2FFFF;
	_ =	strace $0x9FFFFFFF  }
0xc9: {  	(tm) =	ssettm $0x7FFFFFFF  }
tec
execute0_lowered:
.L_overlay_start_1:
0x0: {  	(tag) =	ssettag $0x1  }
0x1: {  	s1 =	srdreg.scid;
	s3 =	stileid.u32  }
0x2: {  	s0 =	rddreg [dreg:$0x0];
	s1 =	sand.u32 $0x1, s1;
	s3 =	sshll.u32 s3, $0x1  }
0x3: {  	s2 =	rddreg [dreg:$0x1];
	s5 =	sor.u32 s1, s3  }
0x4: {  	s4 =	rddreg [dreg:$0x2];
	s6 =	sshll.u32 s5, $0x8  }
0x5: {  	s3 =	simm.s32 $0x0;
	s7 =	smul.u32 $0xE000, s5;
	s0 =	sadd.s32 s6, s0  }
0x6: {  	[smem:$0x7FF] =	sst s3;
	s5 =	smul.u32 $0x70000, s5;
	s0 =	sadd.s32 $0xA00, s0  }
0x7: {  	_ =	strace $0x80000047;
	s12 =	sadd.s32 s4, s7;
	[dreg:$0x4] =	wrdreg s0  }
0x8: {  	s5 =	sshrl.u32 s5, $0x3;
	s13 =	sadd.s32 $0xE00, s12;
	[dreg:$0x14] =	wrdreg s12  }
0x9: {  	s14 =	sadd.s32 $0x1C00, s12;
	s4 =	sadd.s32 s4, s5;
	[dreg:$0x5] =	wrdreg s13  }
0xa: {  	s30 =	simm.s32 $0x1;
	[dreg:$0x6] =	wrdreg s14;
	s15 =	sadd.s32 $0x2A00, s4  }
0xb: {  	s31 =	simm.s32 $0x5;
	s16 =	sadd.s32 $0x3800, s4;
	[dreg:$0x7] =	wrdreg s15  }
0xc: {  	s9 =	simm.s32 $0x7;
	s17 =	sadd.s32 $0x4600, s4;
	[dreg:$0x8] =	wrdreg s16  }
0xd: {  	s1 =	ssub.s32 $0x2, s1;
	s18 =	sadd.s32 $0x5400, s4;
	[dreg:$0x9] =	wrdreg s17  }
0xe: {  	s23 =	sshrl.u32 s1, $0x1;
	s19 =	sadd.s32 $0x6200, s4;
	[dreg:$0xa] =	wrdreg s18  }
0xf: {  	s1 =	ssub.s32 s1, s23;
	s20 =	sadd.s32 $0x7000, s4;
	[dreg:$0xb] =	wrdreg s19  }
0x10: {  	s6 =	sadd.s32 $0x200, s2;
	s21 =	sadd.s32 $0x7E00, s4;
	[dreg:$0xc] =	wrdreg s20  }
0x11: {  	s7 =	sadd.s32 $0x300, s2;
	s22 =	sadd.s32 $0x8C00, s4;
	[dreg:$0xd] =	wrdreg s21  }
0x12: {  	s8 =	smax.u32 s1, $0x1;
	s24 =	sadd.s32 $0x9A00, s4;
	[dreg:$0xe] =	wrdreg s22  }
0x13: {  	s1 =	simm.s32 $0x2;
	s25 =	sadd.s32 $0xA800, s4;
	[dreg:$0xf] =	wrdreg s24  }
0x14: {  	s5 =	sadd.s32 $0x100, s2;
	s26 =	sadd.s32 $0xB600, s4;
	[dreg:$0x10] =	wrdreg s25  }
0x15: {  	v2 =	vlaneseq.u32;
	s0 =	simm.s32 $0x6;
	s28 =	sadd.s32 $0xC400, s4;
	[dreg:$0x11] =	wrdreg s26  }
0x16: {  	vm0 =	vmmov $0xffff;
	vm1 =	vmmov $0xff;
	v1 =	vshrl.u32 v2, $0x3;
	s12 =	simm.s32 $0x4;
	s29 =	sadd.s32 $0xD200, s4;
	[dreg:$0x12] =	wrdreg s28  }
0x17: {  	v0 =	vand.u32 $0x7, v2;
	v2 =	vor.u32 $0x8, v2;
	v1 =	vmul.u32 $0x8, v1;
	s4 =	simm.s32 $0x3;
	s13 =	simm.s32 $0x8;
	[dreg:$0x13] =	wrdreg s29  }
.LBB2_1:
0x18: {  	s14 =	rddreg [dreg:$0x4];
	s24 =	simm.s32 $0x9  }
0x19: {  	[tilespmem:s3], [sflag:$0x9] =	stream.linear.gather [hbm4b:s14+s3], $0x800, $0x38;
	[tilespmem:$0x1C800] =	vst v63  }
0x1a: {  	_ =	swait.ge [sflag:s24], $0x800  }
0x1b: {  	[sflag:s24] =	ssyncset.done $0x0  }
0x1c: {  	[sflag:s24] =	ssyncadd.s32 $0xFFFFF800  }
0x1d: {  	v3 =	vld [tilespmem:$0x0];
	_ =	sdelay $0x4  }
0x1e: {  	v4 =	vshrl.u32 v3, $0x3  }
0x1f: {  	v4 =	vmul.u32 $0x38, v4  }
0x20: {  	v3 =	vand.u32 $0x7, v3  }
0x21: {  	v3 =	vor.u32 v3, v4  }
0x22: {  	v4 =	vperm.xlane v3, v0;
	_ =	sdelay $0x1  }
0x23: {  	v4 =	vadd.s32 v1, v4;
	_ =	sdelay $0x3  }
0x24: {  	s10 =	simm.s32 $0x800  }
0x25: {  	[tilespmem:s10], [sflag:$0x1] =	stream.indirect_vreg.gather [hbm4b:s2+s3], $0x80, v4, vm0, $0xb8;
	[tilespmem:$0x1C800] =	vst v63  }
0x26: {  	s25 =	simm.s32 $0x1000;
	v3 =	vperm.xlane v3, v2  }
0x27: {  	[tilespmem:s25], [sflag:$0x1] =	stream.indirect_vreg.gather [hbm4b:s5+s3], $0x80, v4, vm0, $0xb8;
	[tilespmem:$0x1C800] =	vst v63  }
0x28: {  	s26 =	simm.s32 $0x1800;
	v3 =	vadd.s32 v1, v3  }
0x29: {  	[tilespmem:s26], [sflag:$0x1] =	stream.indirect_vreg.gather [hbm4b:s6+s3], $0x80, v4, vm0, $0xb8;
	[tilespmem:$0x1C800] =	vst v63  }
0x2a: {  	s28 =	simm.s32 $0x2000  }
0x2b: {  	[tilespmem:s28], [sflag:$0x1] =	stream.indirect_vreg.gather [hbm4b:s7+s3], $0x80, v4, vm1, $0xb8;
	[tilespmem:$0x1C800] =	vst v63  }
0x2c: {  	s29 =	simm.s32 $0x2400  }
0x2d: {  	[tilespmem:s29], [sflag:$0x1] =	stream.indirect_vreg.gather [hbm4b:s2+s3], $0x80, v3, vm0, $0xb8;
	[tilespmem:$0x1C800] =	vst v63  }
0x2e: {  	s11 =	simm.s32 $0x2C00  }
0x2f: {  	[tilespmem:s11], [sflag:$0x1] =	stream.indirect_vreg.gather [hbm4b:s5+s3], $0x80, v3, vm0, $0xb8;
	[tilespmem:$0x1C800] =	vst v63  }
0x30: {  	s14 =	simm.s32 $0x3400  }
0x31: {  	[tilespmem:s14], [sflag:$0x1] =	stream.indirect_vreg.gather [hbm4b:s6+s3], $0x80, v3, vm0, $0xb8;
	[tilespmem:$0x1C800] =	vst v63  }
0x32: {  	s16 =	simm.s32 $0x3C00  }
0x33: {  	[tilespmem:s16], [sflag:$0x1] =	stream.indirect_vreg.gather [hbm4b:s7+s3], $0x80, v3, vm1, $0xb8;
	[tilespmem:$0x1C800] =	vst v63  }
0x34: {  	v3 =	vld [tilespmem:$0x10];
	_ =	sdelay $0x4  }
0x35: {  	v33 =	vshrl.u32 v3, $0x3  }
0x36: {  	v4 =	vmul.u32 $0x38, v33  }
0x37: {  	v3 =	vand.u32 $0x7, v3  }
0x38: {  	v3 =	vor.u32 v3, v4  }
0x39: {  	v4 =	vperm.xlane v3, v0;
	_ =	sdelay $0x1  }
0x3a: {  	v4 =	vadd.s32 v1, v4;
	_ =	sdelay $0x3  }
0x3b: {  	s18 =	simm.s32 $0x4000  }
0x3c: {  	[tilespmem:s18], [sflag:$0x1] =	stream.indirect_vreg.gather [hbm4b:s2+s3], $0x80, v4, vm0, $0xb8;
	[tilespmem:$0x1C800] =	vst v63  }
0x3d: {  	s23 =	simm.s32 $0x4800;
	v3 =	vperm.xlane v3, v2  }
0x3e: {  	[tilespmem:s23], [sflag:$0x1] =	stream.indirect_vreg.gather [hbm4b:s5+s3], $0x80, v4, vm0, $0xb8;
	[tilespmem:$0x1C800] =	vst v63  }
0x3f: {  	s24 =	simm.s32 $0x5000;
	v3 =	vadd.s32 v1, v3  }
0x40: {  	[tilespmem:s24], [sflag:$0x1] =	stream.indirect_vreg.gather [hbm4b:s6+s3], $0x80, v4, vm0, $0xb8;
	[tilespmem:$0x1C800] =	vst v63  }
0x41: {  	s26 =	simm.s32 $0x5800  }
0x42: {  	[tilespmem:s26], [sflag:$0x1] =	stream.indirect_vreg.gather [hbm4b:s7+s3], $0x80, v4, vm1, $0xb8;
	[tilespmem:$0x1C800] =	vst v63  }
0x43: {  	s28 =	simm.s32 $0x5C00  }
0x44: {  	[tilespmem:s28], [sflag:$0x1] =	stream.indirect_vreg.gather [hbm4b:s2+s3], $0x80, v3, vm0, $0xb8;
	[tilespmem:$0x1C800] =	vst v63  }
0x45: {  	s29 =	simm.s32 $0x6400  }
0x46: {  	[tilespmem:s29], [sflag:$0x1] =	stream.indirect_vreg.gather [hbm4b:s5+s3], $0x80, v3, vm0, $0xb8;
	[tilespmem:$0x1C800] =	vst v63  }
0x47: {  	s11 =	simm.s32 $0x6C00  }
0x48: {  	[tilespmem:s11], [sflag:$0x1] =	stream.indirect_vreg.gather [hbm4b:s6+s3], $0x80, v3, vm0, $0xb8;
	[tilespmem:$0x1C800] =	vst v63  }
0x49: {  	s14 =	simm.s32 $0x7400  }
0x4a: {  	[tilespmem:s14], [sflag:$0x1] =	stream.indirect_vreg.gather [hbm4b:s7+s3], $0x80, v3, vm1, $0xb8;
	[tilespmem:$0x1C800] =	vst v63  }
0x4b: {  	v3 =	vld [tilespmem:$0x80];
	_ =	sdelay $0x4  }
0x4c: {  	v34 =	vshrl.u32 v3, $0x3  }
0x4d: {  	v4 =	vmul.u32 $0x38, v34  }
0x4e: {  	v3 =	vand.u32 $0x7, v3  }
0x4f: {  	v3 =	vor.u32 v3, v4  }
0x50: {  	v4 =	vperm.xlane v3, v0;
	_ =	sdelay $0x1  }
0x51: {  	v4 =	vadd.s32 v1, v4;
	_ =	sdelay $0x3  }
0x52: {  	s23 =	simm.s32 $0x7800  }
0x53: {  	[tilespmem:s23], [sflag:$0x2] =	stream.indirect_vreg.gather [hbm4b:s2+s3], $0x80, v4, vm0, $0xb8;
	[tilespmem:$0x1C800] =	vst v63  }
0x54: {  	s11 =	simm.s32 $0x8000;
	v3 =	vperm.xlane v3, v2  }
0x55: {  	[tilespmem:s11], [sflag:$0x2] =	stream.indirect_vreg.gather [hbm4b:s5+s3], $0x80, v4, vm0, $0xb8;
	[tilespmem:$0x1C800] =	vst v63  }
0x56: {  	s24 =	simm.s32 $0x8800;
	v3 =	vadd.s32 v1, v3  }
0x57: {  	[tilespmem:s24], [sflag:$0x2] =	stream.indirect_vreg.gather [hbm4b:s6+s3], $0x80, v4, vm0, $0xb8;
	[tilespmem:$0x1C800] =	vst v63  }
0x58: {  	s26 =	simm.s32 $0x9000  }
0x59: {  	[tilespmem:s26], [sflag:$0x2] =	stream.indirect_vreg.gather [hbm4b:s7+s3], $0x80, v4, vm1, $0xb8;
	[tilespmem:$0x1C800] =	vst v63  }
0x5a: {  	s10 =	simm.s32 $0x9400  }
0x5b: {  	[tilespmem:s10], [sflag:$0x2] =	stream.indirect_vreg.gather [hbm4b:s2+s3], $0x80, v3, vm0, $0xb8;
	[tilespmem:$0x1C800] =	vst v63  }
0x5c: {  	s14 =	simm.s32 $0x9C00  }
0x5d: {  	[tilespmem:s14], [sflag:$0x2] =	stream.indirect_vreg.gather [hbm4b:s5+s3], $0x80, v3, vm0, $0xb8;
	[tilespmem:$0x1C800] =	vst v63  }
0x5e: {  	s23 =	simm.s32 $0xA400  }
0x5f: {  	[tilespmem:s23], [sflag:$0x2] =	stream.indirect_vreg.gather [hbm4b:s6+s3], $0x80, v3, vm0, $0xb8;
	[tilespmem:$0x1C800] =	vst v63  }
0x60: {  	s24 =	simm.s32 $0xAC00  }
0x61: {  	[tilespmem:s24], [sflag:$0x2] =	stream.indirect_vreg.gather [hbm4b:s7+s3], $0x80, v3, vm1, $0xb8;
	[tilespmem:$0x1C800] =	vst v63  }
0x62: {  	v3 =	vld [tilespmem:$0x90];
	_ =	sdelay $0x4  }
0x63: {  	v35 =	vshrl.u32 v3, $0x3  }
0x64: {  	v4 =	vmul.u32 $0x38, v35  }
0x65: {  	v3 =	vand.u32 $0x7, v3  }
0x66: {  	v3 =	vor.u32 v3, v4  }
0x67: {  	v4 =	vperm.xlane v3, v0;
	_ =	sdelay $0x1  }
0x68: {  	v4 =	vadd.s32 v1, v4;
	_ =	sdelay $0x3  }
0x69: {  	s26 =	simm.s32 $0xB000  }
0x6a: {  	[tilespmem:s26], [sflag:$0x2] =	stream.indirect_vreg.gather [hbm4b:s2+s3], $0x80, v4, vm0, $0xb8;
	[tilespmem:$0x1C800] =	vst v63  }
0x6b: {  	s10 =	simm.s32 $0xB800;
	v3 =	vperm.xlane v3, v2  }
0x6c: {  	[tilespmem:s10], [sflag:$0x2] =	stream.indirect_vreg.gather [hbm4b:s5+s3], $0x80, v4, vm0, $0xb8;
	[tilespmem:$0x1C800] =	vst v63  }
0x6d: {  	s14 =	simm.s32 $0xC000;
	v3 =	vadd.s32 v1, v3  }
0x6e: {  	[tilespmem:s14], [sflag:$0x2] =	stream.indirect_vreg.gather [hbm4b:s6+s3], $0x80, v4, vm0, $0xb8;
	[tilespmem:$0x1C800] =	vst v63  }
0x6f: {  	s10 =	simm.s32 $0xC800  }
0x70: {  	[tilespmem:s10], [sflag:$0x2] =	stream.indirect_vreg.gather [hbm4b:s7+s3], $0x80, v4, vm1, $0xb8;
	[tilespmem:$0x1C800] =	vst v63  }
0x71: {  	s14 =	simm.s32 $0xCC00  }
0x72: {  	[tilespmem:s14], [sflag:$0x2] =	stream.indirect_vreg.gather [hbm4b:s2+s3], $0x80, v3, vm0, $0xb8;
	[tilespmem:$0x1C800] =	vst v63  }
0x73: {  	s10 =	simm.s32 $0xD400  }
0x74: {  	[tilespmem:s10], [sflag:$0x2] =	stream.indirect_vreg.gather [hbm4b:s5+s3], $0x80, v3, vm0, $0xb8;
	[tilespmem:$0x1C800] =	vst v63  }
0x75: {  	s14 =	simm.s32 $0xDC00  }
0x76: {  	[tilespmem:s14], [sflag:$0x2] =	stream.indirect_vreg.gather [hbm4b:s6+s3], $0x80, v3, vm0, $0xb8;
	[tilespmem:$0x1C800] =	vst v63  }
0x77: {  	s10 =	simm.s32 $0xE400  }
0x78: {  	[tilespmem:s10], [sflag:$0x2] =	stream.indirect_vreg.gather [hbm4b:s7+s3], $0x80, v3, vm1, $0xb8;
	[tilespmem:$0x1C800] =	vst v63  }
0x79: {  	v3 =	vld [tilespmem:$0x100];
	_ =	sdelay $0x4  }
0x7a: {  	v36 =	vshrl.u32 v3, $0x3  }
0x7b: {  	v4 =	vmul.u32 $0x38, v36  }
0x7c: {  	v3 =	vand.u32 $0x7, v3  }
0x7d: {  	v3 =	vor.u32 v3, v4  }
0x7e: {  	v4 =	vperm.xlane v3, v0;
	_ =	sdelay $0x1  }
0x7f: {  	v4 =	vadd.s32 v1, v4;
	_ =	sdelay $0x3  }
0x80: {  	s14 =	simm.s32 $0xE800  }
0x81: {  	[tilespmem:s14], [sflag:$0x3] =	stream.indirect_vreg.gather [hbm4b:s2+s3], $0x80, v4, vm0, $0xb8;
	[tilespmem:$0x1C800] =	vst v63  }
0x82: {  	s10 =	simm.s32 $0xF000;
	v3 =	vperm.xlane v3, v2  }
0x83: {  	[tilespmem:s10], [sflag:$0x3] =	stream.indirect_vreg.gather [hbm4b:s5+s3], $0x80, v4, vm0, $0xb8;
	[tilespmem:$0x1C800] =	vst v63  }
0x84: {  	s11 =	simm.s32 $0xF800;
	v3 =	vadd.s32 v1, v3  }
0x85: {  	[tilespmem:s11], [sflag:$0x3] =	stream.indirect_vreg.gather [hbm4b:s6+s3], $0x80, v4, vm0, $0xb8;
	[tilespmem:$0x1C800] =	vst v63  }
0x86: {  	s10 =	simm.s32 $0x10000  }
0x87: {  	[tilespmem:s10], [sflag:$0x3] =	stream.indirect_vreg.gather [hbm4b:s7+s3], $0x80, v4, vm1, $0xb8;
	[tilespmem:$0x1C800] =	vst v63  }
0x88: {  	s11 =	simm.s32 $0x10400  }
0x89: {  	[tilespmem:s11], [sflag:$0x3] =	stream.indirect_vreg.gather [hbm4b:s2+s3], $0x80, v3, vm0, $0xb8;
	[tilespmem:$0x1C800] =	vst v63  }
0x8a: {  	s10 =	simm.s32 $0x10C00  }
0x8b: {  	[tilespmem:s10], [sflag:$0x3] =	stream.indirect_vreg.gather [hbm4b:s5+s3], $0x80, v3, vm0, $0xb8;
	[tilespmem:$0x1C800] =	vst v63  }
0x8c: {  	s11 =	simm.s32 $0x11400  }
0x8d: {  	[tilespmem:s11], [sflag:$0x3] =	stream.indirect_vreg.gather [hbm4b:s6+s3], $0x80, v3, vm0, $0xb8;
	[tilespmem:$0x1C800] =	vst v63  }
0x8e: {  	s10 =	simm.s32 $0x11C00  }
0x8f: {  	[tilespmem:s10], [sflag:$0x3] =	stream.indirect_vreg.gather [hbm4b:s7+s3], $0x80, v3, vm1, $0xb8;
	[tilespmem:$0x1C800] =	vst v63  }
0x90: {  	v3 =	vld [tilespmem:$0x110];
	_ =	sdelay $0x4  }
0x91: {  	v37 =	vshrl.u32 v3, $0x3  }
0x92: {  	v4 =	vmul.u32 $0x38, v37  }
0x93: {  	v3 =	vand.u32 $0x7, v3  }
0x94: {  	v3 =	vor.u32 v3, v4  }
0x95: {  	v4 =	vperm.xlane v3, v0;
	_ =	sdelay $0x1  }
0x96: {  	v4 =	vadd.s32 v1, v4;
	_ =	sdelay $0x3  }
0x97: {  	s11 =	simm.s32 $0x12000  }
0x98: {  	[tilespmem:s11], [sflag:$0x3] =	stream.indirect_vreg.gather [hbm4b:s2+s3], $0x80, v4, vm0, $0xb8;
	[tilespmem:$0x1C800] =	vst v63  }
0x99: {  	s10 =	simm.s32 $0x12800;
	v3 =	vperm.xlane v3, v2  }
0x9a: {  	[tilespmem:s10], [sflag:$0x3] =	stream.indirect_vreg.gather [hbm4b:s5+s3], $0x80, v4, vm0, $0xb8;
	[tilespmem:$0x1C800] =	vst v63  }
0x9b: {  	v3 =	vadd.s32 v1, v3;
	s11 =	simm.s32 $0x13000  }
0x9c: {  	[tilespmem:s11], [sflag:$0x3] =	stream.indirect_vreg.gather [hbm4b:s6+s3], $0x80, v4, vm0, $0xb8;
	[tilespmem:$0x1C800] =	vst v63  }
0x9d: {  	s10 =	simm.s32 $0x13800  }
0x9e: {  	[tilespmem:s10], [sflag:$0x3] =	stream.indirect_vreg.gather [hbm4b:s7+s3], $0x80, v4, vm1, $0xb8;
	[tilespmem:$0x1C800] =	vst v63  }
0x9f: {  	s11 =	simm.s32 $0x13C00  }
0xa0: {  	[tilespmem:s11], [sflag:$0x3] =	stream.indirect_vreg.gather [hbm4b:s2+s3], $0x80, v3, vm0, $0xb8;
	[tilespmem:$0x1C800] =	vst v63  }
0xa1: {  	s10 =	simm.s32 $0x14400  }
0xa2: {  	[tilespmem:s10], [sflag:$0x3] =	stream.indirect_vreg.gather [hbm4b:s5+s3], $0x80, v3, vm0, $0xb8;
	[tilespmem:$0x1C800] =	vst v63  }
0xa3: {  	s11 =	simm.s32 $0x14C00  }
0xa4: {  	[tilespmem:s11], [sflag:$0x3] =	stream.indirect_vreg.gather [hbm4b:s6+s3], $0x80, v3, vm0, $0xb8;
	[tilespmem:$0x1C800] =	vst v63  }
0xa5: {  	s10 =	simm.s32 $0x15400  }
0xa6: {  	[tilespmem:s10], [sflag:$0x3] =	stream.indirect_vreg.gather [hbm4b:s7+s3], $0x80, v3, vm1, $0xb8;
	[tilespmem:$0x1C800] =	vst v63  }
0xa7: {  	v3 =	vld [tilespmem:$0x180];
	_ =	sdelay $0x4  }
0xa8: {  	v38 =	vshrl.u32 v3, $0x3  }
0xa9: {  	v4 =	vmul.u32 $0x38, v38  }
0xaa: {  	v3 =	vand.u32 $0x7, v3  }
0xab: {  	v3 =	vor.u32 v3, v4  }
0xac: {  	v4 =	vperm.xlane v3, v0;
	_ =	sdelay $0x1  }
0xad: {  	v4 =	vadd.s32 v1, v4;
	_ =	sdelay $0x3  }
0xae: {  	s10 =	simm.s32 $0x15800  }
0xaf: {  	[tilespmem:s10], [sflag:$0x4] =	stream.indirect_vreg.gather [hbm4b:s2+s3], $0x80, v4, vm0, $0xb8;
	[tilespmem:$0x1C800] =	vst v63  }
0xb0: {  	s11 =	simm.s32 $0x16000;
	v3 =	vperm.xlane v3, v2  }
0xb1: {  	[tilespmem:s11], [sflag:$0x4] =	stream.indirect_vreg.gather [hbm4b:s5+s3], $0x80, v4, vm0, $0xb8;
	[tilespmem:$0x1C800] =	vst v63  }
0xb2: {  	v3 =	vadd.s32 v1, v3;
	s11 =	simm.s32 $0x16800  }
0xb3: {  	[tilespmem:s11], [sflag:$0x4] =	stream.indirect_vreg.gather [hbm4b:s6+s3], $0x80, v4, vm0, $0xb8;
	[tilespmem:$0x1C800] =	vst v63  }
0xb4: {  	s11 =	simm.s32 $0x17000  }
0xb5: {  	[tilespmem:s11], [sflag:$0x4] =	stream.indirect_vreg.gather [hbm4b:s7+s3], $0x80, v4, vm1, $0xb8;
	[tilespmem:$0x1C800] =	vst v63  }
0xb6: {  	s11 =	simm.s32 $0x17400  }
0xb7: {  	[tilespmem:s11], [sflag:$0x4] =	stream.indirect_vreg.gather [hbm4b:s2+s3], $0x80, v3, vm0, $0xb8;
	[tilespmem:$0x1C800] =	vst v63  }
0xb8: {  	s11 =	simm.s32 $0x17C00  }
0xb9: {  	[tilespmem:s11], [sflag:$0x4] =	stream.indirect_vreg.gather [hbm4b:s5+s3], $0x80, v3, vm0, $0xb8;
	[tilespmem:$0x1C800] =	vst v63  }
0xba: {  	s11 =	simm.s32 $0x18400  }
0xbb: {  	[tilespmem:s11], [sflag:$0x4] =	stream.indirect_vreg.gather [hbm4b:s6+s3], $0x80, v3, vm0, $0xb8;
	[tilespmem:$0x1C800] =	vst v63  }
0xbc: {  	s11 =	simm.s32 $0x18C00  }
0xbd: {  	[tilespmem:s11], [sflag:$0x4] =	stream.indirect_vreg.gather [hbm4b:s7+s3], $0x80, v3, vm1, $0xb8;
	[tilespmem:$0x1C800] =	vst v63  }
0xbe: {  	v3 =	vld [tilespmem:$0x190];
	_ =	sdelay $0x4  }
0xbf: {  	v39 =	vshrl.u32 v3, $0x3  }
0xc0: {  	v4 =	vmul.u32 $0x38, v39  }
0xc1: {  	v3 =	vand.u32 $0x7, v3  }
0xc2: {  	v3 =	vor.u32 v3, v4  }
0xc3: {  	v4 =	vperm.xlane v3, v0;
	_ =	sdelay $0x1  }
0xc4: {  	v4 =	vadd.s32 v1, v4;
	_ =	sdelay $0x3  }
0xc5: {  	s11 =	simm.s32 $0x19000  }
0xc6: {  	[tilespmem:s11], [sflag:$0x4] =	stream.indirect_vreg.gather [hbm4b:s2+s3], $0x80, v4, vm0, $0xb8;
	[tilespmem:$0x1C800] =	vst v63  }
0xc7: {  	v3 =	vperm.xlane v3, v2;
	s11 =	simm.s32 $0x19800  }
0xc8: {  	[tilespmem:s11], [sflag:$0x4] =	stream.indirect_vreg.gather [hbm4b:s5+s3], $0x80, v4, vm0, $0xb8;
	[tilespmem:$0x1C800] =	vst v63  }
0xc9: {  	v3 =	vadd.s32 v1, v3;
	s11 =	simm.s32 $0x1A000  }
0xca: {  	[tilespmem:s11], [sflag:$0x4] =	stream.indirect_vreg.gather [hbm4b:s6+s3], $0x80, v4, vm0, $0xb8;
	[tilespmem:$0x1C800] =	vst v63  }
0xcb: {  	s11 =	simm.s32 $0x1A800  }
0xcc: {  	[tilespmem:s11], [sflag:$0x4] =	stream.indirect_vreg.gather [hbm4b:s7+s3], $0x80, v4, vm1, $0xb8;
	[tilespmem:$0x1C800] =	vst v63  }
0xcd: {  	s11 =	simm.s32 $0x1AC00  }
0xce: {  	[tilespmem:s11], [sflag:$0x4] =	stream.indirect_vreg.gather [hbm4b:s2+s3], $0x80, v3, vm0, $0xb8;
	[tilespmem:$0x1C800] =	vst v63  }
0xcf: {  	s11 =	simm.s32 $0x1B400  }
0xd0: {  	[tilespmem:s11], [sflag:$0x4] =	stream.indirect_vreg.gather [hbm4b:s5+s3], $0x80, v3, vm0, $0xb8;
	[tilespmem:$0x1C800] =	vst v63  }
0xd1: {  	s11 =	simm.s32 $0x1BC00  }
0xd2: {  	[tilespmem:s11], [sflag:$0x4] =	stream.indirect_vreg.gather [hbm4b:s6+s3], $0x80, v3, vm0, $0xb8;
	[tilespmem:$0x1C800] =	vst v63  }
0xd3: {  	s11 =	simm.s32 $0x1C400  }
0xd4: {  	[tilespmem:s11], [sflag:$0x4] =	stream.indirect_vreg.gather [hbm4b:s7+s3], $0x80, v3, vm1, $0xb8;
	[tilespmem:$0x1C800] =	vst v63  }
0xd5: {  	_ =	swait.ge [sflag:s30], $0x7000  }
0xd6: {  	[sflag:s30] =	ssyncset.done $0x0  }
0xd7: {  	s11 =	simm.s32 $0x800;
	s14 =	rddreg [dreg:$0x14];
	[sflag:s30] =	ssyncadd.s32 $0xFFFF9000  }
0xd8: {  	[hbm4b:s14+s3] =	stream.linear.scatter [tilespmem:s11], [sflag:$0x5], $0x7000, $0x38;
	[tilespmem:$0x1C800] =	vst v63  }
0xd9: {  	_ =	swait.ge [sflag:s31], $0x7000  }
0xda: {  	[sflag:s31] =	ssyncset.done $0x0  }
0xdb: {  	[sflag:s31] =	ssyncadd.s32 $0xFFFF9000  }
0xdc: {  	v3 =	vld [tilespmem:$0x200];
	_ =	sdelay $0x4  }
0xdd: {  	v40 =	vshrl.u32 v3, $0x3  }
0xde: {  	v4 =	vmul.u32 $0x38, v40  }
0xdf: {  	v3 =	vand.u32 $0x7, v3  }
0xe0: {  	v3 =	vor.u32 v3, v4  }
0xe1: {  	v4 =	vperm.xlane v3, v0;
	_ =	sdelay $0x1  }
0xe2: {  	v4 =	vadd.s32 v1, v4;
	_ =	sdelay $0x4  }
0xe3: {  	[tilespmem:s11], [sflag:$0x1] =	stream.indirect_vreg.gather [hbm4b:s2+s3], $0x80, v4, vm0, $0xb8;
	[tilespmem:$0x1C800] =	vst v63  }
0xe4: {  	s15 =	simm.s32 $0x1000;
	v3 =	vperm.xlane v3, v2  }
0xe5: {  	[tilespmem:s15], [sflag:$0x1] =	stream.indirect_vreg.gather [hbm4b:s5+s3], $0x80, v4, vm0, $0xb8;
	[tilespmem:$0x1C800] =	vst v63  }
0xe6: {  	s17 =	simm.s32 $0x1800;
	v3 =	vadd.s32 v1, v3  }
0xe7: {  	[tilespmem:s17], [sflag:$0x1] =	stream.indirect_vreg.gather [hbm4b:s6+s3], $0x80, v4, vm0, $0xb8;
	[tilespmem:$0x1C800] =	vst v63  }
0xe8: {  	s19 =	simm.s32 $0x2000  }
0xe9: {  	[tilespmem:s19], [sflag:$0x1] =	stream.indirect_vreg.gather [hbm4b:s7+s3], $0x80, v4, vm1, $0xb8;
	[tilespmem:$0x1C800] =	vst v63  }
0xea: {  	s20 =	simm.s32 $0x2400  }
0xeb: {  	[tilespmem:s20], [sflag:$0x1] =	stream.indirect_vreg.gather [hbm4b:s2+s3], $0x80, v3, vm0, $0xb8;
	[tilespmem:$0x1C800] =	vst v63  }
0xec: {  	s21 =	simm.s32 $0x2C00  }
0xed: {  	[tilespmem:s21], [sflag:$0x1] =	stream.indirect_vreg.gather [hbm4b:s5+s3], $0x80, v3, vm0, $0xb8;
	[tilespmem:$0x1C800] =	vst v63  }
0xee: {  	s22 =	simm.s32 $0x3400  }
0xef: {  	[tilespmem:s22], [sflag:$0x1] =	stream.indirect_vreg.gather [hbm4b:s6+s3], $0x80, v3, vm0, $0xb8;
	[tilespmem:$0x1C800] =	vst v63  }
0xf0: {  	s16 =	simm.s32 $0x3C00  }
0xf1: {  	[tilespmem:s16], [sflag:$0x1] =	stream.indirect_vreg.gather [hbm4b:s7+s3], $0x80, v3, vm1, $0xb8;
	[tilespmem:$0x1C800] =	vst v63  }
0xf2: {  	v3 =	vld [tilespmem:$0x210];
	_ =	sdelay $0x4  }
0xf3: {  	v41 =	vshrl.u32 v3, $0x3  }
0xf4: {  	v4 =	vmul.u32 $0x38, v41  }
0xf5: {  	v3 =	vand.u32 $0x7, v3  }
0xf6: {  	v3 =	vor.u32 v3, v4  }
0xf7: {  	v4 =	vperm.xlane v3, v0;
	_ =	sdelay $0x1  }
0xf8: {  	v4 =	vadd.s32 v1, v4;
	_ =	sdelay $0x3  }
0xf9: {  	s18 =	simm.s32 $0x4000  }
0xfa: {  	[tilespmem:s18], [sflag:$0x1] =	stream.indirect_vreg.gather [hbm4b:s2+s3], $0x80, v4, vm0, $0xb8;
	[tilespmem:$0x1C800] =	vst v63  }
0xfb: {  	s25 =	simm.s32 $0x4800;
	v3 =	vperm.xlane v3, v2  }
0xfc: {  	[tilespmem:s25], [sflag:$0x1] =	stream.indirect_vreg.gather [hbm4b:s5+s3], $0x80, v4, vm0, $0xb8;
	[tilespmem:$0x1C800] =	vst v63  }
0xfd: {  	s20 =	simm.s32 $0x5000;
	v3 =	vadd.s32 v1, v3  }
0xfe: {  	[tilespmem:s20], [sflag:$0x1] =	stream.indirect_vreg.gather [hbm4b:s6+s3], $0x80, v4, vm0, $0xb8;
	[tilespmem:$0x1C800] =	vst v63  }
0xff: {  	s18 =	simm.s32 $0x5800  }
0x100: {  	[tilespmem:s18], [sflag:$0x1] =	stream.indirect_vreg.gather [hbm4b:s7+s3], $0x80, v4, vm1, $0xb8;
	[tilespmem:$0x1C800] =	vst v63  }
0x101: {  	s25 =	simm.s32 $0x5C00  }
0x102: {  	[tilespmem:s25], [sflag:$0x1] =	stream.indirect_vreg.gather [hbm4b:s2+s3], $0x80, v3, vm0, $0xb8;
	[tilespmem:$0x1C800] =	vst v63  }
0x103: {  	s28 =	simm.s32 $0x6400  }
0x104: {  	[tilespmem:s28], [sflag:$0x1] =	stream.indirect_vreg.gather [hbm4b:s5+s3], $0x80, v3, vm0, $0xb8;
	[tilespmem:$0x1C800] =	vst v63  }
0x105: {  	s17 =	simm.s32 $0x6C00  }
0x106: {  	[tilespmem:s17], [sflag:$0x1] =	stream.indirect_vreg.gather [hbm4b:s6+s3], $0x80, v3, vm0, $0xb8;
	[tilespmem:$0x1C800] =	vst v63  }
0x107: {  	s21 =	simm.s32 $0x7400  }
0x108: {  	[tilespmem:s21], [sflag:$0x1] =	stream.indirect_vreg.gather [hbm4b:s7+s3], $0x80, v3, vm1, $0xb8;
	[tilespmem:$0x1C800] =	vst v63  }
0x109: {  	_ =	swait.ge [sflag:s1], $0x7000  }
0x10a: {  	[sflag:s1] =	ssyncset.done $0x0  }
0x10b: {  	s28 =	simm.s32 $0x7800;
	s22 =	rddreg [dreg:$0x5];
	[sflag:s1] =	ssyncadd.s32 $0xFFFF9000  }
0x10c: {  	[hbm4b:s22+s3] =	stream.linear.scatter [tilespmem:s28], [sflag:$0x6], $0x7000, $0x38;
	[tilespmem:$0x1C800] =	vst v63  }
0x10d: {  	_ =	swait.ge [sflag:s0], $0x7000  }
0x10e: {  	[sflag:s0] =	ssyncset.done $0x0  }
0x10f: {  	[sflag:s0] =	ssyncadd.s32 $0xFFFF9000  }
0x110: {  	v3 =	vld [tilespmem:$0x280];
	_ =	sdelay $0x4  }
0x111: {  	v42 =	vshrl.u32 v3, $0x3  }
0x112: {  	v4 =	vmul.u32 $0x38, v42  }
0x113: {  	v3 =	vand.u32 $0x7, v3  }
0x114: {  	v3 =	vor.u32 v3, v4  }
0x115: {  	v4 =	vperm.xlane v3, v0;
	_ =	sdelay $0x1  }
0x116: {  	v4 =	vadd.s32 v1, v4;
	_ =	sdelay $0x4  }
0x117: {  	[tilespmem:s28], [sflag:$0x2] =	stream.indirect_vreg.gather [hbm4b:s2+s3], $0x80, v4, vm0, $0xb8;
	[tilespmem:$0x1C800] =	vst v63  }
0x118: {  	s29 =	simm.s32 $0x8000;
	v3 =	vperm.xlane v3, v2  }
0x119: {  	[tilespmem:s29], [sflag:$0x2] =	stream.indirect_vreg.gather [hbm4b:s5+s3], $0x80, v4, vm0, $0xb8;
	[tilespmem:$0x1C800] =	vst v63  }
0x11a: {  	v3 =	vadd.s32 v1, v3;
	s29 =	simm.s32 $0x8800  }
0x11b: {  	[tilespmem:s29], [sflag:$0x2] =	stream.indirect_vreg.gather [hbm4b:s6+s3], $0x80, v4, vm0, $0xb8;
	[tilespmem:$0x1C800] =	vst v63  }
0x11c: {  	s19 =	simm.s32 $0x9000  }
0x11d: {  	[tilespmem:s19], [sflag:$0x2] =	stream.indirect_vreg.gather [hbm4b:s7+s3], $0x80, v4, vm1, $0xb8;
	[tilespmem:$0x1C800] =	vst v63  }
0x11e: {  	s20 =	simm.s32 $0x9400  }
0x11f: {  	[tilespmem:s20], [sflag:$0x2] =	stream.indirect_vreg.gather [hbm4b:s2+s3], $0x80, v3, vm0, $0xb8;
	[tilespmem:$0x1C800] =	vst v63  }
0x120: {  	s21 =	simm.s32 $0x9C00  }
0x121: {  	[tilespmem:s21], [sflag:$0x2] =	stream.indirect_vreg.gather [hbm4b:s5+s3], $0x80, v3, vm0, $0xb8;
	[tilespmem:$0x1C800] =	vst v63  }
0x122: {  	s22 =	simm.s32 $0xA400  }
0x123: {  	[tilespmem:s22], [sflag:$0x2] =	stream.indirect_vreg.gather [hbm4b:s6+s3], $0x80, v3, vm0, $0xb8;
	[tilespmem:$0x1C800] =	vst v63  }
0x124: {  	s23 =	simm.s32 $0xAC00  }
0x125: {  	[tilespmem:s23], [sflag:$0x2] =	stream.indirect_vreg.gather [hbm4b:s7+s3], $0x80, v3, vm1, $0xb8;
	[tilespmem:$0x1C800] =	vst v63  }
0x126: {  	v3 =	vld [tilespmem:$0x290];
	_ =	sdelay $0x4  }
0x127: {  	v43 =	vshrl.u32 v3, $0x3  }
0x128: {  	v4 =	vmul.u32 $0x38, v43  }
0x129: {  	v3 =	vand.u32 $0x7, v3  }
0x12a: {  	v3 =	vor.u32 v3, v4  }
0x12b: {  	v4 =	vperm.xlane v3, v0;
	_ =	sdelay $0x1  }
0x12c: {  	v4 =	vadd.s32 v1, v4;
	_ =	sdelay $0x3  }
0x12d: {  	s24 =	simm.s32 $0xB000  }
0x12e: {  	[tilespmem:s24], [sflag:$0x2] =	stream.indirect_vreg.gather [hbm4b:s2+s3], $0x80, v4, vm0, $0xb8;
	[tilespmem:$0x1C800] =	vst v63  }
0x12f: {  	s26 =	simm.s32 $0xB800;
	v3 =	vperm.xlane v3, v2  }
0x130: {  	[tilespmem:s26], [sflag:$0x2] =	stream.indirect_vreg.gather [hbm4b:s5+s3], $0x80, v4, vm0, $0xb8;
	[tilespmem:$0x1C800] =	vst v63  }
0x131: {  	s23 =	simm.s32 $0xC000;
	v3 =	vadd.s32 v1, v3  }
0x132: {  	[tilespmem:s23], [sflag:$0x2] =	stream.indirect_vreg.gather [hbm4b:s6+s3], $0x80, v4, vm0, $0xb8;
	[tilespmem:$0x1C800] =	vst v63  }
0x133: {  	s24 =	simm.s32 $0xC800  }
0x134: {  	[tilespmem:s24], [sflag:$0x2] =	stream.indirect_vreg.gather [hbm4b:s7+s3], $0x80, v4, vm1, $0xb8;
	[tilespmem:$0x1C800] =	vst v63  }
0x135: {  	s26 =	simm.s32 $0xCC00  }
0x136: {  	[tilespmem:s26], [sflag:$0x2] =	stream.indirect_vreg.gather [hbm4b:s2+s3], $0x80, v3, vm0, $0xb8;
	[tilespmem:$0x1C800] =	vst v63  }
0x137: {  	s28 =	simm.s32 $0xD400  }
0x138: {  	[tilespmem:s28], [sflag:$0x2] =	stream.indirect_vreg.gather [hbm4b:s5+s3], $0x80, v3, vm0, $0xb8;
	[tilespmem:$0x1C800] =	vst v63  }
0x139: {  	s29 =	simm.s32 $0xDC00  }
0x13a: {  	[tilespmem:s29], [sflag:$0x2] =	stream.indirect_vreg.gather [hbm4b:s6+s3], $0x80, v3, vm0, $0xb8;
	[tilespmem:$0x1C800] =	vst v63  }
0x13b: {  	s15 =	simm.s32 $0xE400  }
0x13c: {  	[tilespmem:s15], [sflag:$0x2] =	stream.indirect_vreg.gather [hbm4b:s7+s3], $0x80, v3, vm1, $0xb8;
	[tilespmem:$0x1C800] =	vst v63  }
0x13d: {  	_ =	swait.ge [sflag:s4], $0x7000  }
0x13e: {  	[sflag:s4] =	ssyncset.done $0x0  }
0x13f: {  	s15 =	simm.s32 $0xE800;
	s14 =	rddreg [dreg:$0x6];
	[sflag:s4] =	ssyncadd.s32 $0xFFFF9000  }
0x140: {  	[hbm4b:s14+s3] =	stream.linear.scatter [tilespmem:s15], [sflag:$0x7], $0x7000, $0x38;
	[tilespmem:$0x1C800] =	vst v63  }
0x141: {  	_ =	swait.ge [sflag:s9], $0x7000  }
0x142: {  	[sflag:s9] =	ssyncset.done $0x0  }
0x143: {  	[sflag:s9] =	ssyncadd.s32 $0xFFFF9000  }
0x144: {  	v3 =	vld [tilespmem:$0x300];
	_ =	sdelay $0x4  }
0x145: {  	v44 =	vshrl.u32 v3, $0x3  }
0x146: {  	v4 =	vmul.u32 $0x38, v44  }
0x147: {  	v3 =	vand.u32 $0x7, v3  }
0x148: {  	v3 =	vor.u32 v3, v4  }
0x149: {  	v4 =	vperm.xlane v3, v0;
	_ =	sdelay $0x1  }
0x14a: {  	v4 =	vadd.s32 v1, v4;
	_ =	sdelay $0x4  }
0x14b: {  	[tilespmem:s15], [sflag:$0x3] =	stream.indirect_vreg.gather [hbm4b:s2+s3], $0x80, v4, vm0, $0xb8;
	[tilespmem:$0x1C800] =	vst v63  }
0x14c: {  	s14 =	simm.s32 $0xF000;
	v3 =	vperm.xlane v3, v2  }
0x14d: {  	[tilespmem:s14], [sflag:$0x3] =	stream.indirect_vreg.gather [hbm4b:s5+s3], $0x80, v4, vm0, $0xb8;
	[tilespmem:$0x1C800] =	vst v63  }
0x14e: {  	v3 =	vadd.s32 v1, v3;
	s14 =	simm.s32 $0xF800  }
0x14f: {  	[tilespmem:s14], [sflag:$0x3] =	stream.indirect_vreg.gather [hbm4b:s6+s3], $0x80, v4, vm0, $0xb8;
	[tilespmem:$0x1C800] =	vst v63  }
0x150: {  	s14 =	simm.s32 $0x10000  }
0x151: {  	[tilespmem:s14], [sflag:$0x3] =	stream.indirect_vreg.gather [hbm4b:s7+s3], $0x80, v4, vm1, $0xb8;
	[tilespmem:$0x1C800] =	vst v63  }
0x152: {  	s14 =	simm.s32 $0x10400  }
0x153: {  	[tilespmem:s14], [sflag:$0x3] =	stream.indirect_vreg.gather [hbm4b:s2+s3], $0x80, v3, vm0, $0xb8;
	[tilespmem:$0x1C800] =	vst v63  }
0x154: {  	s14 =	simm.s32 $0x10C00  }
0x155: {  	[tilespmem:s14], [sflag:$0x3] =	stream.indirect_vreg.gather [hbm4b:s5+s3], $0x80, v3, vm0, $0xb8;
	[tilespmem:$0x1C800] =	vst v63  }
0x156: {  	s14 =	simm.s32 $0x11400  }
0x157: {  	[tilespmem:s14], [sflag:$0x3] =	stream.indirect_vreg.gather [hbm4b:s6+s3], $0x80, v3, vm0, $0xb8;
	[tilespmem:$0x1C800] =	vst v63  }
0x158: {  	s14 =	simm.s32 $0x11C00  }
0x159: {  	[tilespmem:s14], [sflag:$0x3] =	stream.indirect_vreg.gather [hbm4b:s7+s3], $0x80, v3, vm1, $0xb8;
	[tilespmem:$0x1C800] =	vst v63  }
0x15a: {  	v3 =	vld [tilespmem:$0x310];
	_ =	sdelay $0x4  }
0x15b: {  	v45 =	vshrl.u32 v3, $0x3  }
0x15c: {  	v4 =	vmul.u32 $0x38, v45  }
0x15d: {  	v3 =	vand.u32 $0x7, v3  }
0x15e: {  	v3 =	vor.u32 v3, v4  }
0x15f: {  	v4 =	vperm.xlane v3, v0;
	_ =	sdelay $0x1  }
0x160: {  	v4 =	vadd.s32 v1, v4;
	_ =	sdelay $0x3  }
0x161: {  	s14 =	simm.s32 $0x12000  }
0x162: {  	[tilespmem:s14], [sflag:$0x3] =	stream.indirect_vreg.gather [hbm4b:s2+s3], $0x80, v4, vm0, $0xb8;
	[tilespmem:$0x1C800] =	vst v63  }
0x163: {  	v3 =	vperm.xlane v3, v2;
	s14 =	simm.s32 $0x12800  }
0x164: {  	[tilespmem:s14], [sflag:$0x3] =	stream.indirect_vreg.gather [hbm4b:s5+s3], $0x80, v4, vm0, $0xb8;
	[tilespmem:$0x1C800] =	vst v63  }
0x165: {  	v3 =	vadd.s32 v1, v3;
	s14 =	simm.s32 $0x13000  }
0x166: {  	[tilespmem:s14], [sflag:$0x3] =	stream.indirect_vreg.gather [hbm4b:s6+s3], $0x80, v4, vm0, $0xb8;
	[tilespmem:$0x1C800] =	vst v63  }
0x167: {  	s14 =	simm.s32 $0x13800  }
0x168: {  	[tilespmem:s14], [sflag:$0x3] =	stream.indirect_vreg.gather [hbm4b:s7+s3], $0x80, v4, vm1, $0xb8;
	[tilespmem:$0x1C800] =	vst v63  }
0x169: {  	s14 =	simm.s32 $0x13C00  }
0x16a: {  	[tilespmem:s14], [sflag:$0x3] =	stream.indirect_vreg.gather [hbm4b:s2+s3], $0x80, v3, vm0, $0xb8;
	[tilespmem:$0x1C800] =	vst v63  }
0x16b: {  	s14 =	simm.s32 $0x14400  }
0x16c: {  	[tilespmem:s14], [sflag:$0x3] =	stream.indirect_vreg.gather [hbm4b:s5+s3], $0x80, v3, vm0, $0xb8;
	[tilespmem:$0x1C800] =	vst v63  }
0x16d: {  	s14 =	simm.s32 $0x14C00  }
0x16e: {  	[tilespmem:s14], [sflag:$0x3] =	stream.indirect_vreg.gather [hbm4b:s6+s3], $0x80, v3, vm0, $0xb8;
	[tilespmem:$0x1C800] =	vst v63  }
0x16f: {  	s14 =	simm.s32 $0x15400  }
0x170: {  	[tilespmem:s14], [sflag:$0x3] =	stream.indirect_vreg.gather [hbm4b:s7+s3], $0x80, v3, vm1, $0xb8;
	[tilespmem:$0x1C800] =	vst v63  }
0x171: {  	_ =	swait.ge [sflag:s12], $0x7000  }
0x172: {  	[sflag:s12] =	ssyncset.done $0x0  }
0x173: {  	s14 =	rddreg [dreg:$0x7];
	[sflag:s12] =	ssyncadd.s32 $0xFFFF9000  }
0x174: {  	[hbm4b:s14+s3] =	stream.linear.scatter [tilespmem:s10], [sflag:$0x8], $0x7000, $0x38;
	[tilespmem:$0x1C800] =	vst v63  }
0x175: {  	_ =	swait.ge [sflag:s13], $0x7000  }
0x176: {  	[sflag:s13] =	ssyncset.done $0x0  }
0x177: {  	[sflag:s13] =	ssyncadd.s32 $0xFFFF9000  }
0x178: {  	v3 =	vld [tilespmem:$0x380];
	_ =	sdelay $0x4  }
0x179: {  	v46 =	vshrl.u32 v3, $0x3  }
0x17a: {  	v4 =	vmul.u32 $0x38, v46  }
0x17b: {  	v3 =	vand.u32 $0x7, v3  }
0x17c: {  	v3 =	vor.u32 v3, v4  }
0x17d: {  	v4 =	vperm.xlane v3, v0;
	_ =	sdelay $0x1  }
0x17e: {  	v4 =	vadd.s32 v1, v4;
	_ =	sdelay $0x4  }
0x17f: {  	[tilespmem:s10], [sflag:$0x4] =	stream.indirect_vreg.gather [hbm4b:s2+s3], $0x80, v4, vm0, $0xb8;
	[tilespmem:$0x1C800] =	vst v63  }
0x180: {  	s14 =	simm.s32 $0x16000;
	v3 =	vperm.xlane v3, v2  }
0x181: {  	[tilespmem:s14], [sflag:$0x4] =	stream.indirect_vreg.gather [hbm4b:s5+s3], $0x80, v4, vm0, $0xb8;
	[tilespmem:$0x1C800] =	vst v63  }
0x182: {  	v3 =	vadd.s32 v1, v3;
	s14 =	simm.s32 $0x16800  }
0x183: {  	[tilespmem:s14], [sflag:$0x4] =	stream.indirect_vreg.gather [hbm4b:s6+s3], $0x80, v4, vm0, $0xb8;
	[tilespmem:$0x1C800] =	vst v63  }
0x184: {  	s14 =	simm.s32 $0x17000  }
0x185: {  	[tilespmem:s14], [sflag:$0x4] =	stream.indirect_vreg.gather [hbm4b:s7+s3], $0x80, v4, vm1, $0xb8;
	[tilespmem:$0x1C800] =	vst v63  }
0x186: {  	s14 =	simm.s32 $0x17400  }
0x187: {  	[tilespmem:s14], [sflag:$0x4] =	stream.indirect_vreg.gather [hbm4b:s2+s3], $0x80, v3, vm0, $0xb8;
	[tilespmem:$0x1C800] =	vst v63  }
0x188: {  	s14 =	simm.s32 $0x17C00  }
0x189: {  	[tilespmem:s14], [sflag:$0x4] =	stream.indirect_vreg.gather [hbm4b:s5+s3], $0x80, v3, vm0, $0xb8;
	[tilespmem:$0x1C800] =	vst v63  }
0x18a: {  	s14 =	simm.s32 $0x18400  }
0x18b: {  	[tilespmem:s14], [sflag:$0x4] =	stream.indirect_vreg.gather [hbm4b:s6+s3], $0x80, v3, vm0, $0xb8;
	[tilespmem:$0x1C800] =	vst v63  }
0x18c: {  	s14 =	simm.s32 $0x18C00  }
0x18d: {  	[tilespmem:s14], [sflag:$0x4] =	stream.indirect_vreg.gather [hbm4b:s7+s3], $0x80, v3, vm1, $0xb8;
	[tilespmem:$0x1C800] =	vst v63  }
0x18e: {  	v3 =	vld [tilespmem:$0x390];
	_ =	sdelay $0x4  }
0x18f: {  	v47 =	vshrl.u32 v3, $0x3  }
0x190: {  	v4 =	vmul.u32 $0x38, v47  }
0x191: {  	v3 =	vand.u32 $0x7, v3  }
0x192: {  	v3 =	vor.u32 v3, v4  }
0x193: {  	v4 =	vperm.xlane v3, v0;
	_ =	sdelay $0x1  }
0x194: {  	v4 =	vadd.s32 v1, v4;
	_ =	sdelay $0x3  }
0x195: {  	s14 =	simm.s32 $0x19000  }
0x196: {  	[tilespmem:s14], [sflag:$0x4] =	stream.indirect_vreg.gather [hbm4b:s2+s3], $0x80, v4, vm0, $0xb8;
	[tilespmem:$0x1C800] =	vst v63  }
0x197: {  	v3 =	vperm.xlane v3, v2;
	s14 =	simm.s32 $0x19800  }
0x198: {  	[tilespmem:s14], [sflag:$0x4] =	stream.indirect_vreg.gather [hbm4b:s5+s3], $0x80, v4, vm0, $0xb8;
	[tilespmem:$0x1C800] =	vst v63  }
0x199: {  	v3 =	vadd.s32 v1, v3;
	s14 =	simm.s32 $0x1A000  }
0x19a: {  	[tilespmem:s14], [sflag:$0x4] =	stream.indirect_vreg.gather [hbm4b:s6+s3], $0x80, v4, vm0, $0xb8;
	[tilespmem:$0x1C800] =	vst v63  }
0x19b: {  	s14 =	simm.s32 $0x1A800  }
0x19c: {  	[tilespmem:s14], [sflag:$0x4] =	stream.indirect_vreg.gather [hbm4b:s7+s3], $0x80, v4, vm1, $0xb8;
	[tilespmem:$0x1C800] =	vst v63  }
0x19d: {  	s14 =	simm.s32 $0x1AC00  }
0x19e: {  	[tilespmem:s14], [sflag:$0x4] =	stream.indirect_vreg.gather [hbm4b:s2+s3], $0x80, v3, vm0, $0xb8;
	[tilespmem:$0x1C800] =	vst v63  }
0x19f: {  	s14 =	simm.s32 $0x1B400  }
0x1a0: {  	[tilespmem:s14], [sflag:$0x4] =	stream.indirect_vreg.gather [hbm4b:s5+s3], $0x80, v3, vm0, $0xb8;
	[tilespmem:$0x1C800] =	vst v63  }
0x1a1: {  	s14 =	simm.s32 $0x1BC00  }
0x1a2: {  	[tilespmem:s14], [sflag:$0x4] =	stream.indirect_vreg.gather [hbm4b:s6+s3], $0x80, v3, vm0, $0xb8;
	[tilespmem:$0x1C800] =	vst v63  }
0x1a3: {  	s14 =	simm.s32 $0x1C400  }
0x1a4: {  	[tilespmem:s14], [sflag:$0x4] =	stream.indirect_vreg.gather [hbm4b:s7+s3], $0x80, v3, vm1, $0xb8;
	[tilespmem:$0x1C800] =	vst v63  }
0x1a5: {  	_ =	swait.ge [sflag:s30], $0x7000  }
0x1a6: {  	[sflag:s30] =	ssyncset.done $0x0  }
0x1a7: {  	s11 =	simm.s32 $0x800;
	s14 =	rddreg [dreg:$0x8];
	[sflag:s30] =	ssyncadd.s32 $0xFFFF9000  }
0x1a8: {  	[hbm4b:s14+s3] =	stream.linear.scatter [tilespmem:s11], [sflag:$0x5], $0x7000, $0x38;
	[tilespmem:$0x1C800] =	vst v63  }
0x1a9: {  	_ =	swait.ge [sflag:s31], $0x7000  }
0x1aa: {  	[sflag:s31] =	ssyncset.done $0x0  }
0x1ab: {  	[sflag:s31] =	ssyncadd.s32 $0xFFFF9000  }
0x1ac: {  	v3 =	vld [tilespmem:$0x400];
	_ =	sdelay $0x4  }
0x1ad: {  	v48 =	vshrl.u32 v3, $0x3  }
0x1ae: {  	v4 =	vmul.u32 $0x38, v48  }
0x1af: {  	v3 =	vand.u32 $0x7, v3  }
0x1b0: {  	v3 =	vor.u32 v3, v4  }
0x1b1: {  	v4 =	vperm.xlane v3, v0;
	_ =	sdelay $0x1  }
0x1b2: {  	v4 =	vadd.s32 v1, v4;
	_ =	sdelay $0x4  }
0x1b3: {  	[tilespmem:s11], [sflag:$0x1] =	stream.indirect_vreg.gather [hbm4b:s2+s3], $0x80, v4, vm0, $0xb8;
	[tilespmem:$0x1C800] =	vst v63  }
0x1b4: {  	s14 =	simm.s32 $0x1000;
	v3 =	vperm.xlane v3, v2  }
0x1b5: {  	[tilespmem:s14], [sflag:$0x1] =	stream.indirect_vreg.gather [hbm4b:s5+s3], $0x80, v4, vm0, $0xb8;
	[tilespmem:$0x1C800] =	vst v63  }
0x1b6: {  	v3 =	vadd.s32 v1, v3;
	s14 =	simm.s32 $0x1800  }
0x1b7: {  	[tilespmem:s14], [sflag:$0x1] =	stream.indirect_vreg.gather [hbm4b:s6+s3], $0x80, v4, vm0, $0xb8;
	[tilespmem:$0x1C800] =	vst v63  }
0x1b8: {  	s14 =	simm.s32 $0x2000  }
0x1b9: {  	[tilespmem:s14], [sflag:$0x1] =	stream.indirect_vreg.gather [hbm4b:s7+s3], $0x80, v4, vm1, $0xb8;
	[tilespmem:$0x1C800] =	vst v63  }
0x1ba: {  	s14 =	simm.s32 $0x2400  }
0x1bb: {  	[tilespmem:s14], [sflag:$0x1] =	stream.indirect_vreg.gather [hbm4b:s2+s3], $0x80, v3, vm0, $0xb8;
	[tilespmem:$0x1C800] =	vst v63  }
0x1bc: {  	s14 =	simm.s32 $0x2C00  }
0x1bd: {  	[tilespmem:s14], [sflag:$0x1] =	stream.indirect_vreg.gather [hbm4b:s5+s3], $0x80, v3, vm0, $0xb8;
	[tilespmem:$0x1C800] =	vst v63  }
0x1be: {  	s14 =	simm.s32 $0x3400  }
0x1bf: {  	[tilespmem:s14], [sflag:$0x1] =	stream.indirect_vreg.gather [hbm4b:s6+s3], $0x80, v3, vm0, $0xb8;
	[tilespmem:$0x1C800] =	vst v63  }
0x1c0: {  	s14 =	simm.s32 $0x3C00  }
0x1c1: {  	[tilespmem:s14], [sflag:$0x1] =	stream.indirect_vreg.gather [hbm4b:s7+s3], $0x80, v3, vm1, $0xb8;
	[tilespmem:$0x1C800] =	vst v63  }
0x1c2: {  	v3 =	vld [tilespmem:$0x410];
	_ =	sdelay $0x4  }
0x1c3: {  	v49 =	vshrl.u32 v3, $0x3  }
0x1c4: {  	v4 =	vmul.u32 $0x38, v49  }
0x1c5: {  	v3 =	vand.u32 $0x7, v3  }
0x1c6: {  	v3 =	vor.u32 v3, v4  }
0x1c7: {  	v4 =	vperm.xlane v3, v0;
	_ =	sdelay $0x1  }
0x1c8: {  	v4 =	vadd.s32 v1, v4;
	_ =	sdelay $0x3  }
0x1c9: {  	s14 =	simm.s32 $0x4000  }
0x1ca: {  	[tilespmem:s14], [sflag:$0x1] =	stream.indirect_vreg.gather [hbm4b:s2+s3], $0x80, v4, vm0, $0xb8;
	[tilespmem:$0x1C800] =	vst v63  }
0x1cb: {  	v3 =	vperm.xlane v3, v2;
	s14 =	simm.s32 $0x4800  }
0x1cc: {  	[tilespmem:s14], [sflag:$0x1] =	stream.indirect_vreg.gather [hbm4b:s5+s3], $0x80, v4, vm0, $0xb8;
	[tilespmem:$0x1C800] =	vst v63  }
0x1cd: {  	v3 =	vadd.s32 v1, v3;
	s14 =	simm.s32 $0x5000  }
0x1ce: {  	[tilespmem:s14], [sflag:$0x1] =	stream.indirect_vreg.gather [hbm4b:s6+s3], $0x80, v4, vm0, $0xb8;
	[tilespmem:$0x1C800] =	vst v63  }
0x1cf: {  	_ = 	snop  }
0x1d0: {  	[tilespmem:s18], [sflag:$0x1] =	stream.indirect_vreg.gather [hbm4b:s7+s3], $0x80, v4, vm1, $0xb8;
	[tilespmem:$0x1C800] =	vst v63  }
0x1d1: {  	_ = 	snop  }
0x1d2: {  	[tilespmem:s25], [sflag:$0x1] =	stream.indirect_vreg.gather [hbm4b:s2+s3], $0x80, v3, vm0, $0xb8;
	[tilespmem:$0x1C800] =	vst v63  }
0x1d3: {  	s14 =	simm.s32 $0x6400  }
0x1d4: {  	[tilespmem:s14], [sflag:$0x1] =	stream.indirect_vreg.gather [hbm4b:s5+s3], $0x80, v3, vm0, $0xb8;
	[tilespmem:$0x1C800] =	vst v63  }
0x1d5: {  	_ = 	snop  }
0x1d6: {  	[tilespmem:s17], [sflag:$0x1] =	stream.indirect_vreg.gather [hbm4b:s6+s3], $0x80, v3, vm0, $0xb8;
	[tilespmem:$0x1C800] =	vst v63  }
0x1d7: {  	s17 =	simm.s32 $0x7400  }
0x1d8: {  	[tilespmem:s17], [sflag:$0x1] =	stream.indirect_vreg.gather [hbm4b:s7+s3], $0x80, v3, vm1, $0xb8;
	[tilespmem:$0x1C800] =	vst v63  }
0x1d9: {  	_ =	swait.ge [sflag:s1], $0x7000  }
0x1da: {  	[sflag:s1] =	ssyncset.done $0x0  }
0x1db: {  	s16 =	simm.s32 $0x7800;
	s11 =	rddreg [dreg:$0x9];
	[sflag:s1] =	ssyncadd.s32 $0xFFFF9000  }
0x1dc: {  	[hbm4b:s11+s3] =	stream.linear.scatter [tilespmem:s16], [sflag:$0x6], $0x7000, $0x38;
	[tilespmem:$0x1C800] =	vst v63  }
0x1dd: {  	_ =	swait.ge [sflag:s0], $0x7000  }
0x1de: {  	[sflag:s0] =	ssyncset.done $0x0  }
0x1df: {  	[sflag:s0] =	ssyncadd.s32 $0xFFFF9000  }
0x1e0: {  	v3 =	vld [tilespmem:$0x480];
	_ =	sdelay $0x4  }
0x1e1: {  	v50 =	vshrl.u32 v3, $0x3  }
0x1e2: {  	v4 =	vmul.u32 $0x38, v50  }
0x1e3: {  	v3 =	vand.u32 $0x7, v3  }
0x1e4: {  	v3 =	vor.u32 v3, v4  }
0x1e5: {  	v4 =	vperm.xlane v3, v0;
	_ =	sdelay $0x1  }
0x1e6: {  	v4 =	vadd.s32 v1, v4;
	_ =	sdelay $0x4  }
0x1e7: {  	[tilespmem:s16], [sflag:$0x2] =	stream.indirect_vreg.gather [hbm4b:s2+s3], $0x80, v4, vm0, $0xb8;
	[tilespmem:$0x1C800] =	vst v63  }
0x1e8: {  	s11 =	simm.s32 $0x8000;
	v3 =	vperm.xlane v3, v2  }
0x1e9: {  	[tilespmem:s11], [sflag:$0x2] =	stream.indirect_vreg.gather [hbm4b:s5+s3], $0x80, v4, vm0, $0xb8;
	[tilespmem:$0x1C800] =	vst v63  }
0x1ea: {  	s17 =	simm.s32 $0x8800;
	v3 =	vadd.s32 v1, v3  }
0x1eb: {  	[tilespmem:s17], [sflag:$0x2] =	stream.indirect_vreg.gather [hbm4b:s6+s3], $0x80, v4, vm0, $0xb8;
	[tilespmem:$0x1C800] =	vst v63  }
0x1ec: {  	_ = 	snop  }
0x1ed: {  	[tilespmem:s19], [sflag:$0x2] =	stream.indirect_vreg.gather [hbm4b:s7+s3], $0x80, v4, vm1, $0xb8;
	[tilespmem:$0x1C800] =	vst v63  }
0x1ee: {  	_ = 	snop  }
0x1ef: {  	[tilespmem:s20], [sflag:$0x2] =	stream.indirect_vreg.gather [hbm4b:s2+s3], $0x80, v3, vm0, $0xb8;
	[tilespmem:$0x1C800] =	vst v63  }
0x1f0: {  	_ = 	snop  }
0x1f1: {  	[tilespmem:s21], [sflag:$0x2] =	stream.indirect_vreg.gather [hbm4b:s5+s3], $0x80, v3, vm0, $0xb8;
	[tilespmem:$0x1C800] =	vst v63  }
0x1f2: {  	_ = 	snop  }
0x1f3: {  	[tilespmem:s22], [sflag:$0x2] =	stream.indirect_vreg.gather [hbm4b:s6+s3], $0x80, v3, vm0, $0xb8;
	[tilespmem:$0x1C800] =	vst v63  }
0x1f4: {  	s16 =	simm.s32 $0xAC00  }
0x1f5: {  	[tilespmem:s16], [sflag:$0x2] =	stream.indirect_vreg.gather [hbm4b:s7+s3], $0x80, v3, vm1, $0xb8;
	[tilespmem:$0x1C800] =	vst v63  }
0x1f6: {  	v3 =	vld [tilespmem:$0x490];
	_ =	sdelay $0x4  }
0x1f7: {  	v51 =	vshrl.u32 v3, $0x3  }
0x1f8: {  	v4 =	vmul.u32 $0x38, v51  }
0x1f9: {  	v3 =	vand.u32 $0x7, v3  }
0x1fa: {  	v3 =	vor.u32 v3, v4  }
0x1fb: {  	v4 =	vperm.xlane v3, v0;
	_ =	sdelay $0x1  }
0x1fc: {  	v4 =	vadd.s32 v1, v4;
	_ =	sdelay $0x3  }
0x1fd: {  	s16 =	simm.s32 $0xB000  }
0x1fe: {  	[tilespmem:s16], [sflag:$0x2] =	stream.indirect_vreg.gather [hbm4b:s2+s3], $0x80, v4, vm0, $0xb8;
	[tilespmem:$0x1C800] =	vst v63  }
0x1ff: {  	v3 =	vperm.xlane v3, v2;
	s16 =	simm.s32 $0xB800  }
0x200: {  	[tilespmem:s16], [sflag:$0x2] =	stream.indirect_vreg.gather [hbm4b:s5+s3], $0x80, v4, vm0, $0xb8;
	[tilespmem:$0x1C800] =	vst v63  }
0x201: {  	v3 =	vadd.s32 v1, v3  }
0x202: {  	[tilespmem:s23], [sflag:$0x2] =	stream.indirect_vreg.gather [hbm4b:s6+s3], $0x80, v4, vm0, $0xb8;
	[tilespmem:$0x1C800] =	vst v63  }
0x203: {  	_ = 	snop  }
0x204: {  	[tilespmem:s24], [sflag:$0x2] =	stream.indirect_vreg.gather [hbm4b:s7+s3], $0x80, v4, vm1, $0xb8;
	[tilespmem:$0x1C800] =	vst v63  }
0x205: {  	_ = 	snop  }
0x206: {  	[tilespmem:s26], [sflag:$0x2] =	stream.indirect_vreg.gather [hbm4b:s2+s3], $0x80, v3, vm0, $0xb8;
	[tilespmem:$0x1C800] =	vst v63  }
0x207: {  	_ = 	snop  }
0x208: {  	[tilespmem:s28], [sflag:$0x2] =	stream.indirect_vreg.gather [hbm4b:s5+s3], $0x80, v3, vm0, $0xb8;
	[tilespmem:$0x1C800] =	vst v63  }
0x209: {  	_ = 	snop  }
0x20a: {  	[tilespmem:s29], [sflag:$0x2] =	stream.indirect_vreg.gather [hbm4b:s6+s3], $0x80, v3, vm0, $0xb8;
	[tilespmem:$0x1C800] =	vst v63  }
0x20b: {  	s29 =	simm.s32 $0xE400  }
0x20c: {  	[tilespmem:s29], [sflag:$0x2] =	stream.indirect_vreg.gather [hbm4b:s7+s3], $0x80, v3, vm1, $0xb8;
	[tilespmem:$0x1C800] =	vst v63  }
0x20d: {  	_ =	swait.ge [sflag:s4], $0x7000  }
0x20e: {  	[sflag:s4] =	ssyncset.done $0x0  }
0x20f: {  	s15 =	simm.s32 $0xE800;
	s16 =	rddreg [dreg:$0xa];
	[sflag:s4] =	ssyncadd.s32 $0xFFFF9000  }
0x210: {  	[hbm4b:s16+s3] =	stream.linear.scatter [tilespmem:s15], [sflag:$0x7], $0x7000, $0x38;
	[tilespmem:$0x1C800] =	vst v63  }
0x211: {  	_ =	swait.ge [sflag:s9], $0x7000  }
0x212: {  	[sflag:s9] =	ssyncset.done $0x0  }
0x213: {  	[sflag:s9] =	ssyncadd.s32 $0xFFFF9000  }
0x214: {  	v3 =	vld [tilespmem:$0x500];
	_ =	sdelay $0x4  }
0x215: {  	v52 =	vshrl.u32 v3, $0x3  }
0x216: {  	v4 =	vmul.u32 $0x38, v52  }
0x217: {  	v3 =	vand.u32 $0x7, v3  }
0x218: {  	v3 =	vor.u32 v3, v4  }
0x219: {  	v4 =	vperm.xlane v3, v0;
	_ =	sdelay $0x1  }
0x21a: {  	v4 =	vadd.s32 v1, v4;
	_ =	sdelay $0x4  }
0x21b: {  	[tilespmem:s15], [sflag:$0x3] =	stream.indirect_vreg.gather [hbm4b:s2+s3], $0x80, v4, vm0, $0xb8;
	[tilespmem:$0x1C800] =	vst v63  }
0x21c: {  	s28 =	simm.s32 $0xF000;
	v3 =	vperm.xlane v3, v2  }
0x21d: {  	[tilespmem:s28], [sflag:$0x3] =	stream.indirect_vreg.gather [hbm4b:s5+s3], $0x80, v4, vm0, $0xb8;
	[tilespmem:$0x1C800] =	vst v63  }
0x21e: {  	s29 =	simm.s32 $0xF800;
	v3 =	vadd.s32 v1, v3  }
0x21f: {  	[tilespmem:s29], [sflag:$0x3] =	stream.indirect_vreg.gather [hbm4b:s6+s3], $0x80, v4, vm0, $0xb8;
	[tilespmem:$0x1C800] =	vst v63  }
0x220: {  	s15 =	simm.s32 $0x10000  }
0x221: {  	[tilespmem:s15], [sflag:$0x3] =	stream.indirect_vreg.gather [hbm4b:s7+s3], $0x80, v4, vm1, $0xb8;
	[tilespmem:$0x1C800] =	vst v63  }
0x222: {  	s16 =	simm.s32 $0x10400  }
0x223: {  	[tilespmem:s16], [sflag:$0x3] =	stream.indirect_vreg.gather [hbm4b:s2+s3], $0x80, v3, vm0, $0xb8;
	[tilespmem:$0x1C800] =	vst v63  }
0x224: {  	s28 =	simm.s32 $0x10C00  }
0x225: {  	[tilespmem:s28], [sflag:$0x3] =	stream.indirect_vreg.gather [hbm4b:s5+s3], $0x80, v3, vm0, $0xb8;
	[tilespmem:$0x1C800] =	vst v63  }
0x226: {  	s29 =	simm.s32 $0x11400  }
0x227: {  	[tilespmem:s29], [sflag:$0x3] =	stream.indirect_vreg.gather [hbm4b:s6+s3], $0x80, v3, vm0, $0xb8;
	[tilespmem:$0x1C800] =	vst v63  }
0x228: {  	s15 =	simm.s32 $0x11C00  }
0x229: {  	[tilespmem:s15], [sflag:$0x3] =	stream.indirect_vreg.gather [hbm4b:s7+s3], $0x80, v3, vm1, $0xb8;
	[tilespmem:$0x1C800] =	vst v63  }
0x22a: {  	v3 =	vld [tilespmem:$0x510];
	_ =	sdelay $0x4  }
0x22b: {  	v53 =	vshrl.u32 v3, $0x3  }
0x22c: {  	v4 =	vmul.u32 $0x38, v53  }
0x22d: {  	v3 =	vand.u32 $0x7, v3  }
0x22e: {  	v3 =	vor.u32 v3, v4  }
0x22f: {  	v4 =	vperm.xlane v3, v0;
	_ =	sdelay $0x1  }
0x230: {  	v4 =	vadd.s32 v1, v4;
	_ =	sdelay $0x3  }
0x231: {  	s16 =	simm.s32 $0x12000  }
0x232: {  	[tilespmem:s16], [sflag:$0x3] =	stream.indirect_vreg.gather [hbm4b:s2+s3], $0x80, v4, vm0, $0xb8;
	[tilespmem:$0x1C800] =	vst v63  }
0x233: {  	s28 =	simm.s32 $0x12800;
	v3 =	vperm.xlane v3, v2  }
0x234: {  	[tilespmem:s28], [sflag:$0x3] =	stream.indirect_vreg.gather [hbm4b:s5+s3], $0x80, v4, vm0, $0xb8;
	[tilespmem:$0x1C800] =	vst v63  }
0x235: {  	s29 =	simm.s32 $0x13000;
	v3 =	vadd.s32 v1, v3  }
0x236: {  	[tilespmem:s29], [sflag:$0x3] =	stream.indirect_vreg.gather [hbm4b:s6+s3], $0x80, v4, vm0, $0xb8;
	[tilespmem:$0x1C800] =	vst v63  }
0x237: {  	s15 =	simm.s32 $0x13800  }
0x238: {  	[tilespmem:s15], [sflag:$0x3] =	stream.indirect_vreg.gather [hbm4b:s7+s3], $0x80, v4, vm1, $0xb8;
	[tilespmem:$0x1C800] =	vst v63  }
0x239: {  	s16 =	simm.s32 $0x13C00  }
0x23a: {  	[tilespmem:s16], [sflag:$0x3] =	stream.indirect_vreg.gather [hbm4b:s2+s3], $0x80, v3, vm0, $0xb8;
	[tilespmem:$0x1C800] =	vst v63  }
0x23b: {  	s28 =	simm.s32 $0x14400  }
0x23c: {  	[tilespmem:s28], [sflag:$0x3] =	stream.indirect_vreg.gather [hbm4b:s5+s3], $0x80, v3, vm0, $0xb8;
	[tilespmem:$0x1C800] =	vst v63  }
0x23d: {  	s29 =	simm.s32 $0x14C00  }
0x23e: {  	[tilespmem:s29], [sflag:$0x3] =	stream.indirect_vreg.gather [hbm4b:s6+s3], $0x80, v3, vm0, $0xb8;
	[tilespmem:$0x1C800] =	vst v63  }
0x23f: {  	s15 =	simm.s32 $0x15400  }
0x240: {  	[tilespmem:s15], [sflag:$0x3] =	stream.indirect_vreg.gather [hbm4b:s7+s3], $0x80, v3, vm1, $0xb8;
	[tilespmem:$0x1C800] =	vst v63  }
0x241: {  	_ =	swait.ge [sflag:s12], $0x7000  }
0x242: {  	[sflag:s12] =	ssyncset.done $0x0  }
0x243: {  	s16 =	rddreg [dreg:$0xb];
	[sflag:s12] =	ssyncadd.s32 $0xFFFF9000  }
0x244: {  	[hbm4b:s16+s3] =	stream.linear.scatter [tilespmem:s10], [sflag:$0x8], $0x7000, $0x38;
	[tilespmem:$0x1C800] =	vst v63  }
0x245: {  	_ =	swait.ge [sflag:s13], $0x7000  }
0x246: {  	[sflag:s13] =	ssyncset.done $0x0  }
0x247: {  	[sflag:s13] =	ssyncadd.s32 $0xFFFF9000  }
0x248: {  	v3 =	vld [tilespmem:$0x580];
	_ =	sdelay $0x4  }
0x249: {  	v54 =	vshrl.u32 v3, $0x3  }
0x24a: {  	v4 =	vmul.u32 $0x38, v54  }
0x24b: {  	v3 =	vand.u32 $0x7, v3  }
0x24c: {  	v3 =	vor.u32 v3, v4  }
0x24d: {  	v4 =	vperm.xlane v3, v0;
	_ =	sdelay $0x1  }
0x24e: {  	v4 =	vadd.s32 v1, v4;
	_ =	sdelay $0x4  }
0x24f: {  	[tilespmem:s10], [sflag:$0x4] =	stream.indirect_vreg.gather [hbm4b:s2+s3], $0x80, v4, vm0, $0xb8;
	[tilespmem:$0x1C800] =	vst v63  }
0x250: {  	s28 =	simm.s32 $0x16000;
	v3 =	vperm.xlane v3, v2  }
0x251: {  	[tilespmem:s28], [sflag:$0x4] =	stream.indirect_vreg.gather [hbm4b:s5+s3], $0x80, v4, vm0, $0xb8;
	[tilespmem:$0x1C800] =	vst v63  }
0x252: {  	s29 =	simm.s32 $0x16800;
	v3 =	vadd.s32 v1, v3  }
0x253: {  	[tilespmem:s29], [sflag:$0x4] =	stream.indirect_vreg.gather [hbm4b:s6+s3], $0x80, v4, vm0, $0xb8;
	[tilespmem:$0x1C800] =	vst v63  }
0x254: {  	s15 =	simm.s32 $0x17000  }
0x255: {  	[tilespmem:s15], [sflag:$0x4] =	stream.indirect_vreg.gather [hbm4b:s7+s3], $0x80, v4, vm1, $0xb8;
	[tilespmem:$0x1C800] =	vst v63  }
0x256: {  	s16 =	simm.s32 $0x17400  }
0x257: {  	[tilespmem:s16], [sflag:$0x4] =	stream.indirect_vreg.gather [hbm4b:s2+s3], $0x80, v3, vm0, $0xb8;
	[tilespmem:$0x1C800] =	vst v63  }
0x258: {  	s28 =	simm.s32 $0x17C00  }
0x259: {  	[tilespmem:s28], [sflag:$0x4] =	stream.indirect_vreg.gather [hbm4b:s5+s3], $0x80, v3, vm0, $0xb8;
	[tilespmem:$0x1C800] =	vst v63  }
0x25a: {  	s16 =	simm.s32 $0x18400  }
0x25b: {  	[tilespmem:s16], [sflag:$0x4] =	stream.indirect_vreg.gather [hbm4b:s6+s3], $0x80, v3, vm0, $0xb8;
	[tilespmem:$0x1C800] =	vst v63  }
0x25c: {  	s28 =	simm.s32 $0x18C00  }
0x25d: {  	[tilespmem:s28], [sflag:$0x4] =	stream.indirect_vreg.gather [hbm4b:s7+s3], $0x80, v3, vm1, $0xb8;
	[tilespmem:$0x1C800] =	vst v63  }
0x25e: {  	v3 =	vld [tilespmem:$0x590];
	_ =	sdelay $0x4  }
0x25f: {  	v55 =	vshrl.u32 v3, $0x3  }
0x260: {  	v4 =	vmul.u32 $0x38, v55  }
0x261: {  	v3 =	vand.u32 $0x7, v3  }
0x262: {  	v3 =	vor.u32 v3, v4  }
0x263: {  	v4 =	vperm.xlane v3, v0;
	_ =	sdelay $0x1  }
0x264: {  	v4 =	vadd.s32 v1, v4;
	_ =	sdelay $0x3  }
0x265: {  	s16 =	simm.s32 $0x19000  }
0x266: {  	[tilespmem:s16], [sflag:$0x4] =	stream.indirect_vreg.gather [hbm4b:s2+s3], $0x80, v4, vm0, $0xb8;
	[tilespmem:$0x1C800] =	vst v63  }
0x267: {  	s28 =	simm.s32 $0x19800;
	v3 =	vperm.xlane v3, v2  }
0x268: {  	[tilespmem:s28], [sflag:$0x4] =	stream.indirect_vreg.gather [hbm4b:s5+s3], $0x80, v4, vm0, $0xb8;
	[tilespmem:$0x1C800] =	vst v63  }
0x269: {  	v3 =	vadd.s32 v1, v3;
	s16 =	simm.s32 $0x1A000  }
0x26a: {  	[tilespmem:s16], [sflag:$0x4] =	stream.indirect_vreg.gather [hbm4b:s6+s3], $0x80, v4, vm0, $0xb8;
	[tilespmem:$0x1C800] =	vst v63  }
0x26b: {  	s28 =	simm.s32 $0x1A800  }
0x26c: {  	[tilespmem:s28], [sflag:$0x4] =	stream.indirect_vreg.gather [hbm4b:s7+s3], $0x80, v4, vm1, $0xb8;
	[tilespmem:$0x1C800] =	vst v63  }
0x26d: {  	s16 =	simm.s32 $0x1AC00  }
0x26e: {  	[tilespmem:s16], [sflag:$0x4] =	stream.indirect_vreg.gather [hbm4b:s2+s3], $0x80, v3, vm0, $0xb8;
	[tilespmem:$0x1C800] =	vst v63  }
0x26f: {  	s28 =	simm.s32 $0x1B400  }
0x270: {  	[tilespmem:s28], [sflag:$0x4] =	stream.indirect_vreg.gather [hbm4b:s5+s3], $0x80, v3, vm0, $0xb8;
	[tilespmem:$0x1C800] =	vst v63  }
0x271: {  	s16 =	simm.s32 $0x1BC00  }
0x272: {  	[tilespmem:s16], [sflag:$0x4] =	stream.indirect_vreg.gather [hbm4b:s6+s3], $0x80, v3, vm0, $0xb8;
	[tilespmem:$0x1C800] =	vst v63  }
0x273: {  	s28 =	simm.s32 $0x1C400  }
0x274: {  	[tilespmem:s28], [sflag:$0x4] =	stream.indirect_vreg.gather [hbm4b:s7+s3], $0x80, v3, vm1, $0xb8;
	[tilespmem:$0x1C800] =	vst v63  }
0x275: {  	_ =	swait.ge [sflag:s30], $0x7000  }
0x276: {  	[sflag:s30] =	ssyncset.done $0x0  }
0x277: {  	s16 =	simm.s32 $0x800;
	s14 =	rddreg [dreg:$0xc];
	[sflag:s30] =	ssyncadd.s32 $0xFFFF9000  }
0x278: {  	[hbm4b:s14+s3] =	stream.linear.scatter [tilespmem:s16], [sflag:$0x5], $0x7000, $0x38;
	[tilespmem:$0x1C800] =	vst v63  }
0x279: {  	_ =	swait.ge [sflag:s31], $0x7000  }
0x27a: {  	[sflag:s31] =	ssyncset.done $0x0  }
0x27b: {  	[sflag:s31] =	ssyncadd.s32 $0xFFFF9000  }
0x27c: {  	v3 =	vld [tilespmem:$0x600];
	_ =	sdelay $0x4  }
0x27d: {  	v56 =	vshrl.u32 v3, $0x3  }
0x27e: {  	v4 =	vmul.u32 $0x38, v56  }
0x27f: {  	v3 =	vand.u32 $0x7, v3  }
0x280: {  	v3 =	vor.u32 v3, v4  }
0x281: {  	v4 =	vperm.xlane v3, v0;
	_ =	sdelay $0x1  }
0x282: {  	v4 =	vadd.s32 v1, v4;
	_ =	sdelay $0x4  }
0x283: {  	[tilespmem:s16], [sflag:$0x1] =	stream.indirect_vreg.gather [hbm4b:s2+s3], $0x80, v4, vm0, $0xb8;
	[tilespmem:$0x1C800] =	vst v63  }
0x284: {  	v3 =	vperm.xlane v3, v2;
	s16 =	simm.s32 $0x1000  }
0x285: {  	[tilespmem:s16], [sflag:$0x1] =	stream.indirect_vreg.gather [hbm4b:s5+s3], $0x80, v4, vm0, $0xb8;
	[tilespmem:$0x1C800] =	vst v63  }
0x286: {  	v3 =	vadd.s32 v1, v3;
	s16 =	simm.s32 $0x1800  }
0x287: {  	[tilespmem:s16], [sflag:$0x1] =	stream.indirect_vreg.gather [hbm4b:s6+s3], $0x80, v4, vm0, $0xb8;
	[tilespmem:$0x1C800] =	vst v63  }
0x288: {  	s16 =	simm.s32 $0x2000  }
0x289: {  	[tilespmem:s16], [sflag:$0x1] =	stream.indirect_vreg.gather [hbm4b:s7+s3], $0x80, v4, vm1, $0xb8;
	[tilespmem:$0x1C800] =	vst v63  }
0x28a: {  	s16 =	simm.s32 $0x2400  }
0x28b: {  	[tilespmem:s16], [sflag:$0x1] =	stream.indirect_vreg.gather [hbm4b:s2+s3], $0x80, v3, vm0, $0xb8;
	[tilespmem:$0x1C800] =	vst v63  }
0x28c: {  	s16 =	simm.s32 $0x2C00  }
0x28d: {  	[tilespmem:s16], [sflag:$0x1] =	stream.indirect_vreg.gather [hbm4b:s5+s3], $0x80, v3, vm0, $0xb8;
	[tilespmem:$0x1C800] =	vst v63  }
0x28e: {  	s16 =	simm.s32 $0x3400  }
0x28f: {  	[tilespmem:s16], [sflag:$0x1] =	stream.indirect_vreg.gather [hbm4b:s6+s3], $0x80, v3, vm0, $0xb8;
	[tilespmem:$0x1C800] =	vst v63  }
0x290: {  	s16 =	simm.s32 $0x3C00  }
0x291: {  	[tilespmem:s16], [sflag:$0x1] =	stream.indirect_vreg.gather [hbm4b:s7+s3], $0x80, v3, vm1, $0xb8;
	[tilespmem:$0x1C800] =	vst v63  }
0x292: {  	v3 =	vld [tilespmem:$0x610];
	_ =	sdelay $0x4  }
0x293: {  	v57 =	vshrl.u32 v3, $0x3  }
0x294: {  	v4 =	vmul.u32 $0x38, v57  }
0x295: {  	v3 =	vand.u32 $0x7, v3  }
0x296: {  	v3 =	vor.u32 v3, v4  }
0x297: {  	v4 =	vperm.xlane v3, v0;
	_ =	sdelay $0x1  }
0x298: {  	v4 =	vadd.s32 v1, v4;
	_ =	sdelay $0x3  }
0x299: {  	s16 =	simm.s32 $0x4000  }
0x29a: {  	[tilespmem:s16], [sflag:$0x1] =	stream.indirect_vreg.gather [hbm4b:s2+s3], $0x80, v4, vm0, $0xb8;
	[tilespmem:$0x1C800] =	vst v63  }
0x29b: {  	v3 =	vperm.xlane v3, v2;
	s16 =	simm.s32 $0x4800  }
0x29c: {  	[tilespmem:s16], [sflag:$0x1] =	stream.indirect_vreg.gather [hbm4b:s5+s3], $0x80, v4, vm0, $0xb8;
	[tilespmem:$0x1C800] =	vst v63  }
0x29d: {  	v3 =	vadd.s32 v1, v3;
	s16 =	simm.s32 $0x5000  }
0x29e: {  	[tilespmem:s16], [sflag:$0x1] =	stream.indirect_vreg.gather [hbm4b:s6+s3], $0x80, v4, vm0, $0xb8;
	[tilespmem:$0x1C800] =	vst v63  }
0x29f: {  	s18 =	simm.s32 $0x5800  }
0x2a0: {  	[tilespmem:s18], [sflag:$0x1] =	stream.indirect_vreg.gather [hbm4b:s7+s3], $0x80, v4, vm1, $0xb8;
	[tilespmem:$0x1C800] =	vst v63  }
0x2a1: {  	s25 =	simm.s32 $0x5C00  }
0x2a2: {  	[tilespmem:s25], [sflag:$0x1] =	stream.indirect_vreg.gather [hbm4b:s2+s3], $0x80, v3, vm0, $0xb8;
	[tilespmem:$0x1C800] =	vst v63  }
0x2a3: {  	s16 =	simm.s32 $0x6400  }
0x2a4: {  	[tilespmem:s16], [sflag:$0x1] =	stream.indirect_vreg.gather [hbm4b:s5+s3], $0x80, v3, vm0, $0xb8;
	[tilespmem:$0x1C800] =	vst v63  }
0x2a5: {  	s18 =	simm.s32 $0x6C00  }
0x2a6: {  	[tilespmem:s18], [sflag:$0x1] =	stream.indirect_vreg.gather [hbm4b:s6+s3], $0x80, v3, vm0, $0xb8;
	[tilespmem:$0x1C800] =	vst v63  }
0x2a7: {  	s25 =	simm.s32 $0x7400  }
0x2a8: {  	[tilespmem:s25], [sflag:$0x1] =	stream.indirect_vreg.gather [hbm4b:s7+s3], $0x80, v3, vm1, $0xb8;
	[tilespmem:$0x1C800] =	vst v63  }
0x2a9: {  	_ =	swait.ge [sflag:s1], $0x7000  }
0x2aa: {  	[sflag:s1] =	ssyncset.done $0x0  }
0x2ab: {  	s18 =	simm.s32 $0x7800;
	s16 =	rddreg [dreg:$0xd];
	[sflag:s1] =	ssyncadd.s32 $0xFFFF9000  }
0x2ac: {  	[hbm4b:s16+s3] =	stream.linear.scatter [tilespmem:s18], [sflag:$0x6], $0x7000, $0x38;
	[tilespmem:$0x1C800] =	vst v63  }
0x2ad: {  	_ =	swait.ge [sflag:s0], $0x7000  }
0x2ae: {  	[sflag:s0] =	ssyncset.done $0x0  }
0x2af: {  	[sflag:s0] =	ssyncadd.s32 $0xFFFF9000  }
0x2b0: {  	v3 =	vld [tilespmem:$0x680];
	_ =	sdelay $0x4  }
0x2b1: {  	v58 =	vshrl.u32 v3, $0x3  }
0x2b2: {  	v4 =	vmul.u32 $0x38, v58  }
0x2b3: {  	v3 =	vand.u32 $0x7, v3  }
0x2b4: {  	v3 =	vor.u32 v3, v4  }
0x2b5: {  	v4 =	vperm.xlane v3, v0;
	_ =	sdelay $0x1  }
0x2b6: {  	v4 =	vadd.s32 v1, v4;
	_ =	sdelay $0x4  }
0x2b7: {  	[tilespmem:s18], [sflag:$0x2] =	stream.indirect_vreg.gather [hbm4b:s2+s3], $0x80, v4, vm0, $0xb8;
	[tilespmem:$0x1C800] =	vst v63  }
0x2b8: {  	v3 =	vperm.xlane v3, v2  }
0x2b9: {  	[tilespmem:s11], [sflag:$0x2] =	stream.indirect_vreg.gather [hbm4b:s5+s3], $0x80, v4, vm0, $0xb8;
	[tilespmem:$0x1C800] =	vst v63  }
0x2ba: {  	s17 =	simm.s32 $0x8800;
	v3 =	vadd.s32 v1, v3  }
0x2bb: {  	[tilespmem:s17], [sflag:$0x2] =	stream.indirect_vreg.gather [hbm4b:s6+s3], $0x80, v4, vm0, $0xb8;
	[tilespmem:$0x1C800] =	vst v63  }
0x2bc: {  	s19 =	simm.s32 $0x9000  }
0x2bd: {  	[tilespmem:s19], [sflag:$0x2] =	stream.indirect_vreg.gather [hbm4b:s7+s3], $0x80, v4, vm1, $0xb8;
	[tilespmem:$0x1C800] =	vst v63  }
0x2be: {  	s20 =	simm.s32 $0x9400  }
0x2bf: {  	[tilespmem:s20], [sflag:$0x2] =	stream.indirect_vreg.gather [hbm4b:s2+s3], $0x80, v3, vm0, $0xb8;
	[tilespmem:$0x1C800] =	vst v63  }
0x2c0: {  	s21 =	simm.s32 $0x9C00  }
0x2c1: {  	[tilespmem:s21], [sflag:$0x2] =	stream.indirect_vreg.gather [hbm4b:s5+s3], $0x80, v3, vm0, $0xb8;
	[tilespmem:$0x1C800] =	vst v63  }
0x2c2: {  	s22 =	simm.s32 $0xA400  }
0x2c3: {  	[tilespmem:s22], [sflag:$0x2] =	stream.indirect_vreg.gather [hbm4b:s6+s3], $0x80, v3, vm0, $0xb8;
	[tilespmem:$0x1C800] =	vst v63  }
0x2c4: {  	s20 =	simm.s32 $0xAC00  }
0x2c5: {  	[tilespmem:s20], [sflag:$0x2] =	stream.indirect_vreg.gather [hbm4b:s7+s3], $0x80, v3, vm1, $0xb8;
	[tilespmem:$0x1C800] =	vst v63  }
0x2c6: {  	v3 =	vld [tilespmem:$0x690];
	_ =	sdelay $0x4  }
0x2c7: {  	v59 =	vshrl.u32 v3, $0x3  }
0x2c8: {  	v4 =	vmul.u32 $0x38, v59  }
0x2c9: {  	v3 =	vand.u32 $0x7, v3  }
0x2ca: {  	v3 =	vor.u32 v3, v4  }
0x2cb: {  	v4 =	vperm.xlane v3, v0;
	_ =	sdelay $0x1  }
0x2cc: {  	v4 =	vadd.s32 v1, v4;
	_ =	sdelay $0x3  }
0x2cd: {  	s21 =	simm.s32 $0xB000  }
0x2ce: {  	[tilespmem:s21], [sflag:$0x2] =	stream.indirect_vreg.gather [hbm4b:s2+s3], $0x80, v4, vm0, $0xb8;
	[tilespmem:$0x1C800] =	vst v63  }
0x2cf: {  	s22 =	simm.s32 $0xB800;
	v3 =	vperm.xlane v3, v2  }
0x2d0: {  	[tilespmem:s22], [sflag:$0x2] =	stream.indirect_vreg.gather [hbm4b:s5+s3], $0x80, v4, vm0, $0xb8;
	[tilespmem:$0x1C800] =	vst v63  }
0x2d1: {  	s23 =	simm.s32 $0xC000;
	v3 =	vadd.s32 v1, v3  }
0x2d2: {  	[tilespmem:s23], [sflag:$0x2] =	stream.indirect_vreg.gather [hbm4b:s6+s3], $0x80, v4, vm0, $0xb8;
	[tilespmem:$0x1C800] =	vst v63  }
0x2d3: {  	s24 =	simm.s32 $0xC800  }
0x2d4: {  	[tilespmem:s24], [sflag:$0x2] =	stream.indirect_vreg.gather [hbm4b:s7+s3], $0x80, v4, vm1, $0xb8;
	[tilespmem:$0x1C800] =	vst v63  }
0x2d5: {  	s26 =	simm.s32 $0xCC00  }
0x2d6: {  	[tilespmem:s26], [sflag:$0x2] =	stream.indirect_vreg.gather [hbm4b:s2+s3], $0x80, v3, vm0, $0xb8;
	[tilespmem:$0x1C800] =	vst v63  }
0x2d7: {  	s24 =	simm.s32 $0xD400  }
0x2d8: {  	[tilespmem:s24], [sflag:$0x2] =	stream.indirect_vreg.gather [hbm4b:s5+s3], $0x80, v3, vm0, $0xb8;
	[tilespmem:$0x1C800] =	vst v63  }
0x2d9: {  	s25 =	simm.s32 $0xDC00  }
0x2da: {  	[tilespmem:s25], [sflag:$0x2] =	stream.indirect_vreg.gather [hbm4b:s6+s3], $0x80, v3, vm0, $0xb8;
	[tilespmem:$0x1C800] =	vst v63  }
0x2db: {  	s26 =	simm.s32 $0xE400  }
0x2dc: {  	[tilespmem:s26], [sflag:$0x2] =	stream.indirect_vreg.gather [hbm4b:s7+s3], $0x80, v3, vm1, $0xb8;
	[tilespmem:$0x1C800] =	vst v63  }
0x2dd: {  	_ =	swait.ge [sflag:s4], $0x7000  }
0x2de: {  	[sflag:s4] =	ssyncset.done $0x0  }
0x2df: {  	s17 =	simm.s32 $0xE800;
	s11 =	rddreg [dreg:$0xe];
	[sflag:s4] =	ssyncadd.s32 $0xFFFF9000  }
0x2e0: {  	[hbm4b:s11+s3] =	stream.linear.scatter [tilespmem:s17], [sflag:$0x7], $0x7000, $0x38;
	[tilespmem:$0x1C800] =	vst v63  }
0x2e1: {  	_ =	swait.ge [sflag:s9], $0x7000  }
0x2e2: {  	[sflag:s9] =	ssyncset.done $0x0  }
0x2e3: {  	[sflag:s9] =	ssyncadd.s32 $0xFFFF9000  }
0x2e4: {  	v3 =	vld [tilespmem:$0x700];
	_ =	sdelay $0x4  }
0x2e5: {  	v60 =	vshrl.u32 v3, $0x3  }
0x2e6: {  	v4 =	vmul.u32 $0x38, v60  }
0x2e7: {  	v3 =	vand.u32 $0x7, v3  }
0x2e8: {  	v3 =	vor.u32 v3, v4  }
0x2e9: {  	v4 =	vperm.xlane v3, v0;
	_ =	sdelay $0x1  }
0x2ea: {  	v4 =	vadd.s32 v1, v4;
	_ =	sdelay $0x4  }
0x2eb: {  	[tilespmem:s17], [sflag:$0x3] =	stream.indirect_vreg.gather [hbm4b:s2+s3], $0x80, v4, vm0, $0xb8;
	[tilespmem:$0x1C800] =	vst v63  }
0x2ec: {  	s18 =	simm.s32 $0xF000;
	v3 =	vperm.xlane v3, v2  }
0x2ed: {  	[tilespmem:s18], [sflag:$0x3] =	stream.indirect_vreg.gather [hbm4b:s5+s3], $0x80, v4, vm0, $0xb8;
	[tilespmem:$0x1C800] =	vst v63  }
0x2ee: {  	s19 =	simm.s32 $0xF800;
	v3 =	vadd.s32 v1, v3  }
0x2ef: {  	[tilespmem:s19], [sflag:$0x3] =	stream.indirect_vreg.gather [hbm4b:s6+s3], $0x80, v4, vm0, $0xb8;
	[tilespmem:$0x1C800] =	vst v63  }
0x2f0: {  	s20 =	simm.s32 $0x10000  }
0x2f1: {  	[tilespmem:s20], [sflag:$0x3] =	stream.indirect_vreg.gather [hbm4b:s7+s3], $0x80, v4, vm1, $0xb8;
	[tilespmem:$0x1C800] =	vst v63  }
0x2f2: {  	s21 =	simm.s32 $0x10400  }
0x2f3: {  	[tilespmem:s21], [sflag:$0x3] =	stream.indirect_vreg.gather [hbm4b:s2+s3], $0x80, v3, vm0, $0xb8;
	[tilespmem:$0x1C800] =	vst v63  }
0x2f4: {  	s22 =	simm.s32 $0x10C00  }
0x2f5: {  	[tilespmem:s22], [sflag:$0x3] =	stream.indirect_vreg.gather [hbm4b:s5+s3], $0x80, v3, vm0, $0xb8;
	[tilespmem:$0x1C800] =	vst v63  }
0x2f6: {  	s23 =	simm.s32 $0x11400  }
0x2f7: {  	[tilespmem:s23], [sflag:$0x3] =	stream.indirect_vreg.gather [hbm4b:s6+s3], $0x80, v3, vm0, $0xb8;
	[tilespmem:$0x1C800] =	vst v63  }
0x2f8: {  	s24 =	simm.s32 $0x11C00  }
0x2f9: {  	[tilespmem:s24], [sflag:$0x3] =	stream.indirect_vreg.gather [hbm4b:s7+s3], $0x80, v3, vm1, $0xb8;
	[tilespmem:$0x1C800] =	vst v63  }
0x2fa: {  	v3 =	vld [tilespmem:$0x710];
	_ =	sdelay $0x4  }
0x2fb: {  	v61 =	vshrl.u32 v3, $0x3  }
0x2fc: {  	v4 =	vmul.u32 $0x38, v61  }
0x2fd: {  	v3 =	vand.u32 $0x7, v3  }
0x2fe: {  	v3 =	vor.u32 v3, v4  }
0x2ff: {  	v4 =	vperm.xlane v3, v0;
	_ =	sdelay $0x1  }
0x300: {  	v4 =	vadd.s32 v1, v4;
	_ =	sdelay $0x3  }
0x301: {  	s25 =	simm.s32 $0x12000  }
0x302: {  	[tilespmem:s25], [sflag:$0x3] =	stream.indirect_vreg.gather [hbm4b:s2+s3], $0x80, v4, vm0, $0xb8;
	[tilespmem:$0x1C800] =	vst v63  }
0x303: {  	s26 =	simm.s32 $0x12800;
	v3 =	vperm.xlane v3, v2  }
0x304: {  	[tilespmem:s26], [sflag:$0x3] =	stream.indirect_vreg.gather [hbm4b:s5+s3], $0x80, v4, vm0, $0xb8;
	[tilespmem:$0x1C800] =	vst v63  }
0x305: {  	s17 =	simm.s32 $0x13000;
	v3 =	vadd.s32 v1, v3  }
0x306: {  	[tilespmem:s17], [sflag:$0x3] =	stream.indirect_vreg.gather [hbm4b:s6+s3], $0x80, v4, vm0, $0xb8;
	[tilespmem:$0x1C800] =	vst v63  }
0x307: {  	s18 =	simm.s32 $0x13800  }
0x308: {  	[tilespmem:s18], [sflag:$0x3] =	stream.indirect_vreg.gather [hbm4b:s7+s3], $0x80, v4, vm1, $0xb8;
	[tilespmem:$0x1C800] =	vst v63  }
0x309: {  	s19 =	simm.s32 $0x13C00  }
0x30a: {  	[tilespmem:s19], [sflag:$0x3] =	stream.indirect_vreg.gather [hbm4b:s2+s3], $0x80, v3, vm0, $0xb8;
	[tilespmem:$0x1C800] =	vst v63  }
0x30b: {  	s20 =	simm.s32 $0x14400  }
0x30c: {  	[tilespmem:s20], [sflag:$0x3] =	stream.indirect_vreg.gather [hbm4b:s5+s3], $0x80, v3, vm0, $0xb8;
	[tilespmem:$0x1C800] =	vst v63  }
0x30d: {  	s21 =	simm.s32 $0x14C00  }
0x30e: {  	[tilespmem:s21], [sflag:$0x3] =	stream.indirect_vreg.gather [hbm4b:s6+s3], $0x80, v3, vm0, $0xb8;
	[tilespmem:$0x1C800] =	vst v63  }
0x30f: {  	s22 =	simm.s32 $0x15400  }
0x310: {  	[tilespmem:s22], [sflag:$0x3] =	stream.indirect_vreg.gather [hbm4b:s7+s3], $0x80, v3, vm1, $0xb8;
	[tilespmem:$0x1C800] =	vst v63  }
0x311: {  	_ =	swait.ge [sflag:s12], $0x7000  }
0x312: {  	[sflag:s12] =	ssyncset.done $0x0  }
0x313: {  	s23 =	rddreg [dreg:$0xf];
	[sflag:s12] =	ssyncadd.s32 $0xFFFF9000  }
0x314: {  	[hbm4b:s23+s3] =	stream.linear.scatter [tilespmem:s10], [sflag:$0x8], $0x7000, $0x38;
	[tilespmem:$0x1C800] =	vst v63  }
0x315: {  	_ =	swait.ge [sflag:s13], $0x7000  }
0x316: {  	[sflag:s13] =	ssyncset.done $0x0  }
0x317: {  	[sflag:s13] =	ssyncadd.s32 $0xFFFF9000  }
0x318: {  	v3 =	vld [tilespmem:$0x780];
	_ =	sdelay $0x4  }
0x319: {  	v62 =	vshrl.u32 v3, $0x3  }
0x31a: {  	v4 =	vmul.u32 $0x38, v62  }
0x31b: {  	v3 =	vand.u32 $0x7, v3  }
0x31c: {  	v3 =	vor.u32 v3, v4  }
0x31d: {  	v4 =	vperm.xlane v3, v0;
	_ =	sdelay $0x1  }
0x31e: {  	v4 =	vadd.s32 v1, v4;
	_ =	sdelay $0x4  }
0x31f: {  	[tilespmem:s10], [sflag:$0x4] =	stream.indirect_vreg.gather [hbm4b:s2+s3], $0x80, v4, vm0, $0xb8;
	[tilespmem:$0x1C800] =	vst v63  }
0x320: {  	s24 =	simm.s32 $0x16000;
	v3 =	vperm.xlane v3, v2  }
0x321: {  	[tilespmem:s24], [sflag:$0x4] =	stream.indirect_vreg.gather [hbm4b:s5+s3], $0x80, v4, vm0, $0xb8;
	[tilespmem:$0x1C800] =	vst v63  }
0x322: {  	s29 =	simm.s32 $0x16800;
	v3 =	vadd.s32 v1, v3  }
0x323: {  	[tilespmem:s29], [sflag:$0x4] =	stream.indirect_vreg.gather [hbm4b:s6+s3], $0x80, v4, vm0, $0xb8;
	[tilespmem:$0x1C800] =	vst v63  }
0x324: {  	s15 =	simm.s32 $0x17000  }
0x325: {  	[tilespmem:s15], [sflag:$0x4] =	stream.indirect_vreg.gather [hbm4b:s7+s3], $0x80, v4, vm1, $0xb8;
	[tilespmem:$0x1C800] =	vst v63  }
0x326: {  	s25 =	simm.s32 $0x17400  }
0x327: {  	[tilespmem:s25], [sflag:$0x4] =	stream.indirect_vreg.gather [hbm4b:s2+s3], $0x80, v3, vm0, $0xb8;
	[tilespmem:$0x1C800] =	vst v63  }
0x328: {  	s26 =	simm.s32 $0x17C00  }
0x329: {  	[tilespmem:s26], [sflag:$0x4] =	stream.indirect_vreg.gather [hbm4b:s5+s3], $0x80, v3, vm0, $0xb8;
	[tilespmem:$0x1C800] =	vst v63  }
0x32a: {  	s29 =	simm.s32 $0x18400  }
0x32b: {  	[tilespmem:s29], [sflag:$0x4] =	stream.indirect_vreg.gather [hbm4b:s6+s3], $0x80, v3, vm0, $0xb8;
	[tilespmem:$0x1C800] =	vst v63  }
0x32c: {  	s15 =	simm.s32 $0x18C00  }
0x32d: {  	[tilespmem:s15], [sflag:$0x4] =	stream.indirect_vreg.gather [hbm4b:s7+s3], $0x80, v3, vm1, $0xb8;
	[tilespmem:$0x1C800] =	vst v63  }
0x32e: {  	v3 =	vld [tilespmem:$0x790];
	_ =	sdelay $0x4  }
0x32f: {  	v63 =	vshrl.u32 v3, $0x3  }
0x330: {  	v4 =	vmul.u32 $0x38, v63  }
0x331: {  	v3 =	vand.u32 $0x7, v3  }
0x332: {  	v3 =	vor.u32 v3, v4  }
0x333: {  	v4 =	vperm.xlane v3, v0;
	_ =	sdelay $0x1  }
0x334: {  	v4 =	vadd.s32 v1, v4;
	_ =	sdelay $0x3  }
0x335: {  	s17 =	simm.s32 $0x19000  }
0x336: {  	[tilespmem:s17], [sflag:$0x4] =	stream.indirect_vreg.gather [hbm4b:s2+s3], $0x80, v4, vm0, $0xb8;
	[tilespmem:$0x1C800] =	vst v63  }
0x337: {  	s18 =	simm.s32 $0x19800;
	v3 =	vperm.xlane v3, v2  }
0x338: {  	[tilespmem:s18], [sflag:$0x4] =	stream.indirect_vreg.gather [hbm4b:s5+s3], $0x80, v4, vm0, $0xb8;
	[tilespmem:$0x1C800] =	vst v63  }
0x339: {  	s19 =	simm.s32 $0x1A000;
	v3 =	vadd.s32 v1, v3  }
0x33a: {  	[tilespmem:s19], [sflag:$0x4] =	stream.indirect_vreg.gather [hbm4b:s6+s3], $0x80, v4, vm0, $0xb8;
	[tilespmem:$0x1C800] =	vst v63  }
0x33b: {  	s20 =	simm.s32 $0x1A800  }
0x33c: {  	[tilespmem:s20], [sflag:$0x4] =	stream.indirect_vreg.gather [hbm4b:s7+s3], $0x80, v4, vm1, $0xb8;
	[tilespmem:$0x1C800] =	vst v63  }
0x33d: {  	s21 =	simm.s32 $0x1AC00  }
0x33e: {  	[tilespmem:s21], [sflag:$0x4] =	stream.indirect_vreg.gather [hbm4b:s2+s3], $0x80, v3, vm0, $0xb8;
	[tilespmem:$0x1C800] =	vst v63  }
0x33f: {  	s22 =	simm.s32 $0x1B400  }
0x340: {  	[tilespmem:s22], [sflag:$0x4] =	stream.indirect_vreg.gather [hbm4b:s5+s3], $0x80, v3, vm0, $0xb8;
	[tilespmem:$0x1C800] =	vst v63  }
0x341: {  	s23 =	simm.s32 $0x1BC00  }
0x342: {  	[tilespmem:s23], [sflag:$0x4] =	stream.indirect_vreg.gather [hbm4b:s6+s3], $0x80, v3, vm0, $0xb8;
	[tilespmem:$0x1C800] =	vst v63  }
0x343: {  	s24 =	simm.s32 $0x1C400  }
0x344: {  	[tilespmem:s24], [sflag:$0x4] =	stream.indirect_vreg.gather [hbm4b:s7+s3], $0x80, v3, vm1, $0xb8;
	[tilespmem:$0x1C800] =	vst v63  }
0x345: {  	_ =	swait.ge [sflag:s30], $0x7000  }
0x346: {  	[sflag:s30] =	ssyncset.done $0x0  }
0x347: {  	s28 =	simm.s32 $0x800;
	s25 =	rddreg [dreg:$0x10];
	[sflag:s30] =	ssyncadd.s32 $0xFFFF9000  }
0x348: {  	[hbm4b:s25+s3] =	stream.linear.scatter [tilespmem:s28], [sflag:$0x5], $0x7000, $0x38;
	[tilespmem:$0x1C800] =	vst v63  }
0x349: {  	_ =	swait.ge [sflag:s1], $0x7000  }
0x34a: {  	[sflag:s1] =	ssyncset.done $0x0  }
0x34b: {  	s16 =	simm.s32 $0x7800;
	s26 =	rddreg [dreg:$0x11];
	[sflag:s1] =	ssyncadd.s32 $0xFFFF9000  }
0x34c: {  	[hbm4b:s26+s3] =	stream.linear.scatter [tilespmem:s16], [sflag:$0x6], $0x7000, $0x38;
	[tilespmem:$0x1C800] =	vst v63  }
0x34d: {  	_ =	swait.ge [sflag:s4], $0x7000  }
0x34e: {  	[sflag:s4] =	ssyncset.done $0x0  }
0x34f: {  	s11 =	simm.s32 $0xE800;
	s28 =	rddreg [dreg:$0x12];
	[sflag:s4] =	ssyncadd.s32 $0xFFFF9000  }
0x350: {  	[hbm4b:s28+s3] =	stream.linear.scatter [tilespmem:s11], [sflag:$0x7], $0x7000, $0x38;
	[tilespmem:$0x1C800] =	vst v63  }
0x351: {  	_ =	swait.ge [sflag:s12], $0x7000  }
0x352: {  	[sflag:s12] =	ssyncset.done $0x0  }
0x353: {  	s29 =	rddreg [dreg:$0x13];
	[sflag:s12] =	ssyncadd.s32 $0xFFFF9000  }
0x354: {  	[hbm4b:s29+s3] =	stream.linear.scatter [tilespmem:s10], [sflag:$0x8], $0x7000, $0x38;
	[tilespmem:$0x1C800] =	vst v63  }
0x355: {  	_ =	swait.ge [sflag:s31], $0x7000  }
0x356: {  	[sflag:s31] =	ssyncset.done $0x0  }
0x357: {  	[sflag:s31] =	ssyncadd.s32 $0xFFFF9000  }
0x358: {  	_ =	swait.ge [sflag:s0], $0x7000  }
0x359: {  	[sflag:s0] =	ssyncset.done $0x0  }
0x35a: {  	[sflag:s0] =	ssyncadd.s32 $0xFFFF9000  }
0x35b: {  	p0 =	sne.s32 s8, $0x1;
	_ =	swait.ge [sflag:s9], $0x7000  }
.Ltmp0:
0x35c: {  	[sflag:s9] =	ssyncset.done $0x0;
	(pc) =	sbr.rel @p0 .LBB2_1-.Ltmp0, $4  }
0x35d: {  	[sflag:s9] =	ssyncadd.s32 $0xFFFF9000  }
0x35e: {  	_ =	swait.ge [sflag:s13], $0x7000  }
0x35f: {  	[sflag:s13] =	ssyncset.done $0x0  }
0x360: {  	s8 =	sadd.s32 $0xFFFFFFFF, s8;
	[sflag:s13] =	ssyncadd.s32 $0xFFFF9000  }
0x361: {  	_ =	sfence.sel $0x180000  }
0x362: {  	[bflag:$0x0] =	sbarrier.arrive $0xFFFF  }
0x363: {  	_ =	strace $0x90000047  }
0x364: {  	s0 =	stileid.u32;
	[bflag:$0x2] =	sbarrier.arrive $0xFFFF  }
0x365: {  	p0 =	sne.s32 s0, $0x0;
	s0 =	rddreg [dreg:$0x3]  }
0x366: {  	s0 =	sadd.s32 @!p0 $0x100000, s0  }
0x367: {  	[sflag:s0] =	ssyncadd.tile.s32 @!p0 $0x1;
	_ =	shalt  }
.Lfunc_end2:
_tile_overlayer_lowered:
.L_overlay_start_2:
0x368: {  	(tag) =	ssettag $0x2  }
0x369: {  	s0 =	rddreg [dreg:$0x0];
	s2 =	stileid.u32  }
0x36a: {  	s1 =	rddreg [dreg:$0x1];
	p0 =	sne.s32 s2, $0x0  }
0x36b: {  	s3 =	rddreg [dreg:$0x2];
	[bflag:$0x3] =	sbarrier.arrive $0xFFFF;
	s2 =	simm.s32 @!p0 $0x1C09  }
0x36c: {  	[timem:s3], [sflag:s2] =	dma.local @!p0 [hbm:s0], s1  }
0x36d: {  	s0 =	simm.s32 @!p0 $0x9  }
0x36e: {  	_ =	swait.ge @!p0 [sflag:s0], s1  }
0x36f: {  	s1 =	ssub.s32 @!p0 $0x0, s1;
	[sflag:s0] =	ssyncset.done @!p0 $0x0  }
0x370: {  	[sflag:s0] =	ssyncadd.s32 @!p0 s1  }
0x371: {  	[bflag:$0x3] =	sbarrier.arrive $0xFFFF  }
0x372: {  	_ =	shalt  }

</sc_bundles>
